<compile_context>
chip_gen: v7x
topology: tpu7x:2x2x1
jax: 0.10.2.dev20260603
libtpu: 0.0.44.dev20260713+nightly
codegen_flags: <defaults>
</compile_context>

<pallas_src>
import functools

import jax
import jax.numpy as jnp
from jax import lax
from jax.experimental import pallas as pl
from jax.experimental.pallas import tpu as pltpu
from jax.experimental.pallas import tpu_sc as plsc

N = 10000
E = 320000
D_IN = 128
H1 = 64
H2 = 32
W = 64

NC = 2
NS = 16
NW = NC * NS
CHUNK = 128
BLK = 8
NBLK = 10
NCHUNK = BLK * NBLK
E_PAD = NW * CHUNK * NCHUNK
N_PAD = 10240
RPS = N_PAD // NS
L = 16

_MESH = plsc.VectorSubcoreMesh(core_axis_name="c", subcore_axis_name="s")
_SC_PARAMS = pltpu.CompilerParams(needs_layout_passes=False,
                                  use_tc_tiling_on_sc=False)



def _deg_body(dst_hbm, out_hbm, dst_v, deg_v):
    c = lax.axis_index("c")
    s = lax.axis_index("s")
    wid = c * NS + s
    pltpu.sync_copy(dst_hbm.at[wid], dst_v)

    def zero(i, carry):
        deg_v[pl.ds(i * L, L)] = jnp.zeros((L,), jnp.float32)
        return carry

    lax.fori_loop(0, N_PAD // L, zero, 0)

    ones = jnp.ones((L,), jnp.float32)

    def body(i, carry):
        j = i // (CHUNK // L)
        k = i % (CHUNK // L)
        idx = dst_v[j, pl.ds(k * L, L)]
        plsc.addupdate_scatter(deg_v, [idx], ones)
        return carry

    lax.fori_loop(0, NCHUNK * (CHUNK // L), body, 0)
    pltpu.sync_copy(deg_v, out_hbm.at[wid])


@functools.partial(
    pl.kernel,
    mesh=_MESH,
    compiler_params=_SC_PARAMS,
    out_type=jax.ShapeDtypeStruct((NW, N_PAD), jnp.float32),
    scratch_types=[
        pltpu.VMEM((NCHUNK, CHUNK), jnp.int32),
        pltpu.VMEM((N_PAD,), jnp.float32),
    ],
)
def _deg_kernel(dst_hbm, out_hbm, dst_v, deg_v):
    _deg_body(dst_hbm, out_hbm, dst_v, deg_v)


NBUF = 4
K0 = 136
K1 = 24
K_MAX = max(K0, K1)
NCH_TOT = NW * NCHUNK


def _spmm_body(h_hbm, src_hbm, dst_hbm, out_hbm,
               src_v, dst_v, bufs, acc, sems, sem_i):
    c = lax.axis_index("c")
    s = lax.axis_index("s")
    base = jnp.where(c == 0, s * K0, NS * K0 + s * K1)
    nch = jnp.where(c == 0, K0, K1)
    nb = jnp.where(c == 0, K0 // NBUF, K1 // NBUF)

    ci = pltpu.async_copy(src_hbm.at[pl.ds(base, K_MAX)], src_v, sem_i)
    cd = pltpu.async_copy(dst_hbm.at[pl.ds(base, K_MAX)], dst_v, sem_i)

    def zb(i, carry):
        bufs[0][i // (W // L), pl.ds((i % (W // L)) * L, L)] = (
            jnp.zeros((L,), jnp.float32))
        return carry

    lax.fori_loop(0, CHUNK * (W // L), zb, 0)
    for r in range(RPS // CHUNK):
        pltpu.sync_copy(bufs[0], acc.at[pl.ds(s * RPS + r * CHUNK, CHUNK)])
    ci.wait()
    cd.wait()
    plsc.subcore_barrier()

    def gather(j, u):
        return pltpu.async_copy(h_hbm.at[src_v.at[j]], bufs[u], sems[u])

    for u in range(NBUF - 1):
        gather(u, u)

    def body(t, carry):
        for u in range(NBUF):
            j = NBUF * t + u
            nxt = j + NBUF - 1

            un = (u + NBUF - 1) % NBUF

            @pl.when(nxt < nch)
            def _():
                gather(nxt, un)

            pltpu.make_async_copy(
                h_hbm.at[src_v.at[j]], bufs[u], sems[u]).wait()
            pltpu.sync_copy(bufs[u], acc.at[dst_v.at[j]], add=True)
        return carry

    lax.fori_loop(0, nb, body, 0)
    plsc.subcore_barrier()
    co = pltpu.async_copy(acc.at[pl.ds(s * RPS, CHUNK)], bufs[0], sems[0])
    for r in range(RPS // CHUNK):
        co.wait()
        if r + 1 < RPS // CHUNK:
            nco = pltpu.async_copy(
                acc.at[pl.ds(s * RPS + (r + 1) * CHUNK, CHUNK)],
                bufs[(r + 1) % 2], sems[(r + 1) % 2])
        pltpu.sync_copy(bufs[r % 2],
                        out_hbm.at[c, pl.ds(s * RPS + r * CHUNK, CHUNK)])
        if r + 1 < RPS // CHUNK:
            co = nco


@functools.partial(
    pl.kernel,
    mesh=_MESH,
    compiler_params=_SC_PARAMS,
    out_type=jax.ShapeDtypeStruct((NC, N_PAD, W), jnp.float32),
    scratch_types=[
        pltpu.VMEM((K_MAX, CHUNK), jnp.int32),
        pltpu.VMEM((K_MAX, CHUNK), jnp.int32),
        [pltpu.VMEM((CHUNK, W), jnp.float32)] * NBUF,
        pltpu.VMEM_SHARED((N_PAD, W), jnp.float32),
        [pltpu.SemaphoreType.DMA] * NBUF,
        pltpu.SemaphoreType.DMA,
    ],
)
def _spmm_kernel(h_hbm, src_hbm, dst_hbm, out_hbm,
                 src_v, dst_v, bufs, acc, sems, sem_i):
    _spmm_body(h_hbm, src_hbm, dst_hbm, out_hbm,
               src_v, dst_v, bufs, acc, sems, sem_i)



def _tc1_body(x_ref, w1_ref, deg_ref, h_ref, inv_ref):
    dsum = jnp.sum(deg_ref[...], axis=1, keepdims=True)
    inv = lax.rsqrt(jnp.maximum(dsum, 1.0))
    inv_ref[...] = inv
    h_ref[...] = jnp.dot(x_ref[...], w1_ref[...],
                         preferred_element_type=jnp.float32) * inv


def _tc2_body(p0_ref, p1_ref, inv_ref, w_ref, out_ref):
    inv = inv_ref[...]
    hidden = jnp.maximum((p0_ref[...] + p1_ref[...]) * inv, 0.0)
    out_ref[...] = jnp.dot(hidden, w_ref[...],
                           preferred_element_type=jnp.float32) * inv


def _tc3_body(zm0_ref, zm1_ref, zl0_ref, zl1_ref, inv_ref, eps_ref, z_ref):
    inv = inv_ref[...]
    zm = (zm0_ref[...] + zm1_ref[...]) * inv
    zl = (zl0_ref[...] + zl1_ref[...]) * inv
    z_ref[...] = zm + jnp.exp(0.5 * zl) * eps_ref[...]



def kernel(x, adj, W1, W_mu, W_sigma, epsilon):
    src = adj[0]
    dst = adj[1]
    pad = E_PAD - E + K_MAX * CHUNK
    src_f = jnp.concatenate([src, jnp.zeros((pad,), jnp.int32)]).reshape(
        NCH_TOT + K_MAX, CHUNK)
    dst_f = jnp.concatenate([dst, jnp.full((pad,), N, jnp.int32)]).reshape(
        NCH_TOT + K_MAX, CHUNK)
    dst3 = dst_f[:NCH_TOT].reshape(NW, NCHUNK, CHUNK)

    Wcat = jnp.concatenate([W_mu, W_sigma], axis=1)

    deg_parts = _deg_kernel(dst3)
    degT = deg_parts.T[:N]

    h0s, inv = pl.pallas_call(
        _tc1_body,
        out_shape=[
            jax.ShapeDtypeStruct((N, W), jnp.float32),
            jax.ShapeDtypeStruct((N, 1), jnp.float32),
        ],
    )(x, W1, degT)

    p = _spmm_kernel(h0s, src_f, dst_f)

    h2s = pl.pallas_call(
        _tc2_body,
        out_shape=jax.ShapeDtypeStruct((N, W), jnp.float32),
    )(p[0, :N], p[1, :N], inv, Wcat)

    q = _spmm_kernel(h2s, src_f, dst_f)

    Z = pl.pallas_call(
        _tc3_body,
        out_shape=jax.ShapeDtypeStruct((N, H2), jnp.float32),
    )(q[0, :N, :H2], q[1, :N, :H2], q[0, :N, H2:H1], q[1, :N, H2:H1],
      inv, epsilon)
    return Z

# --- scband reference (transcript-rebuilt; emitter-appended) ---
"""Pipeline reference for scband-hvoencoder-22574348108046 (READ-ONLY COPY).

The authoritative reference and input builder live on the scoring server;
editing this copy changes nothing except your own understanding.
"""

import jax, jax.numpy as jnp
import numpy as np

N = 10000
E = 320000
D_IN = 128
H1 = 64
H2 = 32


def setup_inputs(seed: int = 0) -> dict:
    key = jax.random.key(seed)
    k1, k2, k3, k4, k5, k6 = jax.random.split(key, 6)
    x = jax.random.normal(k1, (N, D_IN), dtype=jnp.float32)
    # adjacency given as COO edge_index [2, E]; int32 used for portability (values < N)
    edge_index = jax.random.randint(k2, (2, E), 0, N, dtype=jnp.int32)
    # GaussianGCNEncoder parameters (2-layer GCN trunk branching to mean/logstd heads)
    W1 = jax.random.normal(k3, (D_IN, H1), dtype=jnp.float32) * (1.0 / np.sqrt(D_IN))
    W_mu = jax.random.normal(k4, (H1, H2), dtype=jnp.float32) * (1.0 / np.sqrt(H1))
    W_sigma = jax.random.normal(k5, (H1, H2), dtype=jnp.float32) * (1.0 / np.sqrt(H1))
    # explicit reparameterization noise (torch.randn_like made deterministic)
    epsilon = jax.random.normal(k6, (N, H2), dtype=jnp.float32)
    return {"x": x, "adj": edge_index, "W1": W1, "W_mu": W_mu, "W_sigma": W_sigma, "epsilon": epsilon}


def _spmm(h, src, dst, inv_sqrt_deg):
    # normalized sparse adjacency matmul: out = A_hat @ h  (gather + scatter-add)
    coef = (inv_sqrt_deg[src] * inv_sqrt_deg[dst])[:, None]
    msg = h[src] * coef
    return jax.ops.segment_sum(msg, dst, num_segments=N)


def reference(x, adj, W1, W_mu, W_sigma, epsilon):
    src = adj[0]
    dst = adj[1]
    deg = jax.ops.segment_sum(jnp.ones((E,), dtype=jnp.float32), dst, num_segments=N)
    inv_sqrt_deg = 1.0 / jnp.sqrt(jnp.maximum(deg, 1.0))
    # GCN layer 1 with relu act
    hidden = jax.nn.relu(_spmm(x @ W1, src, dst, inv_sqrt_deg))
    # mean / logstd heads (K=1, so pi_k is unused)
    z_mean = _spmm(hidden @ W_mu, src, dst, inv_sqrt_deg)
    z_log_std = _spmm(hidden @ W_sigma, src, dst, inv_sqrt_deg)
    # sample_z, K==1 training branch: mean + exp(0.5*logvar) * epsilon
    Z = z_mean + jnp.exp(0.5 * z_log_std) * epsilon
    return Z

if __name__ == "__main__":
    import jax
    _d = setup_inputs()
    print(jax.jit(kernel)(*tuple(_d.values())))

</pallas_src>

<mosaic_0001>
#map = affine_map<(d0, d1) -> (0, 0)>
#map1 = affine_map<(d0, d1) -> (0, 0, 0)>
module attributes {stable_mosaic.version = 14 : i64} {
  func.func @_spmm_kernel(%arg0: i32, %arg1: i32, %arg2: memref<10000x64xf32, #tpu.memory_space<hbm>>, %arg3: memref<2696x128xi32, #tpu.memory_space<hbm>>, %arg4: memref<2696x128xi32, #tpu.memory_space<hbm>>, %arg5: memref<2x10240x64xf32, #tpu.memory_space<hbm>>, %arg6: memref<136x128xi32, #tpu.memory_space<vmem>>, %arg7: memref<136x128xi32, #tpu.memory_space<vmem>>, %arg8: memref<128x64xf32, #tpu.memory_space<vmem>>, %arg9: memref<128x64xf32, #tpu.memory_space<vmem>>, %arg10: memref<128x64xf32, #tpu.memory_space<vmem>>, %arg11: memref<128x64xf32, #tpu.memory_space<vmem>>, %arg12: memref<10240x64xf32, #tpu.memory_space<vmem_shared>>, %arg13: memref<!tpu.dma_semaphore, #tpu.memory_space<semaphore_mem>>, %arg14: memref<!tpu.dma_semaphore, #tpu.memory_space<semaphore_mem>>, %arg15: memref<!tpu.dma_semaphore, #tpu.memory_space<semaphore_mem>>, %arg16: memref<!tpu.dma_semaphore, #tpu.memory_space<semaphore_mem>>, %arg17: memref<!tpu.dma_semaphore, #tpu.memory_space<semaphore_mem>>) attributes {dimension_semantics = [#tpu.dimension_semantics<core_parallel>, #tpu.dimension_semantics<subcore_parallel>], iteration_bounds = array<i64: 2, 16>, scalar_prefetch = 0 : i64, scratch_operands = 12 : i64, tpu.core_type = #tpu.core_type<sc_vector_subcore>, window_params = [{transform_indices = #map}, {transform_indices = #map}, {transform_indices = #map}, {transform_indices = #map1}]} {
    %eq3A = arith.constant 0 : i32
    %eq3A_0 = arith.cmpi eq, %arg0, %eq3A : i32
    %mul3A = arith.constant 136 : i32
    %mul3A_1 = arith.muli %arg1, %mul3A : i32
    %mul3A_2 = arith.constant 24 : i32
    %mul3A_3 = arith.muli %arg1, %mul3A_2 : i32
    %add3A = arith.constant 2176 : i32
    %add3A_4 = arith.addi %add3A, %mul3A_3 : i32
    %select_n3A = arith.select %eq3A_0, %mul3A_1, %add3A_4 : i32
    %eq3A_5 = arith.constant 0 : i32
    %eq3A_6 = arith.cmpi eq, %arg0, %eq3A_5 : i32
    %jit3A = arith.constant 136 : i32
    %jit3A_7 = arith.constant 24 : i32
    %select_n3A_8 = arith.select %eq3A_6, %jit3A, %jit3A_7 : i32
    %eq3A_9 = arith.constant 0 : i32
    %eq3A_10 = arith.cmpi eq, %arg0, %eq3A_9 : i32
    %jit3A_11 = arith.constant 34 : i32
    %jit3A_12 = arith.constant 6 : i32
    %select_n3A_13 = arith.select %eq3A_10, %jit3A_11, %jit3A_12 : i32
    %dma_start3A = arith.constant 0 : i32
    %dma_start3A_14 = tpu.memref_slice %arg3[%select_n3A, %dma_start3A] : memref<2696x128xi32, #tpu.memory_space<hbm>> -> memref<136x128xi32, #tpu.memory_space<hbm>>
    %dma_start3A_15 = arith.constant 0 : i32
    %dma_start3A_16 = tpu.memref_slice %arg3[%select_n3A, %dma_start3A_15] : memref<2696x128xi32, #tpu.memory_space<hbm>> -> memref<136x128xi32, #tpu.memory_space<hbm>>
    tpu.enqueue_dma source(%dma_start3A_16 : memref<136x128xi32, #tpu.memory_space<hbm>>) target(%arg6 : memref<136x128xi32, #tpu.memory_space<vmem>>) target_semaphore(%arg17 : memref<!tpu.dma_semaphore, #tpu.memory_space<semaphore_mem>>)
    %dma_start3A_17 = arith.constant 0 : i32
    %dma_start3A_18 = tpu.memref_slice %arg4[%select_n3A, %dma_start3A_17] : memref<2696x128xi32, #tpu.memory_space<hbm>> -> memref<136x128xi32, #tpu.memory_space<hbm>>
    %dma_start3A_19 = arith.constant 0 : i32
    %dma_start3A_20 = tpu.memref_slice %arg4[%select_n3A, %dma_start3A_19] : memref<2696x128xi32, #tpu.memory_space<hbm>> -> memref<136x128xi32, #tpu.memory_space<hbm>>
    tpu.enqueue_dma source(%dma_start3A_20 : memref<136x128xi32, #tpu.memory_space<hbm>>) target(%arg7 : memref<136x128xi32, #tpu.memory_space<vmem>>) target_semaphore(%arg17 : memref<!tpu.dma_semaphore, #tpu.memory_space<semaphore_mem>>)
    %scan3A = arith.constant 0 : i32
    %scan3A_21 = arith.constant 0 : i32
    %scan3A_22 = arith.constant 512 : i32
    %scan3A_23 = arith.addi %scan3A_21, %scan3A_22 : i32
    %scan3A_24 = arith.constant 1 : i32
    scf.for %scan3A_162 = %scan3A_21 to %scan3A_23 step %scan3A_24  : i32 {
      %broadcast_in_dim3A = arith.constant 0.000000e+00 : f32
      %broadcast_in_dim3A_163 = vector.broadcast %broadcast_in_dim3A : f32 to vector<16xf32>
      %jit3A_164 = arith.constant 4 : i32
      %div3A = arith.divsi %scan3A_162, %jit3A_164 : i32
      %sign3A = arith.constant 0 : i32
      %sign3A_165 = arith.cmpi sgt, %scan3A_162, %sign3A : i32
      %sign3A_166 = arith.extui %sign3A_165 : i1 to i32
      %sign3A_167 = arith.constant 0 : i32
      %sign3A_168 = arith.cmpi slt, %scan3A_162, %sign3A_167 : i32
      %sign3A_169 = arith.extui %sign3A_168 : i1 to i32
      %sign3A_170 = arith.subi %sign3A_166, %sign3A_169 : i32
      %sign3A_171 = arith.constant 0 : i32
      %sign3A_172 = arith.cmpi sgt, %jit3A_164, %sign3A_171 : i32
      %sign3A_173 = arith.extui %sign3A_172 : i1 to i32
      %sign3A_174 = arith.constant 0 : i32
      %sign3A_175 = arith.cmpi slt, %jit3A_164, %sign3A_174 : i32
      %sign3A_176 = arith.extui %sign3A_175 : i1 to i32
      %sign3A_177 = arith.subi %sign3A_173, %sign3A_176 : i32
      %ne3A = arith.cmpi ne, %sign3A_170, %sign3A_177 : i32
      %rem3A = arith.remsi %scan3A_162, %jit3A_164 : i32
      %ne3A_178 = arith.constant 0 : i32
      %ne3A_179 = arith.cmpi ne, %rem3A, %ne3A_178 : i32
      %and3A = arith.andi %ne3A, %ne3A_179 : i1
      %sub3A = arith.constant 1 : i32
      %sub3A_180 = arith.subi %div3A, %sub3A : i32
      %select_n3A_181 = arith.select %and3A, %sub3A_180, %div3A : i32
      %jit3A_182 = arith.constant 4 : i32
      %eq3A_183 = arith.constant 0 : i32
      %eq3A_184 = arith.cmpi eq, %jit3A_182, %eq3A_183 : i32
      %jit3A_185 = arith.constant 1 : i32
      %select_n3A_186 = arith.select %eq3A_184, %jit3A_185, %jit3A_182 : i32
      %rem3A_187 = arith.remsi %scan3A_162, %select_n3A_186 : i32
      %ne3A_188 = arith.constant 0 : i32
      %ne3A_189 = arith.cmpi ne, %rem3A_187, %ne3A_188 : i32
      %lt3A = arith.constant 0 : i32
      %lt3A_190 = arith.cmpi slt, %rem3A_187, %lt3A : i32
      %lt3A_191 = arith.constant 0 : i32
      %lt3A_192 = arith.cmpi slt, %select_n3A_186, %lt3A_191 : i32
      %ne3A_193 = arith.xori %lt3A_190, %lt3A_192 : i1
      %and3A_194 = arith.andi %ne3A_193, %ne3A_189 : i1
      %add3A_195 = arith.addi %rem3A_187, %select_n3A_186 : i32
      %select_n3A_196 = arith.select %and3A_194, %add3A_195, %rem3A_187 : i32
      %mul3A_197 = arith.constant 16 : i32
      %mul3A_198 = arith.muli %select_n3A_196, %mul3A_197 : i32
      %swap3A = arith.index_cast %select_n3A_181 : i32 to index
      %swap3A_199 = arith.index_cast %mul3A_198 : i32 to index
      %swap3A_200 = tpu.vector_load %arg8[%swap3A, %swap3A_199] {strides = array<i32>} : memref<128x64xf32, #tpu.memory_space<vmem>>, vector<16xf32>,
      tpu.vector_store %arg8[%swap3A, %swap3A_199], %broadcast_in_dim3A_163 {strides = array<i32>} : memref<128x64xf32, #tpu.memory_space<vmem>>, vector<16xf32>,
    }
    %scan3A_25 = arith.constant 512 : i32
    %mul3A_26 = arith.constant 640 : i32
    %mul3A_27 = arith.muli %arg1, %mul3A_26 : i32
    %add3A_28 = arith.constant 0 : i32
    %add3A_29 = arith.addi %mul3A_27, %add3A_28 : i32
    "tpu.region"() ({
      %run_scoped3A = tpu.sem_alloc : memref<!tpu.dma_semaphore, #tpu.memory_space<semaphore_mem>>
      %dma_start3A_162 = arith.constant 0 : i32
      %dma_start3A_163 = tpu.memref_slice %arg12[%add3A_29, %dma_start3A_162] : memref<10240x64xf32, #tpu.memory_space<vmem_shared>> -> memref<128x64xf32, #tpu.memory_space<vmem_shared>>
      %dma_start3A_164 = arith.constant 0 : i32
      %dma_start3A_165 = tpu.memref_slice %arg12[%add3A_29, %dma_start3A_164] : memref<10240x64xf32, #tpu.memory_space<vmem_shared>> -> memref<128x64xf32, #tpu.memory_space<vmem_shared>>
      tpu.enqueue_dma source(%arg8 : memref<128x64xf32, #tpu.memory_space<vmem>>) target(%dma_start3A_165 : memref<128x64xf32, #tpu.memory_space<vmem_shared>>) target_semaphore(%run_scoped3A : memref<!tpu.dma_semaphore, #tpu.memory_space<semaphore_mem>>)
      %dma_wait3A_166 = arith.constant 0 : i32
      %dma_wait3A_167 = tpu.memref_slice %arg12[%add3A_29, %dma_wait3A_166] : memref<10240x64xf32, #tpu.memory_space<vmem_shared>> -> memref<128x64xf32, #tpu.memory_space<vmem_shared>>
      %dma_wait3A_168 = arith.constant 0 : i32
      %dma_wait3A_169 = tpu.memref_slice %arg12[%add3A_29, %dma_wait3A_168] : memref<10240x64xf32, #tpu.memory_space<vmem_shared>> -> memref<128x64xf32, #tpu.memory_space<vmem_shared>>
      tpu.wait_dma2 semaphore(%run_scoped3A : memref<!tpu.dma_semaphore, #tpu.memory_space<semaphore_mem>>) src(%arg8 : memref<128x64xf32, #tpu.memory_space<vmem>>) dst(%dma_wait3A_169 : memref<128x64xf32, #tpu.memory_space<vmem_shared>>)
      tpu.yield
    }) : () -> ()
    %mul3A_30 = arith.constant 640 : i32
    %mul3A_31 = arith.muli %arg1, %mul3A_30 : i32
    %add3A_32 = arith.constant 128 : i32
    %add3A_33 = arith.addi %mul3A_31, %add3A_32 : i32
    "tpu.region"() ({
      %run_scoped3A = tpu.sem_alloc : memref<!tpu.dma_semaphore, #tpu.memory_space<semaphore_mem>>
      %dma_start3A_162 = arith.constant 0 : i32
      %dma_start3A_163 = tpu.memref_slice %arg12[%add3A_33, %dma_start3A_162] : memref<10240x64xf32, #tpu.memory_space<vmem_shared>> -> memref<128x64xf32, #tpu.memory_space<vmem_shared>>
      %dma_start3A_164 = arith.constant 0 : i32
      %dma_start3A_165 = tpu.memref_slice %arg12[%add3A_33, %dma_start3A_164] : memref<10240x64xf32, #tpu.memory_space<vmem_shared>> -> memref<128x64xf32, #tpu.memory_space<vmem_shared>>
      tpu.enqueue_dma source(%arg8 : memref<128x64xf32, #tpu.memory_space<vmem>>) target(%dma_start3A_165 : memref<128x64xf32, #tpu.memory_space<vmem_shared>>) target_semaphore(%run_scoped3A : memref<!tpu.dma_semaphore, #tpu.memory_space<semaphore_mem>>)
      %dma_wait3A_166 = arith.constant 0 : i32
      %dma_wait3A_167 = tpu.memref_slice %arg12[%add3A_33, %dma_wait3A_166] : memref<10240x64xf32, #tpu.memory_space<vmem_shared>> -> memref<128x64xf32, #tpu.memory_space<vmem_shared>>
      %dma_wait3A_168 = arith.constant 0 : i32
      %dma_wait3A_169 = tpu.memref_slice %arg12[%add3A_33, %dma_wait3A_168] : memref<10240x64xf32, #tpu.memory_space<vmem_shared>> -> memref<128x64xf32, #tpu.memory_space<vmem_shared>>
      tpu.wait_dma2 semaphore(%run_scoped3A : memref<!tpu.dma_semaphore, #tpu.memory_space<semaphore_mem>>) src(%arg8 : memref<128x64xf32, #tpu.memory_space<vmem>>) dst(%dma_wait3A_169 : memref<128x64xf32, #tpu.memory_space<vmem_shared>>)
      tpu.yield
    }) : () -> ()
    %mul3A_34 = arith.constant 640 : i32
    %mul3A_35 = arith.muli %arg1, %mul3A_34 : i32
    %add3A_36 = arith.constant 256 : i32
    %add3A_37 = arith.addi %mul3A_35, %add3A_36 : i32
    "tpu.region"() ({
      %run_scoped3A = tpu.sem_alloc : memref<!tpu.dma_semaphore, #tpu.memory_space<semaphore_mem>>
      %dma_start3A_162 = arith.constant 0 : i32
      %dma_start3A_163 = tpu.memref_slice %arg12[%add3A_37, %dma_start3A_162] : memref<10240x64xf32, #tpu.memory_space<vmem_shared>> -> memref<128x64xf32, #tpu.memory_space<vmem_shared>>
      %dma_start3A_164 = arith.constant 0 : i32
      %dma_start3A_165 = tpu.memref_slice %arg12[%add3A_37, %dma_start3A_164] : memref<10240x64xf32, #tpu.memory_space<vmem_shared>> -> memref<128x64xf32, #tpu.memory_space<vmem_shared>>
      tpu.enqueue_dma source(%arg8 : memref<128x64xf32, #tpu.memory_space<vmem>>) target(%dma_start3A_165 : memref<128x64xf32, #tpu.memory_space<vmem_shared>>) target_semaphore(%run_scoped3A : memref<!tpu.dma_semaphore, #tpu.memory_space<semaphore_mem>>)
      %dma_wait3A_166 = arith.constant 0 : i32
      %dma_wait3A_167 = tpu.memref_slice %arg12[%add3A_37, %dma_wait3A_166] : memref<10240x64xf32, #tpu.memory_space<vmem_shared>> -> memref<128x64xf32, #tpu.memory_space<vmem_shared>>
      %dma_wait3A_168 = arith.constant 0 : i32
      %dma_wait3A_169 = tpu.memref_slice %arg12[%add3A_37, %dma_wait3A_168] : memref<10240x64xf32, #tpu.memory_space<vmem_shared>> -> memref<128x64xf32, #tpu.memory_space<vmem_shared>>
      tpu.wait_dma2 semaphore(%run_scoped3A : memref<!tpu.dma_semaphore, #tpu.memory_space<semaphore_mem>>) src(%arg8 : memref<128x64xf32, #tpu.memory_space<vmem>>) dst(%dma_wait3A_169 : memref<128x64xf32, #tpu.memory_space<vmem_shared>>)
      tpu.yield
    }) : () -> ()
    %mul3A_38 = arith.constant 640 : i32
    %mul3A_39 = arith.muli %arg1, %mul3A_38 : i32
    %add3A_40 = arith.constant 384 : i32
    %add3A_41 = arith.addi %mul3A_39, %add3A_40 : i32
    "tpu.region"() ({
      %run_scoped3A = tpu.sem_alloc : memref<!tpu.dma_semaphore, #tpu.memory_space<semaphore_mem>>
      %dma_start3A_162 = arith.constant 0 : i32
      %dma_start3A_163 = tpu.memref_slice %arg12[%add3A_41, %dma_start3A_162] : memref<10240x64xf32, #tpu.memory_space<vmem_shared>> -> memref<128x64xf32, #tpu.memory_space<vmem_shared>>
      %dma_start3A_164 = arith.constant 0 : i32
      %dma_start3A_165 = tpu.memref_slice %arg12[%add3A_41, %dma_start3A_164] : memref<10240x64xf32, #tpu.memory_space<vmem_shared>> -> memref<128x64xf32, #tpu.memory_space<vmem_shared>>
      tpu.enqueue_dma source(%arg8 : memref<128x64xf32, #tpu.memory_space<vmem>>) target(%dma_start3A_165 : memref<128x64xf32, #tpu.memory_space<vmem_shared>>) target_semaphore(%run_scoped3A : memref<!tpu.dma_semaphore, #tpu.memory_space<semaphore_mem>>)
      %dma_wait3A_166 = arith.constant 0 : i32
      %dma_wait3A_167 = tpu.memref_slice %arg12[%add3A_41, %dma_wait3A_166] : memref<10240x64xf32, #tpu.memory_space<vmem_shared>> -> memref<128x64xf32, #tpu.memory_space<vmem_shared>>
      %dma_wait3A_168 = arith.constant 0 : i32
      %dma_wait3A_169 = tpu.memref_slice %arg12[%add3A_41, %dma_wait3A_168] : memref<10240x64xf32, #tpu.memory_space<vmem_shared>> -> memref<128x64xf32, #tpu.memory_space<vmem_shared>>
      tpu.wait_dma2 semaphore(%run_scoped3A : memref<!tpu.dma_semaphore, #tpu.memory_space<semaphore_mem>>) src(%arg8 : memref<128x64xf32, #tpu.memory_space<vmem>>) dst(%dma_wait3A_169 : memref<128x64xf32, #tpu.memory_space<vmem_shared>>)
      tpu.yield
    }) : () -> ()
    %mul3A_42 = arith.constant 640 : i32
    %mul3A_43 = arith.muli %arg1, %mul3A_42 : i32
    %add3A_44 = arith.constant 512 : i32
    %add3A_45 = arith.addi %mul3A_43, %add3A_44 : i32
    "tpu.region"() ({
      %run_scoped3A = tpu.sem_alloc : memref<!tpu.dma_semaphore, #tpu.memory_space<semaphore_mem>>
      %dma_start3A_162 = arith.constant 0 : i32
      %dma_start3A_163 = tpu.memref_slice %arg12[%add3A_45, %dma_start3A_162] : memref<10240x64xf32, #tpu.memory_space<vmem_shared>> -> memref<128x64xf32, #tpu.memory_space<vmem_shared>>
      %dma_start3A_164 = arith.constant 0 : i32
      %dma_start3A_165 = tpu.memref_slice %arg12[%add3A_45, %dma_start3A_164] : memref<10240x64xf32, #tpu.memory_space<vmem_shared>> -> memref<128x64xf32, #tpu.memory_space<vmem_shared>>
      tpu.enqueue_dma source(%arg8 : memref<128x64xf32, #tpu.memory_space<vmem>>) target(%dma_start3A_165 : memref<128x64xf32, #tpu.memory_space<vmem_shared>>) target_semaphore(%run_scoped3A : memref<!tpu.dma_semaphore, #tpu.memory_space<semaphore_mem>>)
      %dma_wait3A_166 = arith.constant 0 : i32
      %dma_wait3A_167 = tpu.memref_slice %arg12[%add3A_45, %dma_wait3A_166] : memref<10240x64xf32, #tpu.memory_space<vmem_shared>> -> memref<128x64xf32, #tpu.memory_space<vmem_shared>>
      %dma_wait3A_168 = arith.constant 0 : i32
      %dma_wait3A_169 = tpu.memref_slice %arg12[%add3A_45, %dma_wait3A_168] : memref<10240x64xf32, #tpu.memory_space<vmem_shared>> -> memref<128x64xf32, #tpu.memory_space<vmem_shared>>
      tpu.wait_dma2 semaphore(%run_scoped3A : memref<!tpu.dma_semaphore, #tpu.memory_space<semaphore_mem>>) src(%arg8 : memref<128x64xf32, #tpu.memory_space<vmem>>) dst(%dma_wait3A_169 : memref<128x64xf32, #tpu.memory_space<vmem_shared>>)
      tpu.yield
    }) : () -> ()
    %dma_wait3A = arith.constant 0 : i32
    %dma_wait3A_46 = tpu.memref_slice %arg3[%select_n3A, %dma_wait3A] : memref<2696x128xi32, #tpu.memory_space<hbm>> -> memref<136x128xi32, #tpu.memory_space<hbm>>
    %dma_wait3A_47 = arith.constant 0 : i32
    %dma_wait3A_48 = tpu.memref_slice %arg3[%select_n3A, %dma_wait3A_47] : memref<2696x128xi32, #tpu.memory_space<hbm>> -> memref<136x128xi32, #tpu.memory_space<hbm>>
    tpu.wait_dma2 semaphore(%arg17 : memref<!tpu.dma_semaphore, #tpu.memory_space<semaphore_mem>>) src(%dma_wait3A_48 : memref<136x128xi32, #tpu.memory_space<hbm>>) dst(%arg6 : memref<136x128xi32, #tpu.memory_space<vmem>>)
    %dma_wait3A_49 = arith.constant 0 : i32
    %dma_wait3A_50 = tpu.memref_slice %arg4[%select_n3A, %dma_wait3A_49] : memref<2696x128xi32, #tpu.memory_space<hbm>> -> memref<136x128xi32, #tpu.memory_space<hbm>>
    %dma_wait3A_51 = arith.constant 0 : i32
    %dma_wait3A_52 = tpu.memref_slice %arg4[%select_n3A, %dma_wait3A_51] : memref<2696x128xi32, #tpu.memory_space<hbm>> -> memref<136x128xi32, #tpu.memory_space<hbm>>
    tpu.wait_dma2 semaphore(%arg17 : memref<!tpu.dma_semaphore, #tpu.memory_space<semaphore_mem>>) src(%dma_wait3A_52 : memref<136x128xi32, #tpu.memory_space<hbm>>) dst(%arg7 : memref<136x128xi32, #tpu.memory_space<vmem>>)
    %barrier3A = arith.constant 0 : index
    tpu.barrier barrier_id(%barrier3A)
    %dma_start3A_53 = arith.constant 0 : i32
    %dma_start3A_54 = arith.constant 0 : i32
    %dma_start3A_55 = tpu.memref_slice %arg6[%dma_start3A_53, %dma_start3A_54] : memref<136x128xi32, #tpu.memory_space<vmem>> -> memref<1x128xi32, #tpu.memory_space<vmem>>
    %dma_start3A_56 = tpu.memref_squeeze %dma_start3A_55 : memref<1x128xi32, #tpu.memory_space<vmem>> -> memref<128xi32, #tpu.memory_space<vmem>>
    %dma_start3A_57 = arith.constant 0 : i32
    %dma_start3A_58 = arith.constant 0 : i32
    %dma_start3A_59 = tpu.memref_slice %arg2[%dma_start3A_57, %dma_start3A_58] : memref<10000x64xf32, #tpu.memory_space<hbm>> -> memref<10000x64xf32, #tpu.memory_space<hbm>>
    tpu.enqueue_indirect_dma source(%dma_start3A_59 : memref<10000x64xf32, #tpu.memory_space<hbm>>) target(%arg8 : memref<128x64xf32, #tpu.memory_space<vmem>>) offsets(%dma_start3A_56 : memref<128xi32, #tpu.memory_space<vmem>>) semaphore(%arg13 : memref<!tpu.dma_semaphore, #tpu.memory_space<semaphore_mem>>)
    %dma_start3A_60 = arith.constant 1 : i32
    %dma_start3A_61 = arith.constant 0 : i32
    %dma_start3A_62 = tpu.memref_slice %arg6[%dma_start3A_60, %dma_start3A_61] : memref<136x128xi32, #tpu.memory_space<vmem>> -> memref<1x128xi32, #tpu.memory_space<vmem>>
    %dma_start3A_63 = tpu.memref_squeeze %dma_start3A_62 : memref<1x128xi32, #tpu.memory_space<vmem>> -> memref<128xi32, #tpu.memory_space<vmem>>
    %dma_start3A_64 = arith.constant 0 : i32
    %dma_start3A_65 = arith.constant 0 : i32
    %dma_start3A_66 = tpu.memref_slice %arg2[%dma_start3A_64, %dma_start3A_65] : memref<10000x64xf32, #tpu.memory_space<hbm>> -> memref<10000x64xf32, #tpu.memory_space<hbm>>
    tpu.enqueue_indirect_dma source(%dma_start3A_66 : memref<10000x64xf32, #tpu.memory_space<hbm>>) target(%arg9 : memref<128x64xf32, #tpu.memory_space<vmem>>) offsets(%dma_start3A_63 : memref<128xi32, #tpu.memory_space<vmem>>) semaphore(%arg14 : memref<!tpu.dma_semaphore, #tpu.memory_space<semaphore_mem>>)
    %dma_start3A_67 = arith.constant 2 : i32
    %dma_start3A_68 = arith.constant 0 : i32
    %dma_start3A_69 = tpu.memref_slice %arg6[%dma_start3A_67, %dma_start3A_68] : memref<136x128xi32, #tpu.memory_space<vmem>> -> memref<1x128xi32, #tpu.memory_space<vmem>>
    %dma_start3A_70 = tpu.memref_squeeze %dma_start3A_69 : memref<1x128xi32, #tpu.memory_space<vmem>> -> memref<128xi32, #tpu.memory_space<vmem>>
    %dma_start3A_71 = arith.constant 0 : i32
    %dma_start3A_72 = arith.constant 0 : i32
    %dma_start3A_73 = tpu.memref_slice %arg2[%dma_start3A_71, %dma_start3A_72] : memref<10000x64xf32, #tpu.memory_space<hbm>> -> memref<10000x64xf32, #tpu.memory_space<hbm>>
    tpu.enqueue_indirect_dma source(%dma_start3A_73 : memref<10000x64xf32, #tpu.memory_space<hbm>>) target(%arg10 : memref<128x64xf32, #tpu.memory_space<vmem>>) offsets(%dma_start3A_70 : memref<128xi32, #tpu.memory_space<vmem>>) semaphore(%arg15 : memref<!tpu.dma_semaphore, #tpu.memory_space<semaphore_mem>>)
    %while3A = arith.constant 0 : i32
    %while3A_74 = arith.constant 0 : i32
    %while3A_75 = arith.subi %select_n3A_13, %while3A_74 : i32
    %while3A_76 = arith.addi %while3A_74, %while3A_75 : i32
    %while3A_77 = arith.constant 1 : i32
    %while3A_78 = arith.divsi %while3A_75, %while3A_77 : i32
    %while3A_79 = arith.muli %while3A_78, %while3A_77 : i32
    %while3A_80 = arith.addi %while3A_74, %while3A_79 : i32
    %while3A_81 = arith.constant 1 : i32
    scf.for %while3A_162 = %while3A_74 to %while3A_80 step %while3A_81  : i32 {
      %mul3A_163 = arith.constant 4 : i32
      %mul3A_164 = arith.muli %mul3A_163, %while3A_162 : i32
      %add3A_165 = arith.constant 0 : i32
      %add3A_166 = arith.addi %mul3A_164, %add3A_165 : i32
      %add3A_167 = arith.constant 4 : i32
      %add3A_168 = arith.addi %add3A_166, %add3A_167 : i32
      %sub3A = arith.constant 1 : i32
      %sub3A_169 = arith.subi %add3A_168, %sub3A : i32
      %lt3A = arith.cmpi slt, %sub3A_169, %select_n3A_8 : i32
      %convert_element_type3A = arith.extui %lt3A : i1 to i32
      %cond3A = arith.constant 0 : i32
      %cond3A_170 = arith.cmpi ne, %convert_element_type3A, %cond3A : i32
      scf.if %cond3A_170 {
        %dma_start3A_231 = arith.constant 0 : i32
        %dma_start3A_232 = tpu.memref_slice %arg6[%sub3A_169, %dma_start3A_231] : memref<136x128xi32, #tpu.memory_space<vmem>> -> memref<1x128xi32, #tpu.memory_space<vmem>>
        %dma_start3A_233 = tpu.memref_squeeze %dma_start3A_232 : memref<1x128xi32, #tpu.memory_space<vmem>> -> memref<128xi32, #tpu.memory_space<vmem>>
        %dma_start3A_234 = arith.constant 0 : i32
        %dma_start3A_235 = arith.constant 0 : i32
        %dma_start3A_236 = tpu.memref_slice %arg2[%dma_start3A_234, %dma_start3A_235] : memref<10000x64xf32, #tpu.memory_space<hbm>> -> memref<10000x64xf32, #tpu.memory_space<hbm>>
        tpu.enqueue_indirect_dma source(%dma_start3A_236 : memref<10000x64xf32, #tpu.memory_space<hbm>>) target(%arg11 : memref<128x64xf32, #tpu.memory_space<vmem>>) offsets(%dma_start3A_233 : memref<128xi32, #tpu.memory_space<vmem>>) semaphore(%arg16 : memref<!tpu.dma_semaphore, #tpu.memory_space<semaphore_mem>>)
      } else {
      }
      %dma_wait3A_171 = arith.constant 0 : i32
      %dma_wait3A_172 = tpu.memref_slice %arg6[%add3A_166, %dma_wait3A_171] : memref<136x128xi32, #tpu.memory_space<vmem>> -> memref<1x128xi32, #tpu.memory_space<vmem>>
      %dma_wait3A_173 = tpu.memref_squeeze %dma_wait3A_172 : memref<1x128xi32, #tpu.memory_space<vmem>> -> memref<128xi32, #tpu.memory_space<vmem>>
      %dma_wait3A_174 = arith.constant 0 : i32
      %dma_wait3A_175 = arith.constant 0 : i32
      %dma_wait3A_176 = tpu.memref_slice %arg2[%dma_wait3A_174, %dma_wait3A_175] : memref<10000x64xf32, #tpu.memory_space<hbm>> -> memref<10000x64xf32, #tpu.memory_space<hbm>>
      tpu.wait_indirect_dma semaphore(%arg13 : memref<!tpu.dma_semaphore, #tpu.memory_space<semaphore_mem>>) src(%dma_wait3A_176 : memref<10000x64xf32, #tpu.memory_space<hbm>>) dst(%arg8 : memref<128x64xf32, #tpu.memory_space<vmem>>)
      "tpu.region"() ({
        %run_scoped3A = tpu.sem_alloc : memref<!tpu.dma_semaphore, #tpu.memory_space<semaphore_mem>>
        %dma_start3A_231 = arith.constant 0 : i32
        %dma_start3A_232 = tpu.memref_slice %arg7[%add3A_166, %dma_start3A_231] : memref<136x128xi32, #tpu.memory_space<vmem>> -> memref<1x128xi32, #tpu.memory_space<vmem>>
        %dma_start3A_233 = tpu.memref_squeeze %dma_start3A_232 : memref<1x128xi32, #tpu.memory_space<vmem>> -> memref<128xi32, #tpu.memory_space<vmem>>
        %dma_start3A_234 = arith.constant 0 : i32
        %dma_start3A_235 = arith.constant 0 : i32
        %dma_start3A_236 = tpu.memref_slice %arg12[%dma_start3A_234, %dma_start3A_235] : memref<10240x64xf32, #tpu.memory_space<vmem_shared>> -> memref<10240x64xf32, #tpu.memory_space<vmem_shared>>
        tpu.enqueue_indirect_dma source(%arg8 : memref<128x64xf32, #tpu.memory_space<vmem>>) target(%dma_start3A_236 : memref<10240x64xf32, #tpu.memory_space<vmem_shared>>) offsets(%dma_start3A_233 : memref<128xi32, #tpu.memory_space<vmem>>) semaphore(%run_scoped3A : memref<!tpu.dma_semaphore, #tpu.memory_space<semaphore_mem>>) {add = true}
        %dma_wait3A_237 = arith.constant 0 : i32
        %dma_wait3A_238 = tpu.memref_slice %arg7[%add3A_166, %dma_wait3A_237] : memref<136x128xi32, #tpu.memory_space<vmem>> -> memref<1x128xi32, #tpu.memory_space<vmem>>
        %dma_wait3A_239 = tpu.memref_squeeze %dma_wait3A_238 : memref<1x128xi32, #tpu.memory_space<vmem>> -> memref<128xi32, #tpu.memory_space<vmem>>
        %dma_wait3A_240 = arith.constant 0 : i32
        %dma_wait3A_241 = arith.constant 0 : i32
        %dma_wait3A_242 = tpu.memref_slice %arg12[%dma_wait3A_240, %dma_wait3A_241] : memref<10240x64xf32, #tpu.memory_space<vmem_shared>> -> memref<10240x64xf32, #tpu.memory_space<vmem_shared>>
        tpu.wait_indirect_dma semaphore(%run_scoped3A : memref<!tpu.dma_semaphore, #tpu.memory_space<semaphore_mem>>) src(%arg8 : memref<128x64xf32, #tpu.memory_space<vmem>>) dst(%dma_wait3A_242 : memref<10240x64xf32, #tpu.memory_space<vmem_shared>>)
        tpu.yield
      }) : () -> ()
      %mul3A_177 = arith.constant 4 : i32
      %mul3A_178 = arith.muli %mul3A_177, %while3A_162 : i32
      %add3A_179 = arith.constant 1 : i32
      %add3A_180 = arith.addi %mul3A_178, %add3A_179 : i32
      %add3A_181 = arith.constant 4 : i32
      %add3A_182 = arith.addi %add3A_180, %add3A_181 : i32
      %sub3A_183 = arith.constant 1 : i32
      %sub3A_184 = arith.subi %add3A_182, %sub3A_183 : i32
      %lt3A_185 = arith.cmpi slt, %sub3A_184, %select_n3A_8 : i32
      %convert_element_type3A_186 = arith.extui %lt3A_185 : i1 to i32
      %cond3A_187 = arith.constant 0 : i32
      %cond3A_188 = arith.cmpi ne, %convert_element_type3A_186, %cond3A_187 : i32
      scf.if %cond3A_188 {
        %dma_start3A_231 = arith.constant 0 : i32
        %dma_start3A_232 = tpu.memref_slice %arg6[%sub3A_184, %dma_start3A_231] : memref<136x128xi32, #tpu.memory_space<vmem>> -> memref<1x128xi32, #tpu.memory_space<vmem>>
        %dma_start3A_233 = tpu.memref_squeeze %dma_start3A_232 : memref<1x128xi32, #tpu.memory_space<vmem>> -> memref<128xi32, #tpu.memory_space<vmem>>
        %dma_start3A_234 = arith.constant 0 : i32
        %dma_start3A_235 = arith.constant 0 : i32
        %dma_start3A_236 = tpu.memref_slice %arg2[%dma_start3A_234, %dma_start3A_235] : memref<10000x64xf32, #tpu.memory_space<hbm>> -> memref<10000x64xf32, #tpu.memory_space<hbm>>
        tpu.enqueue_indirect_dma source(%dma_start3A_236 : memref<10000x64xf32, #tpu.memory_space<hbm>>) target(%arg8 : memref<128x64xf32, #tpu.memory_space<vmem>>) offsets(%dma_start3A_233 : memref<128xi32, #tpu.memory_space<vmem>>) semaphore(%arg13 : memref<!tpu.dma_semaphore, #tpu.memory_space<semaphore_mem>>)
      } else {
      }
      %dma_wait3A_189 = arith.constant 0 : i32
      %dma_wait3A_190 = tpu.memref_slice %arg6[%add3A_180, %dma_wait3A_189] : memref<136x128xi32, #tpu.memory_space<vmem>> -> memref<1x128xi32, #tpu.memory_space<vmem>>
      %dma_wait3A_191 = tpu.memref_squeeze %dma_wait3A_190 : memref<1x128xi32, #tpu.memory_space<vmem>> -> memref<128xi32, #tpu.memory_space<vmem>>
      %dma_wait3A_192 = arith.constant 0 : i32
      %dma_wait3A_193 = arith.constant 0 : i32
      %dma_wait3A_194 = tpu.memref_slice %arg2[%dma_wait3A_192, %dma_wait3A_193] : memref<10000x64xf32, #tpu.memory_space<hbm>> -> memref<10000x64xf32, #tpu.memory_space<hbm>>
      tpu.wait_indirect_dma semaphore(%arg14 : memref<!tpu.dma_semaphore, #tpu.memory_space<semaphore_mem>>) src(%dma_wait3A_194 : memref<10000x64xf32, #tpu.memory_space<hbm>>) dst(%arg9 : memref<128x64xf32, #tpu.memory_space<vmem>>)
      "tpu.region"() ({
        %run_scoped3A = tpu.sem_alloc : memref<!tpu.dma_semaphore, #tpu.memory_space<semaphore_mem>>
        %dma_start3A_231 = arith.constant 0 : i32
        %dma_start3A_232 = tpu.memref_slice %arg7[%add3A_180, %dma_start3A_231] : memref<136x128xi32, #tpu.memory_space<vmem>> -> memref<1x128xi32, #tpu.memory_space<vmem>>
        %dma_start3A_233 = tpu.memref_squeeze %dma_start3A_232 : memref<1x128xi32, #tpu.memory_space<vmem>> -> memref<128xi32, #tpu.memory_space<vmem>>
        %dma_start3A_234 = arith.constant 0 : i32
        %dma_start3A_235 = arith.constant 0 : i32
        %dma_start3A_236 = tpu.memref_slice %arg12[%dma_start3A_234, %dma_start3A_235] : memref<10240x64xf32, #tpu.memory_space<vmem_shared>> -> memref<10240x64xf32, #tpu.memory_space<vmem_shared>>
        tpu.enqueue_indirect_dma source(%arg9 : memref<128x64xf32, #tpu.memory_space<vmem>>) target(%dma_start3A_236 : memref<10240x64xf32, #tpu.memory_space<vmem_shared>>) offsets(%dma_start3A_233 : memref<128xi32, #tpu.memory_space<vmem>>) semaphore(%run_scoped3A : memref<!tpu.dma_semaphore, #tpu.memory_space<semaphore_mem>>) {add = true}
        %dma_wait3A_237 = arith.constant 0 : i32
        %dma_wait3A_238 = tpu.memref_slice %arg7[%add3A_180, %dma_wait3A_237] : memref<136x128xi32, #tpu.memory_space<vmem>> -> memref<1x128xi32, #tpu.memory_space<vmem>>
        %dma_wait3A_239 = tpu.memref_squeeze %dma_wait3A_238 : memref<1x128xi32, #tpu.memory_space<vmem>> -> memref<128xi32, #tpu.memory_space<vmem>>
        %dma_wait3A_240 = arith.constant 0 : i32
        %dma_wait3A_241 = arith.constant 0 : i32
        %dma_wait3A_242 = tpu.memref_slice %arg12[%dma_wait3A_240, %dma_wait3A_241] : memref<10240x64xf32, #tpu.memory_space<vmem_shared>> -> memref<10240x64xf32, #tpu.memory_space<vmem_shared>>
        tpu.wait_indirect_dma semaphore(%run_scoped3A : memref<!tpu.dma_semaphore, #tpu.memory_space<semaphore_mem>>) src(%arg9 : memref<128x64xf32, #tpu.memory_space<vmem>>) dst(%dma_wait3A_242 : memref<10240x64xf32, #tpu.memory_space<vmem_shared>>)
        tpu.yield
      }) : () -> ()
      %mul3A_195 = arith.constant 4 : i32
      %mul3A_196 = arith.muli %mul3A_195, %while3A_162 : i32
      %add3A_197 = arith.constant 2 : i32
      %add3A_198 = arith.addi %mul3A_196, %add3A_197 : i32
      %add3A_199 = arith.constant 4 : i32
      %add3A_200 = arith.addi %add3A_198, %add3A_199 : i32
      %sub3A_201 = arith.constant 1 : i32
      %sub3A_202 = arith.subi %add3A_200, %sub3A_201 : i32
      %lt3A_203 = arith.cmpi slt, %sub3A_202, %select_n3A_8 : i32
      %convert_element_type3A_204 = arith.extui %lt3A_203 : i1 to i32
      %cond3A_205 = arith.constant 0 : i32
      %cond3A_206 = arith.cmpi ne, %convert_element_type3A_204, %cond3A_205 : i32
      scf.if %cond3A_206 {
        %dma_start3A_231 = arith.constant 0 : i32
        %dma_start3A_232 = tpu.memref_slice %arg6[%sub3A_202, %dma_start3A_231] : memref<136x128xi32, #tpu.memory_space<vmem>> -> memref<1x128xi32, #tpu.memory_space<vmem>>
        %dma_start3A_233 = tpu.memref_squeeze %dma_start3A_232 : memref<1x128xi32, #tpu.memory_space<vmem>> -> memref<128xi32, #tpu.memory_space<vmem>>
        %dma_start3A_234 = arith.constant 0 : i32
        %dma_start3A_235 = arith.constant 0 : i32
        %dma_start3A_236 = tpu.memref_slice %arg2[%dma_start3A_234, %dma_start3A_235] : memref<10000x64xf32, #tpu.memory_space<hbm>> -> memref<10000x64xf32, #tpu.memory_space<hbm>>
        tpu.enqueue_indirect_dma source(%dma_start3A_236 : memref<10000x64xf32, #tpu.memory_space<hbm>>) target(%arg9 : memref<128x64xf32, #tpu.memory_space<vmem>>) offsets(%dma_start3A_233 : memref<128xi32, #tpu.memory_space<vmem>>) semaphore(%arg14 : memref<!tpu.dma_semaphore, #tpu.memory_space<semaphore_mem>>)
      } else {
      }
      %dma_wait3A_207 = arith.constant 0 : i32
      %dma_wait3A_208 = tpu.memref_slice %arg6[%add3A_198, %dma_wait3A_207] : memref<136x128xi32, #tpu.memory_space<vmem>> -> memref<1x128xi32, #tpu.memory_space<vmem>>
      %dma_wait3A_209 = tpu.memref_squeeze %dma_wait3A_208 : memref<1x128xi32, #tpu.memory_space<vmem>> -> memref<128xi32, #tpu.memory_space<vmem>>
      %dma_wait3A_210 = arith.constant 0 : i32
      %dma_wait3A_211 = arith.constant 0 : i32
      %dma_wait3A_212 = tpu.memref_slice %arg2[%dma_wait3A_210, %dma_wait3A_211] : memref<10000x64xf32, #tpu.memory_space<hbm>> -> memref<10000x64xf32, #tpu.memory_space<hbm>>
      tpu.wait_indirect_dma semaphore(%arg15 : memref<!tpu.dma_semaphore, #tpu.memory_space<semaphore_mem>>) src(%dma_wait3A_212 : memref<10000x64xf32, #tpu.memory_space<hbm>>) dst(%arg10 : memref<128x64xf32, #tpu.memory_space<vmem>>)
      "tpu.region"() ({
        %run_scoped3A = tpu.sem_alloc : memref<!tpu.dma_semaphore, #tpu.memory_space<semaphore_mem>>
        %dma_start3A_231 = arith.constant 0 : i32
        %dma_start3A_232 = tpu.memref_slice %arg7[%add3A_198, %dma_start3A_231] : memref<136x128xi32, #tpu.memory_space<vmem>> -> memref<1x128xi32, #tpu.memory_space<vmem>>
        %dma_start3A_233 = tpu.memref_squeeze %dma_start3A_232 : memref<1x128xi32, #tpu.memory_space<vmem>> -> memref<128xi32, #tpu.memory_space<vmem>>
        %dma_start3A_234 = arith.constant 0 : i32
        %dma_start3A_235 = arith.constant 0 : i32
        %dma_start3A_236 = tpu.memref_slice %arg12[%dma_start3A_234, %dma_start3A_235] : memref<10240x64xf32, #tpu.memory_space<vmem_shared>> -> memref<10240x64xf32, #tpu.memory_space<vmem_shared>>
        tpu.enqueue_indirect_dma source(%arg10 : memref<128x64xf32, #tpu.memory_space<vmem>>) target(%dma_start3A_236 : memref<10240x64xf32, #tpu.memory_space<vmem_shared>>) offsets(%dma_start3A_233 : memref<128xi32, #tpu.memory_space<vmem>>) semaphore(%run_scoped3A : memref<!tpu.dma_semaphore, #tpu.memory_space<semaphore_mem>>) {add = true}
        %dma_wait3A_237 = arith.constant 0 : i32
        %dma_wait3A_238 = tpu.memref_slice %arg7[%add3A_198, %dma_wait3A_237] : memref<136x128xi32, #tpu.memory_space<vmem>> -> memref<1x128xi32, #tpu.memory_space<vmem>>
        %dma_wait3A_239 = tpu.memref_squeeze %dma_wait3A_238 : memref<1x128xi32, #tpu.memory_space<vmem>> -> memref<128xi32, #tpu.memory_space<vmem>>
        %dma_wait3A_240 = arith.constant 0 : i32
        %dma_wait3A_241 = arith.constant 0 : i32
        %dma_wait3A_242 = tpu.memref_slice %arg12[%dma_wait3A_240, %dma_wait3A_241] : memref<10240x64xf32, #tpu.memory_space<vmem_shared>> -> memref<10240x64xf32, #tpu.memory_space<vmem_shared>>
        tpu.wait_indirect_dma semaphore(%run_scoped3A : memref<!tpu.dma_semaphore, #tpu.memory_space<semaphore_mem>>) src(%arg10 : memref<128x64xf32, #tpu.memory_space<vmem>>) dst(%dma_wait3A_242 : memref<10240x64xf32, #tpu.memory_space<vmem_shared>>)
        tpu.yield
      }) : () -> ()
      %mul3A_213 = arith.constant 4 : i32
      %mul3A_214 = arith.muli %mul3A_213, %while3A_162 : i32
      %add3A_215 = arith.constant 3 : i32
      %add3A_216 = arith.addi %mul3A_214, %add3A_215 : i32
      %add3A_217 = arith.constant 4 : i32
      %add3A_218 = arith.addi %add3A_216, %add3A_217 : i32
      %sub3A_219 = arith.constant 1 : i32
      %sub3A_220 = arith.subi %add3A_218, %sub3A_219 : i32
      %lt3A_221 = arith.cmpi slt, %sub3A_220, %select_n3A_8 : i32
      %convert_element_type3A_222 = arith.extui %lt3A_221 : i1 to i32
      %cond3A_223 = arith.constant 0 : i32
      %cond3A_224 = arith.cmpi ne, %convert_element_type3A_222, %cond3A_223 : i32
      scf.if %cond3A_224 {
        %dma_start3A_231 = arith.constant 0 : i32
        %dma_start3A_232 = tpu.memref_slice %arg6[%sub3A_220, %dma_start3A_231] : memref<136x128xi32, #tpu.memory_space<vmem>> -> memref<1x128xi32, #tpu.memory_space<vmem>>
        %dma_start3A_233 = tpu.memref_squeeze %dma_start3A_232 : memref<1x128xi32, #tpu.memory_space<vmem>> -> memref<128xi32, #tpu.memory_space<vmem>>
        %dma_start3A_234 = arith.constant 0 : i32
        %dma_start3A_235 = arith.constant 0 : i32
        %dma_start3A_236 = tpu.memref_slice %arg2[%dma_start3A_234, %dma_start3A_235] : memref<10000x64xf32, #tpu.memory_space<hbm>> -> memref<10000x64xf32, #tpu.memory_space<hbm>>
        tpu.enqueue_indirect_dma source(%dma_start3A_236 : memref<10000x64xf32, #tpu.memory_space<hbm>>) target(%arg10 : memref<128x64xf32, #tpu.memory_space<vmem>>) offsets(%dma_start3A_233 : memref<128xi32, #tpu.memory_space<vmem>>) semaphore(%arg15 : memref<!tpu.dma_semaphore, #tpu.memory_space<semaphore_mem>>)
      } else {
      }
      %dma_wait3A_225 = arith.constant 0 : i32
      %dma_wait3A_226 = tpu.memref_slice %arg6[%add3A_216, %dma_wait3A_225] : memref<136x128xi32, #tpu.memory_space<vmem>> -> memref<1x128xi32, #tpu.memory_space<vmem>>
      %dma_wait3A_227 = tpu.memref_squeeze %dma_wait3A_226 : memref<1x128xi32, #tpu.memory_space<vmem>> -> memref<128xi32, #tpu.memory_space<vmem>>
      %dma_wait3A_228 = arith.constant 0 : i32
      %dma_wait3A_229 = arith.constant 0 : i32
      %dma_wait3A_230 = tpu.memref_slice %arg2[%dma_wait3A_228, %dma_wait3A_229] : memref<10000x64xf32, #tpu.memory_space<hbm>> -> memref<10000x64xf32, #tpu.memory_space<hbm>>
      tpu.wait_indirect_dma semaphore(%arg16 : memref<!tpu.dma_semaphore, #tpu.memory_space<semaphore_mem>>) src(%dma_wait3A_230 : memref<10000x64xf32, #tpu.memory_space<hbm>>) dst(%arg11 : memref<128x64xf32, #tpu.memory_space<vmem>>)
      "tpu.region"() ({
        %run_scoped3A = tpu.sem_alloc : memref<!tpu.dma_semaphore, #tpu.memory_space<semaphore_mem>>
        %dma_start3A_231 = arith.constant 0 : i32
        %dma_start3A_232 = tpu.memref_slice %arg7[%add3A_216, %dma_start3A_231] : memref<136x128xi32, #tpu.memory_space<vmem>> -> memref<1x128xi32, #tpu.memory_space<vmem>>
        %dma_start3A_233 = tpu.memref_squeeze %dma_start3A_232 : memref<1x128xi32, #tpu.memory_space<vmem>> -> memref<128xi32, #tpu.memory_space<vmem>>
        %dma_start3A_234 = arith.constant 0 : i32
        %dma_start3A_235 = arith.constant 0 : i32
        %dma_start3A_236 = tpu.memref_slice %arg12[%dma_start3A_234, %dma_start3A_235] : memref<10240x64xf32, #tpu.memory_space<vmem_shared>> -> memref<10240x64xf32, #tpu.memory_space<vmem_shared>>
        tpu.enqueue_indirect_dma source(%arg11 : memref<128x64xf32, #tpu.memory_space<vmem>>) target(%dma_start3A_236 : memref<10240x64xf32, #tpu.memory_space<vmem_shared>>) offsets(%dma_start3A_233 : memref<128xi32, #tpu.memory_space<vmem>>) semaphore(%run_scoped3A : memref<!tpu.dma_semaphore, #tpu.memory_space<semaphore_mem>>) {add = true}
        %dma_wait3A_237 = arith.constant 0 : i32
        %dma_wait3A_238 = tpu.memref_slice %arg7[%add3A_216, %dma_wait3A_237] : memref<136x128xi32, #tpu.memory_space<vmem>> -> memref<1x128xi32, #tpu.memory_space<vmem>>
        %dma_wait3A_239 = tpu.memref_squeeze %dma_wait3A_238 : memref<1x128xi32, #tpu.memory_space<vmem>> -> memref<128xi32, #tpu.memory_space<vmem>>
        %dma_wait3A_240 = arith.constant 0 : i32
        %dma_wait3A_241 = arith.constant 0 : i32
        %dma_wait3A_242 = tpu.memref_slice %arg12[%dma_wait3A_240, %dma_wait3A_241] : memref<10240x64xf32, #tpu.memory_space<vmem_shared>> -> memref<10240x64xf32, #tpu.memory_space<vmem_shared>>
        tpu.wait_indirect_dma semaphore(%run_scoped3A : memref<!tpu.dma_semaphore, #tpu.memory_space<semaphore_mem>>) src(%arg11 : memref<128x64xf32, #tpu.memory_space<vmem>>) dst(%dma_wait3A_242 : memref<10240x64xf32, #tpu.memory_space<vmem_shared>>)
        tpu.yield
      }) : () -> ()
    }
    %while3A_82 = arith.constant 1 : i32
    scf.for %while3A_162 = %while3A_80 to %while3A_76 step %while3A_82  : i32 {
      %mul3A_163 = arith.constant 4 : i32
      %mul3A_164 = arith.muli %mul3A_163, %while3A_162 : i32
      %add3A_165 = arith.constant 0 : i32
      %add3A_166 = arith.addi %mul3A_164, %add3A_165 : i32
      %add3A_167 = arith.constant 4 : i32
      %add3A_168 = arith.addi %add3A_166, %add3A_167 : i32
      %sub3A = arith.constant 1 : i32
      %sub3A_169 = arith.subi %add3A_168, %sub3A : i32
      %lt3A = arith.cmpi slt, %sub3A_169, %select_n3A_8 : i32
      %convert_element_type3A = arith.extui %lt3A : i1 to i32
      %cond3A = arith.constant 0 : i32
      %cond3A_170 = arith.cmpi ne, %convert_element_type3A, %cond3A : i32
      scf.if %cond3A_170 {
        %dma_start3A_231 = arith.constant 0 : i32
        %dma_start3A_232 = tpu.memref_slice %arg6[%sub3A_169, %dma_start3A_231] : memref<136x128xi32, #tpu.memory_space<vmem>> -> memref<1x128xi32, #tpu.memory_space<vmem>>
        %dma_start3A_233 = tpu.memref_squeeze %dma_start3A_232 : memref<1x128xi32, #tpu.memory_space<vmem>> -> memref<128xi32, #tpu.memory_space<vmem>>
        %dma_start3A_234 = arith.constant 0 : i32
        %dma_start3A_235 = arith.constant 0 : i32
        %dma_start3A_236 = tpu.memref_slice %arg2[%dma_start3A_234, %dma_start3A_235] : memref<10000x64xf32, #tpu.memory_space<hbm>> -> memref<10000x64xf32, #tpu.memory_space<hbm>>
        tpu.enqueue_indirect_dma source(%dma_start3A_236 : memref<10000x64xf32, #tpu.memory_space<hbm>>) target(%arg11 : memref<128x64xf32, #tpu.memory_space<vmem>>) offsets(%dma_start3A_233 : memref<128xi32, #tpu.memory_space<vmem>>) semaphore(%arg16 : memref<!tpu.dma_semaphore, #tpu.memory_space<semaphore_mem>>)
      } else {
      }
      %dma_wait3A_171 = arith.constant 0 : i32
      %dma_wait3A_172 = tpu.memref_slice %arg6[%add3A_166, %dma_wait3A_171] : memref<136x128xi32, #tpu.memory_space<vmem>> -> memref<1x128xi32, #tpu.memory_space<vmem>>
      %dma_wait3A_173 = tpu.memref_squeeze %dma_wait3A_172 : memref<1x128xi32, #tpu.memory_space<vmem>> -> memref<128xi32, #tpu.memory_space<vmem>>
      %dma_wait3A_174 = arith.constant 0 : i32
      %dma_wait3A_175 = arith.constant 0 : i32
      %dma_wait3A_176 = tpu.memref_slice %arg2[%dma_wait3A_174, %dma_wait3A_175] : memref<10000x64xf32, #tpu.memory_space<hbm>> -> memref<10000x64xf32, #tpu.memory_space<hbm>>
      tpu.wait_indirect_dma semaphore(%arg13 : memref<!tpu.dma_semaphore, #tpu.memory_space<semaphore_mem>>) src(%dma_wait3A_176 : memref<10000x64xf32, #tpu.memory_space<hbm>>) dst(%arg8 : memref<128x64xf32, #tpu.memory_space<vmem>>)
      "tpu.region"() ({
        %run_scoped3A = tpu.sem_alloc : memref<!tpu.dma_semaphore, #tpu.memory_space<semaphore_mem>>
        %dma_start3A_231 = arith.constant 0 : i32
        %dma_start3A_232 = tpu.memref_slice %arg7[%add3A_166, %dma_start3A_231] : memref<136x128xi32, #tpu.memory_space<vmem>> -> memref<1x128xi32, #tpu.memory_space<vmem>>
        %dma_start3A_233 = tpu.memref_squeeze %dma_start3A_232 : memref<1x128xi32, #tpu.memory_space<vmem>> -> memref<128xi32, #tpu.memory_space<vmem>>
        %dma_start3A_234 = arith.constant 0 : i32
        %dma_start3A_235 = arith.constant 0 : i32
        %dma_start3A_236 = tpu.memref_slice %arg12[%dma_start3A_234, %dma_start3A_235] : memref<10240x64xf32, #tpu.memory_space<vmem_shared>> -> memref<10240x64xf32, #tpu.memory_space<vmem_shared>>
        tpu.enqueue_indirect_dma source(%arg8 : memref<128x64xf32, #tpu.memory_space<vmem>>) target(%dma_start3A_236 : memref<10240x64xf32, #tpu.memory_space<vmem_shared>>) offsets(%dma_start3A_233 : memref<128xi32, #tpu.memory_space<vmem>>) semaphore(%run_scoped3A : memref<!tpu.dma_semaphore, #tpu.memory_space<semaphore_mem>>) {add = true}
        %dma_wait3A_237 = arith.constant 0 : i32
        %dma_wait3A_238 = tpu.memref_slice %arg7[%add3A_166, %dma_wait3A_237] : memref<136x128xi32, #tpu.memory_space<vmem>> -> memref<1x128xi32, #tpu.memory_space<vmem>>
        %dma_wait3A_239 = tpu.memref_squeeze %dma_wait3A_238 : memref<1x128xi32, #tpu.memory_space<vmem>> -> memref<128xi32, #tpu.memory_space<vmem>>
        %dma_wait3A_240 = arith.constant 0 : i32
        %dma_wait3A_241 = arith.constant 0 : i32
        %dma_wait3A_242 = tpu.memref_slice %arg12[%dma_wait3A_240, %dma_wait3A_241] : memref<10240x64xf32, #tpu.memory_space<vmem_shared>> -> memref<10240x64xf32, #tpu.memory_space<vmem_shared>>
        tpu.wait_indirect_dma semaphore(%run_scoped3A : memref<!tpu.dma_semaphore, #tpu.memory_space<semaphore_mem>>) src(%arg8 : memref<128x64xf32, #tpu.memory_space<vmem>>) dst(%dma_wait3A_242 : memref<10240x64xf32, #tpu.memory_space<vmem_shared>>)
        tpu.yield
      }) : () -> ()
      %mul3A_177 = arith.constant 4 : i32
      %mul3A_178 = arith.muli %mul3A_177, %while3A_162 : i32
      %add3A_179 = arith.constant 1 : i32
      %add3A_180 = arith.addi %mul3A_178, %add3A_179 : i32
      %add3A_181 = arith.constant 4 : i32
      %add3A_182 = arith.addi %add3A_180, %add3A_181 : i32
      %sub3A_183 = arith.constant 1 : i32
      %sub3A_184 = arith.subi %add3A_182, %sub3A_183 : i32
      %lt3A_185 = arith.cmpi slt, %sub3A_184, %select_n3A_8 : i32
      %convert_element_type3A_186 = arith.extui %lt3A_185 : i1 to i32
      %cond3A_187 = arith.constant 0 : i32
      %cond3A_188 = arith.cmpi ne, %convert_element_type3A_186, %cond3A_187 : i32
      scf.if %cond3A_188 {
        %dma_start3A_231 = arith.constant 0 : i32
        %dma_start3A_232 = tpu.memref_slice %arg6[%sub3A_184, %dma_start3A_231] : memref<136x128xi32, #tpu.memory_space<vmem>> -> memref<1x128xi32, #tpu.memory_space<vmem>>
        %dma_start3A_233 = tpu.memref_squeeze %dma_start3A_232 : memref<1x128xi32, #tpu.memory_space<vmem>> -> memref<128xi32, #tpu.memory_space<vmem>>
        %dma_start3A_234 = arith.constant 0 : i32
        %dma_start3A_235 = arith.constant 0 : i32
        %dma_start3A_236 = tpu.memref_slice %arg2[%dma_start3A_234, %dma_start3A_235] : memref<10000x64xf32, #tpu.memory_space<hbm>> -> memref<10000x64xf32, #tpu.memory_space<hbm>>
        tpu.enqueue_indirect_dma source(%dma_start3A_236 : memref<10000x64xf32, #tpu.memory_space<hbm>>) target(%arg8 : memref<128x64xf32, #tpu.memory_space<vmem>>) offsets(%dma_start3A_233 : memref<128xi32, #tpu.memory_space<vmem>>) semaphore(%arg13 : memref<!tpu.dma_semaphore, #tpu.memory_space<semaphore_mem>>)
      } else {
      }
      %dma_wait3A_189 = arith.constant 0 : i32
      %dma_wait3A_190 = tpu.memref_slice %arg6[%add3A_180, %dma_wait3A_189] : memref<136x128xi32, #tpu.memory_space<vmem>> -> memref<1x128xi32, #tpu.memory_space<vmem>>
      %dma_wait3A_191 = tpu.memref_squeeze %dma_wait3A_190 : memref<1x128xi32, #tpu.memory_space<vmem>> -> memref<128xi32, #tpu.memory_space<vmem>>
      %dma_wait3A_192 = arith.constant 0 : i32
      %dma_wait3A_193 = arith.constant 0 : i32
      %dma_wait3A_194 = tpu.memref_slice %arg2[%dma_wait3A_192, %dma_wait3A_193] : memref<10000x64xf32, #tpu.memory_space<hbm>> -> memref<10000x64xf32, #tpu.memory_space<hbm>>
      tpu.wait_indirect_dma semaphore(%arg14 : memref<!tpu.dma_semaphore, #tpu.memory_space<semaphore_mem>>) src(%dma_wait3A_194 : memref<10000x64xf32, #tpu.memory_space<hbm>>) dst(%arg9 : memref<128x64xf32, #tpu.memory_space<vmem>>)
      "tpu.region"() ({
        %run_scoped3A = tpu.sem_alloc : memref<!tpu.dma_semaphore, #tpu.memory_space<semaphore_mem>>
        %dma_start3A_231 = arith.constant 0 : i32
        %dma_start3A_232 = tpu.memref_slice %arg7[%add3A_180, %dma_start3A_231] : memref<136x128xi32, #tpu.memory_space<vmem>> -> memref<1x128xi32, #tpu.memory_space<vmem>>
        %dma_start3A_233 = tpu.memref_squeeze %dma_start3A_232 : memref<1x128xi32, #tpu.memory_space<vmem>> -> memref<128xi32, #tpu.memory_space<vmem>>
        %dma_start3A_234 = arith.constant 0 : i32
        %dma_start3A_235 = arith.constant 0 : i32
        %dma_start3A_236 = tpu.memref_slice %arg12[%dma_start3A_234, %dma_start3A_235] : memref<10240x64xf32, #tpu.memory_space<vmem_shared>> -> memref<10240x64xf32, #tpu.memory_space<vmem_shared>>
        tpu.enqueue_indirect_dma source(%arg9 : memref<128x64xf32, #tpu.memory_space<vmem>>) target(%dma_start3A_236 : memref<10240x64xf32, #tpu.memory_space<vmem_shared>>) offsets(%dma_start3A_233 : memref<128xi32, #tpu.memory_space<vmem>>) semaphore(%run_scoped3A : memref<!tpu.dma_semaphore, #tpu.memory_space<semaphore_mem>>) {add = true}
        %dma_wait3A_237 = arith.constant 0 : i32
        %dma_wait3A_238 = tpu.memref_slice %arg7[%add3A_180, %dma_wait3A_237] : memref<136x128xi32, #tpu.memory_space<vmem>> -> memref<1x128xi32, #tpu.memory_space<vmem>>
        %dma_wait3A_239 = tpu.memref_squeeze %dma_wait3A_238 : memref<1x128xi32, #tpu.memory_space<vmem>> -> memref<128xi32, #tpu.memory_space<vmem>>
        %dma_wait3A_240 = arith.constant 0 : i32
        %dma_wait3A_241 = arith.constant 0 : i32
        %dma_wait3A_242 = tpu.memref_slice %arg12[%dma_wait3A_240, %dma_wait3A_241] : memref<10240x64xf32, #tpu.memory_space<vmem_shared>> -> memref<10240x64xf32, #tpu.memory_space<vmem_shared>>
        tpu.wait_indirect_dma semaphore(%run_scoped3A : memref<!tpu.dma_semaphore, #tpu.memory_space<semaphore_mem>>) src(%arg9 : memref<128x64xf32, #tpu.memory_space<vmem>>) dst(%dma_wait3A_242 : memref<10240x64xf32, #tpu.memory_space<vmem_shared>>)
        tpu.yield
      }) : () -> ()
      %mul3A_195 = arith.constant 4 : i32
      %mul3A_196 = arith.muli %mul3A_195, %while3A_162 : i32
      %add3A_197 = arith.constant 2 : i32
      %add3A_198 = arith.addi %mul3A_196, %add3A_197 : i32
      %add3A_199 = arith.constant 4 : i32
      %add3A_200 = arith.addi %add3A_198, %add3A_199 : i32
      %sub3A_201 = arith.constant 1 : i32
      %sub3A_202 = arith.subi %add3A_200, %sub3A_201 : i32
      %lt3A_203 = arith.cmpi slt, %sub3A_202, %select_n3A_8 : i32
      %convert_element_type3A_204 = arith.extui %lt3A_203 : i1 to i32
      %cond3A_205 = arith.constant 0 : i32
      %cond3A_206 = arith.cmpi ne, %convert_element_type3A_204, %cond3A_205 : i32
      scf.if %cond3A_206 {
        %dma_start3A_231 = arith.constant 0 : i32
        %dma_start3A_232 = tpu.memref_slice %arg6[%sub3A_202, %dma_start3A_231] : memref<136x128xi32, #tpu.memory_space<vmem>> -> memref<1x128xi32, #tpu.memory_space<vmem>>
        %dma_start3A_233 = tpu.memref_squeeze %dma_start3A_232 : memref<1x128xi32, #tpu.memory_space<vmem>> -> memref<128xi32, #tpu.memory_space<vmem>>
        %dma_start3A_234 = arith.constant 0 : i32
        %dma_start3A_235 = arith.constant 0 : i32
        %dma_start3A_236 = tpu.memref_slice %arg2[%dma_start3A_234, %dma_start3A_235] : memref<10000x64xf32, #tpu.memory_space<hbm>> -> memref<10000x64xf32, #tpu.memory_space<hbm>>
        tpu.enqueue_indirect_dma source(%dma_start3A_236 : memref<10000x64xf32, #tpu.memory_space<hbm>>) target(%arg9 : memref<128x64xf32, #tpu.memory_space<vmem>>) offsets(%dma_start3A_233 : memref<128xi32, #tpu.memory_space<vmem>>) semaphore(%arg14 : memref<!tpu.dma_semaphore, #tpu.memory_space<semaphore_mem>>)
      } else {
      }
      %dma_wait3A_207 = arith.constant 0 : i32
      %dma_wait3A_208 = tpu.memref_slice %arg6[%add3A_198, %dma_wait3A_207] : memref<136x128xi32, #tpu.memory_space<vmem>> -> memref<1x128xi32, #tpu.memory_space<vmem>>
      %dma_wait3A_209 = tpu.memref_squeeze %dma_wait3A_208 : memref<1x128xi32, #tpu.memory_space<vmem>> -> memref<128xi32, #tpu.memory_space<vmem>>
      %dma_wait3A_210 = arith.constant 0 : i32
      %dma_wait3A_211 = arith.constant 0 : i32
      %dma_wait3A_212 = tpu.memref_slice %arg2[%dma_wait3A_210, %dma_wait3A_211] : memref<10000x64xf32, #tpu.memory_space<hbm>> -> memref<10000x64xf32, #tpu.memory_space<hbm>>
      tpu.wait_indirect_dma semaphore(%arg15 : memref<!tpu.dma_semaphore, #tpu.memory_space<semaphore_mem>>) src(%dma_wait3A_212 : memref<10000x64xf32, #tpu.memory_space<hbm>>) dst(%arg10 : memref<128x64xf32, #tpu.memory_space<vmem>>)
      "tpu.region"() ({
        %run_scoped3A = tpu.sem_alloc : memref<!tpu.dma_semaphore, #tpu.memory_space<semaphore_mem>>
        %dma_start3A_231 = arith.constant 0 : i32
        %dma_start3A_232 = tpu.memref_slice %arg7[%add3A_198, %dma_start3A_231] : memref<136x128xi32, #tpu.memory_space<vmem>> -> memref<1x128xi32, #tpu.memory_space<vmem>>
        %dma_start3A_233 = tpu.memref_squeeze %dma_start3A_232 : memref<1x128xi32, #tpu.memory_space<vmem>> -> memref<128xi32, #tpu.memory_space<vmem>>
        %dma_start3A_234 = arith.constant 0 : i32
        %dma_start3A_235 = arith.constant 0 : i32
        %dma_start3A_236 = tpu.memref_slice %arg12[%dma_start3A_234, %dma_start3A_235] : memref<10240x64xf32, #tpu.memory_space<vmem_shared>> -> memref<10240x64xf32, #tpu.memory_space<vmem_shared>>
        tpu.enqueue_indirect_dma source(%arg10 : memref<128x64xf32, #tpu.memory_space<vmem>>) target(%dma_start3A_236 : memref<10240x64xf32, #tpu.memory_space<vmem_shared>>) offsets(%dma_start3A_233 : memref<128xi32, #tpu.memory_space<vmem>>) semaphore(%run_scoped3A : memref<!tpu.dma_semaphore, #tpu.memory_space<semaphore_mem>>) {add = true}
        %dma_wait3A_237 = arith.constant 0 : i32
        %dma_wait3A_238 = tpu.memref_slice %arg7[%add3A_198, %dma_wait3A_237] : memref<136x128xi32, #tpu.memory_space<vmem>> -> memref<1x128xi32, #tpu.memory_space<vmem>>
        %dma_wait3A_239 = tpu.memref_squeeze %dma_wait3A_238 : memref<1x128xi32, #tpu.memory_space<vmem>> -> memref<128xi32, #tpu.memory_space<vmem>>
        %dma_wait3A_240 = arith.constant 0 : i32
        %dma_wait3A_241 = arith.constant 0 : i32
        %dma_wait3A_242 = tpu.memref_slice %arg12[%dma_wait3A_240, %dma_wait3A_241] : memref<10240x64xf32, #tpu.memory_space<vmem_shared>> -> memref<10240x64xf32, #tpu.memory_space<vmem_shared>>
        tpu.wait_indirect_dma semaphore(%run_scoped3A : memref<!tpu.dma_semaphore, #tpu.memory_space<semaphore_mem>>) src(%arg10 : memref<128x64xf32, #tpu.memory_space<vmem>>) dst(%dma_wait3A_242 : memref<10240x64xf32, #tpu.memory_space<vmem_shared>>)
        tpu.yield
      }) : () -> ()
      %mul3A_213 = arith.constant 4 : i32
      %mul3A_214 = arith.muli %mul3A_213, %while3A_162 : i32
      %add3A_215 = arith.constant 3 : i32
      %add3A_216 = arith.addi %mul3A_214, %add3A_215 : i32
      %add3A_217 = arith.constant 4 : i32
      %add3A_218 = arith.addi %add3A_216, %add3A_217 : i32
      %sub3A_219 = arith.constant 1 : i32
      %sub3A_220 = arith.subi %add3A_218, %sub3A_219 : i32
      %lt3A_221 = arith.cmpi slt, %sub3A_220, %select_n3A_8 : i32
      %convert_element_type3A_222 = arith.extui %lt3A_221 : i1 to i32
      %cond3A_223 = arith.constant 0 : i32
      %cond3A_224 = arith.cmpi ne, %convert_element_type3A_222, %cond3A_223 : i32
      scf.if %cond3A_224 {
        %dma_start3A_231 = arith.constant 0 : i32
        %dma_start3A_232 = tpu.memref_slice %arg6[%sub3A_220, %dma_start3A_231] : memref<136x128xi32, #tpu.memory_space<vmem>> -> memref<1x128xi32, #tpu.memory_space<vmem>>
        %dma_start3A_233 = tpu.memref_squeeze %dma_start3A_232 : memref<1x128xi32, #tpu.memory_space<vmem>> -> memref<128xi32, #tpu.memory_space<vmem>>
        %dma_start3A_234 = arith.constant 0 : i32
        %dma_start3A_235 = arith.constant 0 : i32
        %dma_start3A_236 = tpu.memref_slice %arg2[%dma_start3A_234, %dma_start3A_235] : memref<10000x64xf32, #tpu.memory_space<hbm>> -> memref<10000x64xf32, #tpu.memory_space<hbm>>
        tpu.enqueue_indirect_dma source(%dma_start3A_236 : memref<10000x64xf32, #tpu.memory_space<hbm>>) target(%arg10 : memref<128x64xf32, #tpu.memory_space<vmem>>) offsets(%dma_start3A_233 : memref<128xi32, #tpu.memory_space<vmem>>) semaphore(%arg15 : memref<!tpu.dma_semaphore, #tpu.memory_space<semaphore_mem>>)
      } else {
      }
      %dma_wait3A_225 = arith.constant 0 : i32
      %dma_wait3A_226 = tpu.memref_slice %arg6[%add3A_216, %dma_wait3A_225] : memref<136x128xi32, #tpu.memory_space<vmem>> -> memref<1x128xi32, #tpu.memory_space<vmem>>
      %dma_wait3A_227 = tpu.memref_squeeze %dma_wait3A_226 : memref<1x128xi32, #tpu.memory_space<vmem>> -> memref<128xi32, #tpu.memory_space<vmem>>
      %dma_wait3A_228 = arith.constant 0 : i32
      %dma_wait3A_229 = arith.constant 0 : i32
      %dma_wait3A_230 = tpu.memref_slice %arg2[%dma_wait3A_228, %dma_wait3A_229] : memref<10000x64xf32, #tpu.memory_space<hbm>> -> memref<10000x64xf32, #tpu.memory_space<hbm>>
      tpu.wait_indirect_dma semaphore(%arg16 : memref<!tpu.dma_semaphore, #tpu.memory_space<semaphore_mem>>) src(%dma_wait3A_230 : memref<10000x64xf32, #tpu.memory_space<hbm>>) dst(%arg11 : memref<128x64xf32, #tpu.memory_space<vmem>>)
      "tpu.region"() ({
        %run_scoped3A = tpu.sem_alloc : memref<!tpu.dma_semaphore, #tpu.memory_space<semaphore_mem>>
        %dma_start3A_231 = arith.constant 0 : i32
        %dma_start3A_232 = tpu.memref_slice %arg7[%add3A_216, %dma_start3A_231] : memref<136x128xi32, #tpu.memory_space<vmem>> -> memref<1x128xi32, #tpu.memory_space<vmem>>
        %dma_start3A_233 = tpu.memref_squeeze %dma_start3A_232 : memref<1x128xi32, #tpu.memory_space<vmem>> -> memref<128xi32, #tpu.memory_space<vmem>>
        %dma_start3A_234 = arith.constant 0 : i32
        %dma_start3A_235 = arith.constant 0 : i32
        %dma_start3A_236 = tpu.memref_slice %arg12[%dma_start3A_234, %dma_start3A_235] : memref<10240x64xf32, #tpu.memory_space<vmem_shared>> -> memref<10240x64xf32, #tpu.memory_space<vmem_shared>>
        tpu.enqueue_indirect_dma source(%arg11 : memref<128x64xf32, #tpu.memory_space<vmem>>) target(%dma_start3A_236 : memref<10240x64xf32, #tpu.memory_space<vmem_shared>>) offsets(%dma_start3A_233 : memref<128xi32, #tpu.memory_space<vmem>>) semaphore(%run_scoped3A : memref<!tpu.dma_semaphore, #tpu.memory_space<semaphore_mem>>) {add = true}
        %dma_wait3A_237 = arith.constant 0 : i32
        %dma_wait3A_238 = tpu.memref_slice %arg7[%add3A_216, %dma_wait3A_237] : memref<136x128xi32, #tpu.memory_space<vmem>> -> memref<1x128xi32, #tpu.memory_space<vmem>>
        %dma_wait3A_239 = tpu.memref_squeeze %dma_wait3A_238 : memref<1x128xi32, #tpu.memory_space<vmem>> -> memref<128xi32, #tpu.memory_space<vmem>>
        %dma_wait3A_240 = arith.constant 0 : i32
        %dma_wait3A_241 = arith.constant 0 : i32
        %dma_wait3A_242 = tpu.memref_slice %arg12[%dma_wait3A_240, %dma_wait3A_241] : memref<10240x64xf32, #tpu.memory_space<vmem_shared>> -> memref<10240x64xf32, #tpu.memory_space<vmem_shared>>
        tpu.wait_indirect_dma semaphore(%run_scoped3A : memref<!tpu.dma_semaphore, #tpu.memory_space<semaphore_mem>>) src(%arg11 : memref<128x64xf32, #tpu.memory_space<vmem>>) dst(%dma_wait3A_242 : memref<10240x64xf32, #tpu.memory_space<vmem_shared>>)
        tpu.yield
      }) : () -> ()
    }
    %barrier3A_83 = arith.constant 0 : index
    tpu.barrier barrier_id(%barrier3A_83)
    %mul3A_84 = arith.constant 640 : i32
    %mul3A_85 = arith.muli %arg1, %mul3A_84 : i32
    %dma_start3A_86 = arith.constant 0 : i32
    %dma_start3A_87 = tpu.memref_slice %arg12[%mul3A_85, %dma_start3A_86] : memref<10240x64xf32, #tpu.memory_space<vmem_shared>> -> memref<128x64xf32, #tpu.memory_space<vmem_shared>>
    %dma_start3A_88 = arith.constant 0 : i32
    %dma_start3A_89 = tpu.memref_slice %arg12[%mul3A_85, %dma_start3A_88] : memref<10240x64xf32, #tpu.memory_space<vmem_shared>> -> memref<128x64xf32, #tpu.memory_space<vmem_shared>>
    tpu.enqueue_dma source(%dma_start3A_89 : memref<128x64xf32, #tpu.memory_space<vmem_shared>>) target(%arg8 : memref<128x64xf32, #tpu.memory_space<vmem>>) target_semaphore(%arg13 : memref<!tpu.dma_semaphore, #tpu.memory_space<semaphore_mem>>)
    %dma_wait3A_90 = arith.constant 0 : i32
    %dma_wait3A_91 = tpu.memref_slice %arg12[%mul3A_85, %dma_wait3A_90] : memref<10240x64xf32, #tpu.memory_space<vmem_shared>> -> memref<128x64xf32, #tpu.memory_space<vmem_shared>>
    %dma_wait3A_92 = arith.constant 0 : i32
    %dma_wait3A_93 = tpu.memref_slice %arg12[%mul3A_85, %dma_wait3A_92] : memref<10240x64xf32, #tpu.memory_space<vmem_shared>> -> memref<128x64xf32, #tpu.memory_space<vmem_shared>>
    tpu.wait_dma2 semaphore(%arg13 : memref<!tpu.dma_semaphore, #tpu.memory_space<semaphore_mem>>) src(%dma_wait3A_93 : memref<128x64xf32, #tpu.memory_space<vmem_shared>>) dst(%arg8 : memref<128x64xf32, #tpu.memory_space<vmem>>)
    %mul3A_94 = arith.constant 640 : i32
    %mul3A_95 = arith.muli %arg1, %mul3A_94 : i32
    %add3A_96 = arith.constant 128 : i32
    %add3A_97 = arith.addi %mul3A_95, %add3A_96 : i32
    %dma_start3A_98 = arith.constant 0 : i32
    %dma_start3A_99 = tpu.memref_slice %arg12[%add3A_97, %dma_start3A_98] : memref<10240x64xf32, #tpu.memory_space<vmem_shared>> -> memref<128x64xf32, #tpu.memory_space<vmem_shared>>
    %dma_start3A_100 = arith.constant 0 : i32
    %dma_start3A_101 = tpu.memref_slice %arg12[%add3A_97, %dma_start3A_100] : memref<10240x64xf32, #tpu.memory_space<vmem_shared>> -> memref<128x64xf32, #tpu.memory_space<vmem_shared>>
    tpu.enqueue_dma source(%dma_start3A_101 : memref<128x64xf32, #tpu.memory_space<vmem_shared>>) target(%arg9 : memref<128x64xf32, #tpu.memory_space<vmem>>) target_semaphore(%arg14 : memref<!tpu.dma_semaphore, #tpu.memory_space<semaphore_mem>>)
    %mul3A_102 = arith.constant 640 : i32
    %mul3A_103 = arith.muli %arg1, %mul3A_102 : i32
    %add3A_104 = arith.constant 0 : i32
    %add3A_105 = arith.addi %mul3A_103, %add3A_104 : i32
    "tpu.region"() ({
      %run_scoped3A = tpu.sem_alloc : memref<!tpu.dma_semaphore, #tpu.memory_space<semaphore_mem>>
      %dma_start3A_162 = arith.constant 0 : i32
      %dma_start3A_163 = tpu.memref_slice %arg5[%arg0, %add3A_105, %dma_start3A_162] : memref<2x10240x64xf32, #tpu.memory_space<hbm>> -> memref<1x128x64xf32, #tpu.memory_space<hbm>>
      %dma_start3A_164 = tpu.memref_squeeze %dma_start3A_163 : memref<1x128x64xf32, #tpu.memory_space<hbm>> -> memref<128x64xf32, #tpu.memory_space<hbm>>
      %dma_start3A_165 = arith.constant 0 : i32
      %dma_start3A_166 = tpu.memref_slice %arg5[%arg0, %add3A_105, %dma_start3A_165] : memref<2x10240x64xf32, #tpu.memory_space<hbm>> -> memref<1x128x64xf32, #tpu.memory_space<hbm>>
      %dma_start3A_167 = tpu.memref_squeeze %dma_start3A_166 : memref<1x128x64xf32, #tpu.memory_space<hbm>> -> memref<128x64xf32, #tpu.memory_space<hbm>>
      tpu.enqueue_dma source(%arg8 : memref<128x64xf32, #tpu.memory_space<vmem>>) target(%dma_start3A_167 : memref<128x64xf32, #tpu.memory_space<hbm>>) target_semaphore(%run_scoped3A : memref<!tpu.dma_semaphore, #tpu.memory_space<semaphore_mem>>)
      %dma_wait3A_168 = arith.constant 0 : i32
      %dma_wait3A_169 = tpu.memref_slice %arg5[%arg0, %add3A_105, %dma_wait3A_168] : memref<2x10240x64xf32, #tpu.memory_space<hbm>> -> memref<1x128x64xf32, #tpu.memory_space<hbm>>
      %dma_wait3A_170 = tpu.memref_squeeze %dma_wait3A_169 : memref<1x128x64xf32, #tpu.memory_space<hbm>> -> memref<128x64xf32, #tpu.memory_space<hbm>>
      %dma_wait3A_171 = arith.constant 0 : i32
      %dma_wait3A_172 = tpu.memref_slice %arg5[%arg0, %add3A_105, %dma_wait3A_171] : memref<2x10240x64xf32, #tpu.memory_space<hbm>> -> memref<1x128x64xf32, #tpu.memory_space<hbm>>
      %dma_wait3A_173 = tpu.memref_squeeze %dma_wait3A_172 : memref<1x128x64xf32, #tpu.memory_space<hbm>> -> memref<128x64xf32, #tpu.memory_space<hbm>>
      tpu.wait_dma2 semaphore(%run_scoped3A : memref<!tpu.dma_semaphore, #tpu.memory_space<semaphore_mem>>) src(%arg8 : memref<128x64xf32, #tpu.memory_space<vmem>>) dst(%dma_wait3A_173 : memref<128x64xf32, #tpu.memory_space<hbm>>)
      tpu.yield
    }) : () -> ()
    %dma_wait3A_106 = arith.constant 0 : i32
    %dma_wait3A_107 = tpu.memref_slice %arg12[%add3A_97, %dma_wait3A_106] : memref<10240x64xf32, #tpu.memory_space<vmem_shared>> -> memref<128x64xf32, #tpu.memory_space<vmem_shared>>
    %dma_wait3A_108 = arith.constant 0 : i32
    %dma_wait3A_109 = tpu.memref_slice %arg12[%add3A_97, %dma_wait3A_108] : memref<10240x64xf32, #tpu.memory_space<vmem_shared>> -> memref<128x64xf32, #tpu.memory_space<vmem_shared>>
    tpu.wait_dma2 semaphore(%arg14 : memref<!tpu.dma_semaphore, #tpu.memory_space<semaphore_mem>>) src(%dma_wait3A_109 : memref<128x64xf32, #tpu.memory_space<vmem_shared>>) dst(%arg9 : memref<128x64xf32, #tpu.memory_space<vmem>>)
    %mul3A_110 = arith.constant 640 : i32
    %mul3A_111 = arith.muli %arg1, %mul3A_110 : i32
    %add3A_112 = arith.constant 256 : i32
    %add3A_113 = arith.addi %mul3A_111, %add3A_112 : i32
    %dma_start3A_114 = arith.constant 0 : i32
    %dma_start3A_115 = tpu.memref_slice %arg12[%add3A_113, %dma_start3A_114] : memref<10240x64xf32, #tpu.memory_space<vmem_shared>> -> memref<128x64xf32, #tpu.memory_space<vmem_shared>>
    %dma_start3A_116 = arith.constant 0 : i32
    %dma_start3A_117 = tpu.memref_slice %arg12[%add3A_113, %dma_start3A_116] : memref<10240x64xf32, #tpu.memory_space<vmem_shared>> -> memref<128x64xf32, #tpu.memory_space<vmem_shared>>
    tpu.enqueue_dma source(%dma_start3A_117 : memref<128x64xf32, #tpu.memory_space<vmem_shared>>) target(%arg8 : memref<128x64xf32, #tpu.memory_space<vmem>>) target_semaphore(%arg13 : memref<!tpu.dma_semaphore, #tpu.memory_space<semaphore_mem>>)
    %mul3A_118 = arith.constant 640 : i32
    %mul3A_119 = arith.muli %arg1, %mul3A_118 : i32
    %add3A_120 = arith.constant 128 : i32
    %add3A_121 = arith.addi %mul3A_119, %add3A_120 : i32
    "tpu.region"() ({
      %run_scoped3A = tpu.sem_alloc : memref<!tpu.dma_semaphore, #tpu.memory_space<semaphore_mem>>
      %dma_start3A_162 = arith.constant 0 : i32
      %dma_start3A_163 = tpu.memref_slice %arg5[%arg0, %add3A_121, %dma_start3A_162] : memref<2x10240x64xf32, #tpu.memory_space<hbm>> -> memref<1x128x64xf32, #tpu.memory_space<hbm>>
      %dma_start3A_164 = tpu.memref_squeeze %dma_start3A_163 : memref<1x128x64xf32, #tpu.memory_space<hbm>> -> memref<128x64xf32, #tpu.memory_space<hbm>>
      %dma_start3A_165 = arith.constant 0 : i32
      %dma_start3A_166 = tpu.memref_slice %arg5[%arg0, %add3A_121, %dma_start3A_165] : memref<2x10240x64xf32, #tpu.memory_space<hbm>> -> memref<1x128x64xf32, #tpu.memory_space<hbm>>
      %dma_start3A_167 = tpu.memref_squeeze %dma_start3A_166 : memref<1x128x64xf32, #tpu.memory_space<hbm>> -> memref<128x64xf32, #tpu.memory_space<hbm>>
      tpu.enqueue_dma source(%arg9 : memref<128x64xf32, #tpu.memory_space<vmem>>) target(%dma_start3A_167 : memref<128x64xf32, #tpu.memory_space<hbm>>) target_semaphore(%run_scoped3A : memref<!tpu.dma_semaphore, #tpu.memory_space<semaphore_mem>>)
      %dma_wait3A_168 = arith.constant 0 : i32
      %dma_wait3A_169 = tpu.memref_slice %arg5[%arg0, %add3A_121, %dma_wait3A_168] : memref<2x10240x64xf32, #tpu.memory_space<hbm>> -> memref<1x128x64xf32, #tpu.memory_space<hbm>>
      %dma_wait3A_170 = tpu.memref_squeeze %dma_wait3A_169 : memref<1x128x64xf32, #tpu.memory_space<hbm>> -> memref<128x64xf32, #tpu.memory_space<hbm>>
      %dma_wait3A_171 = arith.constant 0 : i32
      %dma_wait3A_172 = tpu.memref_slice %arg5[%arg0, %add3A_121, %dma_wait3A_171] : memref<2x10240x64xf32, #tpu.memory_space<hbm>> -> memref<1x128x64xf32, #tpu.memory_space<hbm>>
      %dma_wait3A_173 = tpu.memref_squeeze %dma_wait3A_172 : memref<1x128x64xf32, #tpu.memory_space<hbm>> -> memref<128x64xf32, #tpu.memory_space<hbm>>
      tpu.wait_dma2 semaphore(%run_scoped3A : memref<!tpu.dma_semaphore, #tpu.memory_space<semaphore_mem>>) src(%arg9 : memref<128x64xf32, #tpu.memory_space<vmem>>) dst(%dma_wait3A_173 : memref<128x64xf32, #tpu.memory_space<hbm>>)
      tpu.yield
    }) : () -> ()
    %dma_wait3A_122 = arith.constant 0 : i32
    %dma_wait3A_123 = tpu.memref_slice %arg12[%add3A_113, %dma_wait3A_122] : memref<10240x64xf32, #tpu.memory_space<vmem_shared>> -> memref<128x64xf32, #tpu.memory_space<vmem_shared>>
    %dma_wait3A_124 = arith.constant 0 : i32
    %dma_wait3A_125 = tpu.memref_slice %arg12[%add3A_113, %dma_wait3A_124] : memref<10240x64xf32, #tpu.memory_space<vmem_shared>> -> memref<128x64xf32, #tpu.memory_space<vmem_shared>>
    tpu.wait_dma2 semaphore(%arg13 : memref<!tpu.dma_semaphore, #tpu.memory_space<semaphore_mem>>) src(%dma_wait3A_125 : memref<128x64xf32, #tpu.memory_space<vmem_shared>>) dst(%arg8 : memref<128x64xf32, #tpu.memory_space<vmem>>)
    %mul3A_126 = arith.constant 640 : i32
    %mul3A_127 = arith.muli %arg1, %mul3A_126 : i32
    %add3A_128 = arith.constant 384 : i32
    %add3A_129 = arith.addi %mul3A_127, %add3A_128 : i32
    %dma_start3A_130 = arith.constant 0 : i32
    %dma_start3A_131 = tpu.memref_slice %arg12[%add3A_129, %dma_start3A_130] : memref<10240x64xf32, #tpu.memory_space<vmem_shared>> -> memref<128x64xf32, #tpu.memory_space<vmem_shared>>
    %dma_start3A_132 = arith.constant 0 : i32
    %dma_start3A_133 = tpu.memref_slice %arg12[%add3A_129, %dma_start3A_132] : memref<10240x64xf32, #tpu.memory_space<vmem_shared>> -> memref<128x64xf32, #tpu.memory_space<vmem_shared>>
    tpu.enqueue_dma source(%dma_start3A_133 : memref<128x64xf32, #tpu.memory_space<vmem_shared>>) target(%arg9 : memref<128x64xf32, #tpu.memory_space<vmem>>) target_semaphore(%arg14 : memref<!tpu.dma_semaphore, #tpu.memory_space<semaphore_mem>>)
    %mul3A_134 = arith.constant 640 : i32
    %mul3A_135 = arith.muli %arg1, %mul3A_134 : i32
    %add3A_136 = arith.constant 256 : i32
    %add3A_137 = arith.addi %mul3A_135, %add3A_136 : i32
    "tpu.region"() ({
      %run_scoped3A = tpu.sem_alloc : memref<!tpu.dma_semaphore, #tpu.memory_space<semaphore_mem>>
      %dma_start3A_162 = arith.constant 0 : i32
      %dma_start3A_163 = tpu.memref_slice %arg5[%arg0, %add3A_137, %dma_start3A_162] : memref<2x10240x64xf32, #tpu.memory_space<hbm>> -> memref<1x128x64xf32, #tpu.memory_space<hbm>>
      %dma_start3A_164 = tpu.memref_squeeze %dma_start3A_163 : memref<1x128x64xf32, #tpu.memory_space<hbm>> -> memref<128x64xf32, #tpu.memory_space<hbm>>
      %dma_start3A_165 = arith.constant 0 : i32
      %dma_start3A_166 = tpu.memref_slice %arg5[%arg0, %add3A_137, %dma_start3A_165] : memref<2x10240x64xf32, #tpu.memory_space<hbm>> -> memref<1x128x64xf32, #tpu.memory_space<hbm>>
      %dma_start3A_167 = tpu.memref_squeeze %dma_start3A_166 : memref<1x128x64xf32, #tpu.memory_space<hbm>> -> memref<128x64xf32, #tpu.memory_space<hbm>>
      tpu.enqueue_dma source(%arg8 : memref<128x64xf32, #tpu.memory_space<vmem>>) target(%dma_start3A_167 : memref<128x64xf32, #tpu.memory_space<hbm>>) target_semaphore(%run_scoped3A : memref<!tpu.dma_semaphore, #tpu.memory_space<semaphore_mem>>)
      %dma_wait3A_168 = arith.constant 0 : i32
      %dma_wait3A_169 = tpu.memref_slice %arg5[%arg0, %add3A_137, %dma_wait3A_168] : memref<2x10240x64xf32, #tpu.memory_space<hbm>> -> memref<1x128x64xf32, #tpu.memory_space<hbm>>
      %dma_wait3A_170 = tpu.memref_squeeze %dma_wait3A_169 : memref<1x128x64xf32, #tpu.memory_space<hbm>> -> memref<128x64xf32, #tpu.memory_space<hbm>>
      %dma_wait3A_171 = arith.constant 0 : i32
      %dma_wait3A_172 = tpu.memref_slice %arg5[%arg0, %add3A_137, %dma_wait3A_171] : memref<2x10240x64xf32, #tpu.memory_space<hbm>> -> memref<1x128x64xf32, #tpu.memory_space<hbm>>
      %dma_wait3A_173 = tpu.memref_squeeze %dma_wait3A_172 : memref<1x128x64xf32, #tpu.memory_space<hbm>> -> memref<128x64xf32, #tpu.memory_space<hbm>>
      tpu.wait_dma2 semaphore(%run_scoped3A : memref<!tpu.dma_semaphore, #tpu.memory_space<semaphore_mem>>) src(%arg8 : memref<128x64xf32, #tpu.memory_space<vmem>>) dst(%dma_wait3A_173 : memref<128x64xf32, #tpu.memory_space<hbm>>)
      tpu.yield
    }) : () -> ()
    %dma_wait3A_138 = arith.constant 0 : i32
    %dma_wait3A_139 = tpu.memref_slice %arg12[%add3A_129, %dma_wait3A_138] : memref<10240x64xf32, #tpu.memory_space<vmem_shared>> -> memref<128x64xf32, #tpu.memory_space<vmem_shared>>
    %dma_wait3A_140 = arith.constant 0 : i32
    %dma_wait3A_141 = tpu.memref_slice %arg12[%add3A_129, %dma_wait3A_140] : memref<10240x64xf32, #tpu.memory_space<vmem_shared>> -> memref<128x64xf32, #tpu.memory_space<vmem_shared>>
    tpu.wait_dma2 semaphore(%arg14 : memref<!tpu.dma_semaphore, #tpu.memory_space<semaphore_mem>>) src(%dma_wait3A_141 : memref<128x64xf32, #tpu.memory_space<vmem_shared>>) dst(%arg9 : memref<128x64xf32, #tpu.memory_space<vmem>>)
    %mul3A_142 = arith.constant 640 : i32
    %mul3A_143 = arith.muli %arg1, %mul3A_142 : i32
    %add3A_144 = arith.constant 512 : i32
    %add3A_145 = arith.addi %mul3A_143, %add3A_144 : i32
    %dma_start3A_146 = arith.constant 0 : i32
    %dma_start3A_147 = tpu.memref_slice %arg12[%add3A_145, %dma_start3A_146] : memref<10240x64xf32, #tpu.memory_space<vmem_shared>> -> memref<128x64xf32, #tpu.memory_space<vmem_shared>>
    %dma_start3A_148 = arith.constant 0 : i32
    %dma_start3A_149 = tpu.memref_slice %arg12[%add3A_145, %dma_start3A_148] : memref<10240x64xf32, #tpu.memory_space<vmem_shared>> -> memref<128x64xf32, #tpu.memory_space<vmem_shared>>
    tpu.enqueue_dma source(%dma_start3A_149 : memref<128x64xf32, #tpu.memory_space<vmem_shared>>) target(%arg8 : memref<128x64xf32, #tpu.memory_space<vmem>>) target_semaphore(%arg13 : memref<!tpu.dma_semaphore, #tpu.memory_space<semaphore_mem>>)
    %mul3A_150 = arith.constant 640 : i32
    %mul3A_151 = arith.muli %arg1, %mul3A_150 : i32
    %add3A_152 = arith.constant 384 : i32
    %add3A_153 = arith.addi %mul3A_151, %add3A_152 : i32
    "tpu.region"() ({
      %run_scoped3A = tpu.sem_alloc : memref<!tpu.dma_semaphore, #tpu.memory_space<semaphore_mem>>
      %dma_start3A_162 = arith.constant 0 : i32
      %dma_start3A_163 = tpu.memref_slice %arg5[%arg0, %add3A_153, %dma_start3A_162] : memref<2x10240x64xf32, #tpu.memory_space<hbm>> -> memref<1x128x64xf32, #tpu.memory_space<hbm>>
      %dma_start3A_164 = tpu.memref_squeeze %dma_start3A_163 : memref<1x128x64xf32, #tpu.memory_space<hbm>> -> memref<128x64xf32, #tpu.memory_space<hbm>>
      %dma_start3A_165 = arith.constant 0 : i32
      %dma_start3A_166 = tpu.memref_slice %arg5[%arg0, %add3A_153, %dma_start3A_165] : memref<2x10240x64xf32, #tpu.memory_space<hbm>> -> memref<1x128x64xf32, #tpu.memory_space<hbm>>
      %dma_start3A_167 = tpu.memref_squeeze %dma_start3A_166 : memref<1x128x64xf32, #tpu.memory_space<hbm>> -> memref<128x64xf32, #tpu.memory_space<hbm>>
      tpu.enqueue_dma source(%arg9 : memref<128x64xf32, #tpu.memory_space<vmem>>) target(%dma_start3A_167 : memref<128x64xf32, #tpu.memory_space<hbm>>) target_semaphore(%run_scoped3A : memref<!tpu.dma_semaphore, #tpu.memory_space<semaphore_mem>>)
      %dma_wait3A_168 = arith.constant 0 : i32
      %dma_wait3A_169 = tpu.memref_slice %arg5[%arg0, %add3A_153, %dma_wait3A_168] : memref<2x10240x64xf32, #tpu.memory_space<hbm>> -> memref<1x128x64xf32, #tpu.memory_space<hbm>>
      %dma_wait3A_170 = tpu.memref_squeeze %dma_wait3A_169 : memref<1x128x64xf32, #tpu.memory_space<hbm>> -> memref<128x64xf32, #tpu.memory_space<hbm>>
      %dma_wait3A_171 = arith.constant 0 : i32
      %dma_wait3A_172 = tpu.memref_slice %arg5[%arg0, %add3A_153, %dma_wait3A_171] : memref<2x10240x64xf32, #tpu.memory_space<hbm>> -> memref<1x128x64xf32, #tpu.memory_space<hbm>>
      %dma_wait3A_173 = tpu.memref_squeeze %dma_wait3A_172 : memref<1x128x64xf32, #tpu.memory_space<hbm>> -> memref<128x64xf32, #tpu.memory_space<hbm>>
      tpu.wait_dma2 semaphore(%run_scoped3A : memref<!tpu.dma_semaphore, #tpu.memory_space<semaphore_mem>>) src(%arg9 : memref<128x64xf32, #tpu.memory_space<vmem>>) dst(%dma_wait3A_173 : memref<128x64xf32, #tpu.memory_space<hbm>>)
      tpu.yield
    }) : () -> ()
    %dma_wait3A_154 = arith.constant 0 : i32
    %dma_wait3A_155 = tpu.memref_slice %arg12[%add3A_145, %dma_wait3A_154] : memref<10240x64xf32, #tpu.memory_space<vmem_shared>> -> memref<128x64xf32, #tpu.memory_space<vmem_shared>>
    %dma_wait3A_156 = arith.constant 0 : i32
    %dma_wait3A_157 = tpu.memref_slice %arg12[%add3A_145, %dma_wait3A_156] : memref<10240x64xf32, #tpu.memory_space<vmem_shared>> -> memref<128x64xf32, #tpu.memory_space<vmem_shared>>
    tpu.wait_dma2 semaphore(%arg13 : memref<!tpu.dma_semaphore, #tpu.memory_space<semaphore_mem>>) src(%dma_wait3A_157 : memref<128x64xf32, #tpu.memory_space<vmem_shared>>) dst(%arg8 : memref<128x64xf32, #tpu.memory_space<vmem>>)
    %mul3A_158 = arith.constant 640 : i32
    %mul3A_159 = arith.muli %arg1, %mul3A_158 : i32
    %add3A_160 = arith.constant 512 : i32
    %add3A_161 = arith.addi %mul3A_159, %add3A_160 : i32
    "tpu.region"() ({
      %run_scoped3A = tpu.sem_alloc : memref<!tpu.dma_semaphore, #tpu.memory_space<semaphore_mem>>
      %dma_start3A_162 = arith.constant 0 : i32
      %dma_start3A_163 = tpu.memref_slice %arg5[%arg0, %add3A_161, %dma_start3A_162] : memref<2x10240x64xf32, #tpu.memory_space<hbm>> -> memref<1x128x64xf32, #tpu.memory_space<hbm>>
      %dma_start3A_164 = tpu.memref_squeeze %dma_start3A_163 : memref<1x128x64xf32, #tpu.memory_space<hbm>> -> memref<128x64xf32, #tpu.memory_space<hbm>>
      %dma_start3A_165 = arith.constant 0 : i32
      %dma_start3A_166 = tpu.memref_slice %arg5[%arg0, %add3A_161, %dma_start3A_165] : memref<2x10240x64xf32, #tpu.memory_space<hbm>> -> memref<1x128x64xf32, #tpu.memory_space<hbm>>
      %dma_start3A_167 = tpu.memref_squeeze %dma_start3A_166 : memref<1x128x64xf32, #tpu.memory_space<hbm>> -> memref<128x64xf32, #tpu.memory_space<hbm>>
      tpu.enqueue_dma source(%arg8 : memref<128x64xf32, #tpu.memory_space<vmem>>) target(%dma_start3A_167 : memref<128x64xf32, #tpu.memory_space<hbm>>) target_semaphore(%run_scoped3A : memref<!tpu.dma_semaphore, #tpu.memory_space<semaphore_mem>>)
      %dma_wait3A_168 = arith.constant 0 : i32
      %dma_wait3A_169 = tpu.memref_slice %arg5[%arg0, %add3A_161, %dma_wait3A_168] : memref<2x10240x64xf32, #tpu.memory_space<hbm>> -> memref<1x128x64xf32, #tpu.memory_space<hbm>>
      %dma_wait3A_170 = tpu.memref_squeeze %dma_wait3A_169 : memref<1x128x64xf32, #tpu.memory_space<hbm>> -> memref<128x64xf32, #tpu.memory_space<hbm>>
      %dma_wait3A_171 = arith.constant 0 : i32
      %dma_wait3A_172 = tpu.memref_slice %arg5[%arg0, %add3A_161, %dma_wait3A_171] : memref<2x10240x64xf32, #tpu.memory_space<hbm>> -> memref<1x128x64xf32, #tpu.memory_space<hbm>>
      %dma_wait3A_173 = tpu.memref_squeeze %dma_wait3A_172 : memref<1x128x64xf32, #tpu.memory_space<hbm>> -> memref<128x64xf32, #tpu.memory_space<hbm>>
      tpu.wait_dma2 semaphore(%run_scoped3A : memref<!tpu.dma_semaphore, #tpu.memory_space<semaphore_mem>>) src(%arg8 : memref<128x64xf32, #tpu.memory_space<vmem>>) dst(%dma_wait3A_173 : memref<128x64xf32, #tpu.memory_space<hbm>>)
      tpu.yield
    }) : () -> ()
    return
  }
}

#map = affine_map<(d0, d1) -> (0, 0, 0)>
#map1 = affine_map<(d0, d1) -> (0, 0)>
module attributes {stable_mosaic.version = 14 : i64} {
  func.func @_deg_kernel(%arg0: i32, %arg1: i32, %arg2: memref<32x80x128xi32, #tpu.memory_space<hbm>>, %arg3: memref<32x10240xf32, #tpu.memory_space<hbm>>, %arg4: memref<80x128xi32, #tpu.memory_space<vmem>>, %arg5: memref<10240xf32, #tpu.memory_space<vmem>>) attributes {dimension_semantics = [#tpu.dimension_semantics<core_parallel>, #tpu.dimension_semantics<subcore_parallel>], iteration_bounds = array<i64: 2, 16>, scalar_prefetch = 0 : i64, scratch_operands = 2 : i64, tpu.core_type = #tpu.core_type<sc_vector_subcore>, window_params = [{transform_indices = #map}, {transform_indices = #map1}]} {
    %mul3A = arith.constant 16 : i32
    %mul3A_0 = arith.muli %arg0, %mul3A : i32
    %add3A = arith.addi %mul3A_0, %arg1 : i32
    "tpu.region"() ({
      %run_scoped3A = tpu.sem_alloc : memref<!tpu.dma_semaphore, #tpu.memory_space<semaphore_mem>>
      %dma_start3A = arith.constant 0 : i32
      %dma_start3A_13 = arith.constant 0 : i32
      %dma_start3A_14 = tpu.memref_slice %arg2[%add3A, %dma_start3A, %dma_start3A_13] : memref<32x80x128xi32, #tpu.memory_space<hbm>> -> memref<1x80x128xi32, #tpu.memory_space<hbm>>
      %dma_start3A_15 = tpu.memref_squeeze %dma_start3A_14 : memref<1x80x128xi32, #tpu.memory_space<hbm>> -> memref<80x128xi32, #tpu.memory_space<hbm>>
      %dma_start3A_16 = arith.constant 0 : i32
      %dma_start3A_17 = arith.constant 0 : i32
      %dma_start3A_18 = tpu.memref_slice %arg2[%add3A, %dma_start3A_16, %dma_start3A_17] : memref<32x80x128xi32, #tpu.memory_space<hbm>> -> memref<1x80x128xi32, #tpu.memory_space<hbm>>
      %dma_start3A_19 = tpu.memref_squeeze %dma_start3A_18 : memref<1x80x128xi32, #tpu.memory_space<hbm>> -> memref<80x128xi32, #tpu.memory_space<hbm>>
      tpu.enqueue_dma source(%dma_start3A_19 : memref<80x128xi32, #tpu.memory_space<hbm>>) target(%arg4 : memref<80x128xi32, #tpu.memory_space<vmem>>) target_semaphore(%run_scoped3A : memref<!tpu.dma_semaphore, #tpu.memory_space<semaphore_mem>>)
      %dma_wait3A = arith.constant 0 : i32
      %dma_wait3A_20 = arith.constant 0 : i32
      %dma_wait3A_21 = tpu.memref_slice %arg2[%add3A, %dma_wait3A, %dma_wait3A_20] : memref<32x80x128xi32, #tpu.memory_space<hbm>> -> memref<1x80x128xi32, #tpu.memory_space<hbm>>
      %dma_wait3A_22 = tpu.memref_squeeze %dma_wait3A_21 : memref<1x80x128xi32, #tpu.memory_space<hbm>> -> memref<80x128xi32, #tpu.memory_space<hbm>>
      %dma_wait3A_23 = arith.constant 0 : i32
      %dma_wait3A_24 = arith.constant 0 : i32
      %dma_wait3A_25 = tpu.memref_slice %arg2[%add3A, %dma_wait3A_23, %dma_wait3A_24] : memref<32x80x128xi32, #tpu.memory_space<hbm>> -> memref<1x80x128xi32, #tpu.memory_space<hbm>>
      %dma_wait3A_26 = tpu.memref_squeeze %dma_wait3A_25 : memref<1x80x128xi32, #tpu.memory_space<hbm>> -> memref<80x128xi32, #tpu.memory_space<hbm>>
      tpu.wait_dma2 semaphore(%run_scoped3A : memref<!tpu.dma_semaphore, #tpu.memory_space<semaphore_mem>>) src(%dma_wait3A_26 : memref<80x128xi32, #tpu.memory_space<hbm>>) dst(%arg4 : memref<80x128xi32, #tpu.memory_space<vmem>>)
      tpu.yield
    }) : () -> ()
    %scan3A = arith.constant 0 : i32
    %scan3A_1 = arith.constant 0 : i32
    %scan3A_2 = arith.constant 640 : i32
    %scan3A_3 = arith.addi %scan3A_1, %scan3A_2 : i32
    %scan3A_4 = arith.constant 1 : i32
    scf.for %scan3A_13 = %scan3A_1 to %scan3A_3 step %scan3A_4  : i32 {
      %broadcast_in_dim3A_14 = arith.constant 0.000000e+00 : f32
      %broadcast_in_dim3A_15 = vector.broadcast %broadcast_in_dim3A_14 : f32 to vector<16xf32>
      %mul3A_16 = arith.constant 16 : i32
      %mul3A_17 = arith.muli %scan3A_13, %mul3A_16 : i32
      %swap3A = arith.index_cast %mul3A_17 : i32 to index
      %swap3A_18 = tpu.vector_load %arg5[%swap3A] {strides = array<i32>} : memref<10240xf32, #tpu.memory_space<vmem>>, vector<16xf32>,
      tpu.vector_store %arg5[%swap3A], %broadcast_in_dim3A_15 {strides = array<i32>} : memref<10240xf32, #tpu.memory_space<vmem>>, vector<16xf32>,
    }
    %scan3A_5 = arith.constant 640 : i32
    %broadcast_in_dim3A = arith.constant 1.000000e+00 : f32
    %broadcast_in_dim3A_6 = vector.broadcast %broadcast_in_dim3A : f32 to vector<16xf32>
    %scan3A_7 = arith.constant 0 : i32
    %scan3A_8 = arith.constant 0 : i32
    %scan3A_9 = arith.constant 640 : i32
    %scan3A_10 = arith.addi %scan3A_8, %scan3A_9 : i32
    %scan3A_11 = arith.constant 1 : i32
    scf.for %scan3A_13 = %scan3A_8 to %scan3A_10 step %scan3A_11  : i32 {
      %jit3A = arith.constant 8 : i32
      %div3A = arith.divsi %scan3A_13, %jit3A : i32
      %sign3A = arith.constant 0 : i32
      %sign3A_14 = arith.cmpi sgt, %scan3A_13, %sign3A : i32
      %sign3A_15 = arith.extui %sign3A_14 : i1 to i32
      %sign3A_16 = arith.constant 0 : i32
      %sign3A_17 = arith.cmpi slt, %scan3A_13, %sign3A_16 : i32
      %sign3A_18 = arith.extui %sign3A_17 : i1 to i32
      %sign3A_19 = arith.subi %sign3A_15, %sign3A_18 : i32
      %sign3A_20 = arith.constant 0 : i32
      %sign3A_21 = arith.cmpi sgt, %jit3A, %sign3A_20 : i32
      %sign3A_22 = arith.extui %sign3A_21 : i1 to i32
      %sign3A_23 = arith.constant 0 : i32
      %sign3A_24 = arith.cmpi slt, %jit3A, %sign3A_23 : i32
      %sign3A_25 = arith.extui %sign3A_24 : i1 to i32
      %sign3A_26 = arith.subi %sign3A_22, %sign3A_25 : i32
      %ne3A = arith.cmpi ne, %sign3A_19, %sign3A_26 : i32
      %rem3A = arith.remsi %scan3A_13, %jit3A : i32
      %ne3A_27 = arith.constant 0 : i32
      %ne3A_28 = arith.cmpi ne, %rem3A, %ne3A_27 : i32
      %and3A = arith.andi %ne3A, %ne3A_28 : i1
      %sub3A = arith.constant 1 : i32
      %sub3A_29 = arith.subi %div3A, %sub3A : i32
      %select_n3A = arith.select %and3A, %sub3A_29, %div3A : i32
      %jit3A_30 = arith.constant 8 : i32
      %eq3A = arith.constant 0 : i32
      %eq3A_31 = arith.cmpi eq, %jit3A_30, %eq3A : i32
      %jit3A_32 = arith.constant 1 : i32
      %select_n3A_33 = arith.select %eq3A_31, %jit3A_32, %jit3A_30 : i32
      %rem3A_34 = arith.remsi %scan3A_13, %select_n3A_33 : i32
      %ne3A_35 = arith.constant 0 : i32
      %ne3A_36 = arith.cmpi ne, %rem3A_34, %ne3A_35 : i32
      %lt3A = arith.constant 0 : i32
      %lt3A_37 = arith.cmpi slt, %rem3A_34, %lt3A : i32
      %lt3A_38 = arith.constant 0 : i32
      %lt3A_39 = arith.cmpi slt, %select_n3A_33, %lt3A_38 : i32
      %ne3A_40 = arith.xori %lt3A_37, %lt3A_39 : i1
      %and3A_41 = arith.andi %ne3A_40, %ne3A_36 : i1
      %add3A_42 = arith.addi %rem3A_34, %select_n3A_33 : i32
      %select_n3A_43 = arith.select %and3A_41, %add3A_42, %rem3A_34 : i32
      %mul3A_44 = arith.constant 16 : i32
      %mul3A_45 = arith.muli %select_n3A_43, %mul3A_44 : i32
      %get3A = arith.index_cast %select_n3A : i32 to index
      %get3A_46 = arith.index_cast %mul3A_45 : i32 to index
      %get3A_47 = tpu.vector_load %arg4[%get3A, %get3A_46] {strides = array<i32>} : memref<80x128xi32, #tpu.memory_space<vmem>>, vector<16xi32>,
      tpu.vector_store_idx %arg5[%get3A_47], %broadcast_in_dim3A_6 {add = true} : memref<10240xf32, #tpu.memory_space<vmem>>[vector<16xi32>], vector<16xf32>,
    }
    %scan3A_12 = arith.constant 640 : i32
    "tpu.region"() ({
      %run_scoped3A = tpu.sem_alloc : memref<!tpu.dma_semaphore, #tpu.memory_space<semaphore_mem>>
      %dma_start3A = arith.constant 0 : i32
      %dma_start3A_13 = tpu.memref_slice %arg3[%add3A, %dma_start3A] : memref<32x10240xf32, #tpu.memory_space<hbm>> -> memref<1x10240xf32, #tpu.memory_space<hbm>>
      %dma_start3A_14 = tpu.memref_squeeze %dma_start3A_13 : memref<1x10240xf32, #tpu.memory_space<hbm>> -> memref<10240xf32, #tpu.memory_space<hbm>>
      %dma_start3A_15 = arith.constant 0 : i32
      %dma_start3A_16 = tpu.memref_slice %arg3[%add3A, %dma_start3A_15] : memref<32x10240xf32, #tpu.memory_space<hbm>> -> memref<1x10240xf32, #tpu.memory_space<hbm>>
      %dma_start3A_17 = tpu.memref_squeeze %dma_start3A_16 : memref<1x10240xf32, #tpu.memory_space<hbm>> -> memref<10240xf32, #tpu.memory_space<hbm>>
      tpu.enqueue_dma source(%arg5 : memref<10240xf32, #tpu.memory_space<vmem>>) target(%dma_start3A_17 : memref<10240xf32, #tpu.memory_space<hbm>>) target_semaphore(%run_scoped3A : memref<!tpu.dma_semaphore, #tpu.memory_space<semaphore_mem>>)
      %dma_wait3A = arith.constant 0 : i32
      %dma_wait3A_18 = tpu.memref_slice %arg3[%add3A, %dma_wait3A] : memref<32x10240xf32, #tpu.memory_space<hbm>> -> memref<1x10240xf32, #tpu.memory_space<hbm>>
      %dma_wait3A_19 = tpu.memref_squeeze %dma_wait3A_18 : memref<1x10240xf32, #tpu.memory_space<hbm>> -> memref<10240xf32, #tpu.memory_space<hbm>>
      %dma_wait3A_20 = arith.constant 0 : i32
      %dma_wait3A_21 = tpu.memref_slice %arg3[%add3A, %dma_wait3A_20] : memref<32x10240xf32, #tpu.memory_space<hbm>> -> memref<1x10240xf32, #tpu.memory_space<hbm>>
      %dma_wait3A_22 = tpu.memref_squeeze %dma_wait3A_21 : memref<1x10240xf32, #tpu.memory_space<hbm>> -> memref<10240xf32, #tpu.memory_space<hbm>>
      tpu.wait_dma2 semaphore(%run_scoped3A : memref<!tpu.dma_semaphore, #tpu.memory_space<semaphore_mem>>) src(%arg5 : memref<10240xf32, #tpu.memory_space<vmem>>) dst(%dma_wait3A_22 : memref<10240xf32, #tpu.memory_space<hbm>>)
      tpu.yield
    }) : () -> ()
    return
  }
}

#map = affine_map<(d0, d1) -> (0, 0)>
#map1 = affine_map<(d0, d1) -> (0, 0, 0)>
module attributes {stable_mosaic.version = 14 : i64} {
  func.func @_spmm_kernel(%arg0: i32, %arg1: i32, %arg2: memref<10000x64xf32, #tpu.memory_space<hbm>>, %arg3: memref<2696x128xi32, #tpu.memory_space<hbm>>, %arg4: memref<2696x128xi32, #tpu.memory_space<hbm>>, %arg5: memref<2x10240x64xf32, #tpu.memory_space<hbm>>, %arg6: memref<136x128xi32, #tpu.memory_space<vmem>>, %arg7: memref<136x128xi32, #tpu.memory_space<vmem>>, %arg8: memref<128x64xf32, #tpu.memory_space<vmem>>, %arg9: memref<128x64xf32, #tpu.memory_space<vmem>>, %arg10: memref<128x64xf32, #tpu.memory_space<vmem>>, %arg11: memref<128x64xf32, #tpu.memory_space<vmem>>, %arg12: memref<10240x64xf32, #tpu.memory_space<vmem_shared>>, %arg13: memref<!tpu.dma_semaphore, #tpu.memory_space<semaphore_mem>>, %arg14: memref<!tpu.dma_semaphore, #tpu.memory_space<semaphore_mem>>, %arg15: memref<!tpu.dma_semaphore, #tpu.memory_space<semaphore_mem>>, %arg16: memref<!tpu.dma_semaphore, #tpu.memory_space<semaphore_mem>>, %arg17: memref<!tpu.dma_semaphore, #tpu.memory_space<semaphore_mem>>) attributes {dimension_semantics = [#tpu.dimension_semantics<core_parallel>, #tpu.dimension_semantics<subcore_parallel>], iteration_bounds = array<i64: 2, 16>, scalar_prefetch = 0 : i64, scratch_operands = 12 : i64, tpu.core_type = #tpu.core_type<sc_vector_subcore>, window_params = [{transform_indices = #map}, {transform_indices = #map}, {transform_indices = #map}, {transform_indices = #map1}]} {
    %eq3A = arith.constant 0 : i32
    %eq3A_0 = arith.cmpi eq, %arg0, %eq3A : i32
    %mul3A = arith.constant 136 : i32
    %mul3A_1 = arith.muli %arg1, %mul3A : i32
    %mul3A_2 = arith.constant 24 : i32
    %mul3A_3 = arith.muli %arg1, %mul3A_2 : i32
    %add3A = arith.constant 2176 : i32
    %add3A_4 = arith.addi %add3A, %mul3A_3 : i32
    %select_n3A = arith.select %eq3A_0, %mul3A_1, %add3A_4 : i32
    %eq3A_5 = arith.constant 0 : i32
    %eq3A_6 = arith.cmpi eq, %arg0, %eq3A_5 : i32
    %jit3A = arith.constant 136 : i32
    %jit3A_7 = arith.constant 24 : i32
    %select_n3A_8 = arith.select %eq3A_6, %jit3A, %jit3A_7 : i32
    %eq3A_9 = arith.constant 0 : i32
    %eq3A_10 = arith.cmpi eq, %arg0, %eq3A_9 : i32
    %jit3A_11 = arith.constant 34 : i32
    %jit3A_12 = arith.constant 6 : i32
    %select_n3A_13 = arith.select %eq3A_10, %jit3A_11, %jit3A_12 : i32
    %dma_start3A = arith.constant 0 : i32
    %dma_start3A_14 = tpu.memref_slice %arg3[%select_n3A, %dma_start3A] : memref<2696x128xi32, #tpu.memory_space<hbm>> -> memref<136x128xi32, #tpu.memory_space<hbm>>
    %dma_start3A_15 = arith.constant 0 : i32
    %dma_start3A_16 = tpu.memref_slice %arg3[%select_n3A, %dma_start3A_15] : memref<2696x128xi32, #tpu.memory_space<hbm>> -> memref<136x128xi32, #tpu.memory_space<hbm>>
    tpu.enqueue_dma source(%dma_start3A_16 : memref<136x128xi32, #tpu.memory_space<hbm>>) target(%arg6 : memref<136x128xi32, #tpu.memory_space<vmem>>) target_semaphore(%arg17 : memref<!tpu.dma_semaphore, #tpu.memory_space<semaphore_mem>>)
    %dma_start3A_17 = arith.constant 0 : i32
    %dma_start3A_18 = tpu.memref_slice %arg4[%select_n3A, %dma_start3A_17] : memref<2696x128xi32, #tpu.memory_space<hbm>> -> memref<136x128xi32, #tpu.memory_space<hbm>>
    %dma_start3A_19 = arith.constant 0 : i32
    %dma_start3A_20 = tpu.memref_slice %arg4[%select_n3A, %dma_start3A_19] : memref<2696x128xi32, #tpu.memory_space<hbm>> -> memref<136x128xi32, #tpu.memory_space<hbm>>
    tpu.enqueue_dma source(%dma_start3A_20 : memref<136x128xi32, #tpu.memory_space<hbm>>) target(%arg7 : memref<136x128xi32, #tpu.memory_space<vmem>>) target_semaphore(%arg17 : memref<!tpu.dma_semaphore, #tpu.memory_space<semaphore_mem>>)
    %scan3A = arith.constant 0 : i32
    %scan3A_21 = arith.constant 0 : i32
    %scan3A_22 = arith.constant 512 : i32
    %scan3A_23 = arith.addi %scan3A_21, %scan3A_22 : i32
    %scan3A_24 = arith.constant 1 : i32
    scf.for %scan3A_162 = %scan3A_21 to %scan3A_23 step %scan3A_24  : i32 {
      %broadcast_in_dim3A = arith.constant 0.000000e+00 : f32
      %broadcast_in_dim3A_163 = vector.broadcast %broadcast_in_dim3A : f32 to vector<16xf32>
      %jit3A_164 = arith.constant 4 : i32
      %div3A = arith.divsi %scan3A_162, %jit3A_164 : i32
      %sign3A = arith.constant 0 : i32
      %sign3A_165 = arith.cmpi sgt, %scan3A_162, %sign3A : i32
      %sign3A_166 = arith.extui %sign3A_165 : i1 to i32
      %sign3A_167 = arith.constant 0 : i32
      %sign3A_168 = arith.cmpi slt, %scan3A_162, %sign3A_167 : i32
      %sign3A_169 = arith.extui %sign3A_168 : i1 to i32
      %sign3A_170 = arith.subi %sign3A_166, %sign3A_169 : i32
      %sign3A_171 = arith.constant 0 : i32
      %sign3A_172 = arith.cmpi sgt, %jit3A_164, %sign3A_171 : i32
      %sign3A_173 = arith.extui %sign3A_172 : i1 to i32
      %sign3A_174 = arith.constant 0 : i32
      %sign3A_175 = arith.cmpi slt, %jit3A_164, %sign3A_174 : i32
      %sign3A_176 = arith.extui %sign3A_175 : i1 to i32
      %sign3A_177 = arith.subi %sign3A_173, %sign3A_176 : i32
      %ne3A = arith.cmpi ne, %sign3A_170, %sign3A_177 : i32
      %rem3A = arith.remsi %scan3A_162, %jit3A_164 : i32
      %ne3A_178 = arith.constant 0 : i32
      %ne3A_179 = arith.cmpi ne, %rem3A, %ne3A_178 : i32
      %and3A = arith.andi %ne3A, %ne3A_179 : i1
      %sub3A = arith.constant 1 : i32
      %sub3A_180 = arith.subi %div3A, %sub3A : i32
      %select_n3A_181 = arith.select %and3A, %sub3A_180, %div3A : i32
      %jit3A_182 = arith.constant 4 : i32
      %eq3A_183 = arith.constant 0 : i32
      %eq3A_184 = arith.cmpi eq, %jit3A_182, %eq3A_183 : i32
      %jit3A_185 = arith.constant 1 : i32
      %select_n3A_186 = arith.select %eq3A_184, %jit3A_185, %jit3A_182 : i32
      %rem3A_187 = arith.remsi %scan3A_162, %select_n3A_186 : i32
      %ne3A_188 = arith.constant 0 : i32
      %ne3A_189 = arith.cmpi ne, %rem3A_187, %ne3A_188 : i32
      %lt3A = arith.constant 0 : i32
      %lt3A_190 = arith.cmpi slt, %rem3A_187, %lt3A : i32
      %lt3A_191 = arith.constant 0 : i32
      %lt3A_192 = arith.cmpi slt, %select_n3A_186, %lt3A_191 : i32
      %ne3A_193 = arith.xori %lt3A_190, %lt3A_192 : i1
      %and3A_194 = arith.andi %ne3A_193, %ne3A_189 : i1
      %add3A_195 = arith.addi %rem3A_187, %select_n3A_186 : i32
      %select_n3A_196 = arith.select %and3A_194, %add3A_195, %rem3A_187 : i32
      %mul3A_197 = arith.constant 16 : i32
      %mul3A_198 = arith.muli %select_n3A_196, %mul3A_197 : i32
      %swap3A = arith.index_cast %select_n3A_181 : i32 to index
      %swap3A_199 = arith.index_cast %mul3A_198 : i32 to index
      %swap3A_200 = tpu.vector_load %arg8[%swap3A, %swap3A_199] {strides = array<i32>} : memref<128x64xf32, #tpu.memory_space<vmem>>, vector<16xf32>,
      tpu.vector_store %arg8[%swap3A, %swap3A_199], %broadcast_in_dim3A_163 {strides = array<i32>} : memref<128x64xf32, #tpu.memory_space<vmem>>, vector<16xf32>,
    }
    %scan3A_25 = arith.constant 512 : i32
    %mul3A_26 = arith.constant 640 : i32
    %mul3A_27 = arith.muli %arg1, %mul3A_26 : i32
    %add3A_28 = arith.constant 0 : i32
    %add3A_29 = arith.addi %mul3A_27, %add3A_28 : i32
    "tpu.region"() ({
      %run_scoped3A = tpu.sem_alloc : memref<!tpu.dma_semaphore, #tpu.memory_space<semaphore_mem>>
      %dma_start3A_162 = arith.constant 0 : i32
      %dma_start3A_163 = tpu.memref_slice %arg12[%add3A_29, %dma_start3A_162] : memref<10240x64xf32, #tpu.memory_space<vmem_shared>> -> memref<128x64xf32, #tpu.memory_space<vmem_shared>>
      %dma_start3A_164 = arith.constant 0 : i32
      %dma_start3A_165 = tpu.memref_slice %arg12[%add3A_29, %dma_start3A_164] : memref<10240x64xf32, #tpu.memory_space<vmem_shared>> -> memref<128x64xf32, #tpu.memory_space<vmem_shared>>
      tpu.enqueue_dma source(%arg8 : memref<128x64xf32, #tpu.memory_space<vmem>>) target(%dma_start3A_165 : memref<128x64xf32, #tpu.memory_space<vmem_shared>>) target_semaphore(%run_scoped3A : memref<!tpu.dma_semaphore, #tpu.memory_space<semaphore_mem>>)
      %dma_wait3A_166 = arith.constant 0 : i32
      %dma_wait3A_167 = tpu.memref_slice %arg12[%add3A_29, %dma_wait3A_166] : memref<10240x64xf32, #tpu.memory_space<vmem_shared>> -> memref<128x64xf32, #tpu.memory_space<vmem_shared>>
      %dma_wait3A_168 = arith.constant 0 : i32
      %dma_wait3A_169 = tpu.memref_slice %arg12[%add3A_29, %dma_wait3A_168] : memref<10240x64xf32, #tpu.memory_space<vmem_shared>> -> memref<128x64xf32, #tpu.memory_space<vmem_shared>>
      tpu.wait_dma2 semaphore(%run_scoped3A : memref<!tpu.dma_semaphore, #tpu.memory_space<semaphore_mem>>) src(%arg8 : memref<128x64xf32, #tpu.memory_space<vmem>>) dst(%dma_wait3A_169 : memref<128x64xf32, #tpu.memory_space<vmem_shared>>)
      tpu.yield
    }) : () -> ()
    %mul3A_30 = arith.constant 640 : i32
    %mul3A_31 = arith.muli %arg1, %mul3A_30 : i32
    %add3A_32 = arith.constant 128 : i32
    %add3A_33 = arith.addi %mul3A_31, %add3A_32 : i32
    "tpu.region"() ({
      %run_scoped3A = tpu.sem_alloc : memref<!tpu.dma_semaphore, #tpu.memory_space<semaphore_mem>>
      %dma_start3A_162 = arith.constant 0 : i32
      %dma_start3A_163 = tpu.memref_slice %arg12[%add3A_33, %dma_start3A_162] : memref<10240x64xf32, #tpu.memory_space<vmem_shared>> -> memref<128x64xf32, #tpu.memory_space<vmem_shared>>
      %dma_start3A_164 = arith.constant 0 : i32
      %dma_start3A_165 = tpu.memref_slice %arg12[%add3A_33, %dma_start3A_164] : memref<10240x64xf32, #tpu.memory_space<vmem_shared>> -> memref<128x64xf32, #tpu.memory_space<vmem_shared>>
      tpu.enqueue_dma source(%arg8 : memref<128x64xf32, #tpu.memory_space<vmem>>) target(%dma_start3A_165 : memref<128x64xf32, #tpu.memory_space<vmem_shared>>) target_semaphore(%run_scoped3A : memref<!tpu.dma_semaphore, #tpu.memory_space<semaphore_mem>>)
      %dma_wait3A_166 = arith.constant 0 : i32
      %dma_wait3A_167 = tpu.memref_slice %arg12[%add3A_33, %dma_wait3A_166] : memref<10240x64xf32, #tpu.memory_space<vmem_shared>> -> memref<128x64xf32, #tpu.memory_space<vmem_shared>>
      %dma_wait3A_168 = arith.constant 0 : i32
      %dma_wait3A_169 = tpu.memref_slice %arg12[%add3A_33, %dma_wait3A_168] : memref<10240x64xf32, #tpu.memory_space<vmem_shared>> -> memref<128x64xf32, #tpu.memory_space<vmem_shared>>
      tpu.wait_dma2 semaphore(%run_scoped3A : memref<!tpu.dma_semaphore, #tpu.memory_space<semaphore_mem>>) src(%arg8 : memref<128x64xf32, #tpu.memory_space<vmem>>) dst(%dma_wait3A_169 : memref<128x64xf32, #tpu.memory_space<vmem_shared>>)
      tpu.yield
    }) : () -> ()
    %mul3A_34 = arith.constant 640 : i32
    %mul3A_35 = arith.muli %arg1, %mul3A_34 : i32
    %add3A_36 = arith.constant 256 : i32
    %add3A_37 = arith.addi %mul3A_35, %add3A_36 : i32
    "tpu.region"() ({
      %run_scoped3A = tpu.sem_alloc : memref<!tpu.dma_semaphore, #tpu.memory_space<semaphore_mem>>
      %dma_start3A_162 = arith.constant 0 : i32
      %dma_start3A_163 = tpu.memref_slice %arg12[%add3A_37, %dma_start3A_162] : memref<10240x64xf32, #tpu.memory_space<vmem_shared>> -> memref<128x64xf32, #tpu.memory_space<vmem_shared>>
      %dma_start3A_164 = arith.constant 0 : i32
      %dma_start3A_165 = tpu.memref_slice %arg12[%add3A_37, %dma_start3A_164] : memref<10240x64xf32, #tpu.memory_space<vmem_shared>> -> memref<128x64xf32, #tpu.memory_space<vmem_shared>>
      tpu.enqueue_dma source(%arg8 : memref<128x64xf32, #tpu.memory_space<vmem>>) target(%dma_start3A_165 : memref<128x64xf32, #tpu.memory_space<vmem_shared>>) target_semaphore(%run_scoped3A : memref<!tpu.dma_semaphore, #tpu.memory_space<semaphore_mem>>)
      %dma_wait3A_166 = arith.constant 0 : i32
      %dma_wait3A_167 = tpu.memref_slice %arg12[%add3A_37, %dma_wait3A_166] : memref<10240x64xf32, #tpu.memory_space<vmem_shared>> -> memref<128x64xf32, #tpu.memory_space<vmem_shared>>
      %dma_wait3A_168 = arith.constant 0 : i32
      %dma_wait3A_169 = tpu.memref_slice %arg12[%add3A_37, %dma_wait3A_168] : memref<10240x64xf32, #tpu.memory_space<vmem_shared>> -> memref<128x64xf32, #tpu.memory_space<vmem_shared>>
      tpu.wait_dma2 semaphore(%run_scoped3A : memref<!tpu.dma_semaphore, #tpu.memory_space<semaphore_mem>>) src(%arg8 : memref<128x64xf32, #tpu.memory_space<vmem>>) dst(%dma_wait3A_169 : memref<128x64xf32, #tpu.memory_space<vmem_shared>>)
      tpu.yield
    }) : () -> ()
    %mul3A_38 = arith.constant 640 : i32
    %mul3A_39 = arith.muli %arg1, %mul3A_38 : i32
    %add3A_40 = arith.constant 384 : i32
    %add3A_41 = arith.addi %mul3A_39, %add3A_40 : i32
    "tpu.region"() ({
      %run_scoped3A = tpu.sem_alloc : memref<!tpu.dma_semaphore, #tpu.memory_space<semaphore_mem>>
      %dma_start3A_162 = arith.constant 0 : i32
      %dma_start3A_163 = tpu.memref_slice %arg12[%add3A_41, %dma_start3A_162] : memref<10240x64xf32, #tpu.memory_space<vmem_shared>> -> memref<128x64xf32, #tpu.memory_space<vmem_shared>>
      %dma_start3A_164 = arith.constant 0 : i32
      %dma_start3A_165 = tpu.memref_slice %arg12[%add3A_41, %dma_start3A_164] : memref<10240x64xf32, #tpu.memory_space<vmem_shared>> -> memref<128x64xf32, #tpu.memory_space<vmem_shared>>
      tpu.enqueue_dma source(%arg8 : memref<128x64xf32, #tpu.memory_space<vmem>>) target(%dma_start3A_165 : memref<128x64xf32, #tpu.memory_space<vmem_shared>>) target_semaphore(%run_scoped3A : memref<!tpu.dma_semaphore, #tpu.memory_space<semaphore_mem>>)
      %dma_wait3A_166 = arith.constant 0 : i32
      %dma_wait3A_167 = tpu.memref_slice %arg12[%add3A_41, %dma_wait3A_166] : memref<10240x64xf32, #tpu.memory_space<vmem_shared>> -> memref<128x64xf32, #tpu.memory_space<vmem_shared>>
      %dma_wait3A_168 = arith.constant 0 : i32
      %dma_wait3A_169 = tpu.memref_slice %arg12[%add3A_41, %dma_wait3A_168] : memref<10240x64xf32, #tpu.memory_space<vmem_shared>> -> memref<128x64xf32, #tpu.memory_space<vmem_shared>>
      tpu.wait_dma2 semaphore(%run_scoped3A : memref<!tpu.dma_semaphore, #tpu.memory_space<semaphore_mem>>) src(%arg8 : memref<128x64xf32, #tpu.memory_space<vmem>>) dst(%dma_wait3A_169 : memref<128x64xf32, #tpu.memory_space<vmem_shared>>)
      tpu.yield
    }) : () -> ()
    %mul3A_42 = arith.constant 640 : i32
    %mul3A_43 = arith.muli %arg1, %mul3A_42 : i32
    %add3A_44 = arith.constant 512 : i32
    %add3A_45 = arith.addi %mul3A_43, %add3A_44 : i32
    "tpu.region"() ({
      %run_scoped3A = tpu.sem_alloc : memref<!tpu.dma_semaphore, #tpu.memory_space<semaphore_mem>>
      %dma_start3A_162 = arith.constant 0 : i32
      %dma_start3A_163 = tpu.memref_slice %arg12[%add3A_45, %dma_start3A_162] : memref<10240x64xf32, #tpu.memory_space<vmem_shared>> -> memref<128x64xf32, #tpu.memory_space<vmem_shared>>
      %dma_start3A_164 = arith.constant 0 : i32
      %dma_start3A_165 = tpu.memref_slice %arg12[%add3A_45, %dma_start3A_164] : memref<10240x64xf32, #tpu.memory_space<vmem_shared>> -> memref<128x64xf32, #tpu.memory_space<vmem_shared>>
      tpu.enqueue_dma source(%arg8 : memref<128x64xf32, #tpu.memory_space<vmem>>) target(%dma_start3A_165 : memref<128x64xf32, #tpu.memory_space<vmem_shared>>) target_semaphore(%run_scoped3A : memref<!tpu.dma_semaphore, #tpu.memory_space<semaphore_mem>>)
      %dma_wait3A_166 = arith.constant 0 : i32
      %dma_wait3A_167 = tpu.memref_slice %arg12[%add3A_45, %dma_wait3A_166] : memref<10240x64xf32, #tpu.memory_space<vmem_shared>> -> memref<128x64xf32, #tpu.memory_space<vmem_shared>>
      %dma_wait3A_168 = arith.constant 0 : i32
      %dma_wait3A_169 = tpu.memref_slice %arg12[%add3A_45, %dma_wait3A_168] : memref<10240x64xf32, #tpu.memory_space<vmem_shared>> -> memref<128x64xf32, #tpu.memory_space<vmem_shared>>
      tpu.wait_dma2 semaphore(%run_scoped3A : memref<!tpu.dma_semaphore, #tpu.memory_space<semaphore_mem>>) src(%arg8 : memref<128x64xf32, #tpu.memory_space<vmem>>) dst(%dma_wait3A_169 : memref<128x64xf32, #tpu.memory_space<vmem_shared>>)
      tpu.yield
    }) : () -> ()
    %dma_wait3A = arith.constant 0 : i32
    %dma_wait3A_46 = tpu.memref_slice %arg3[%select_n3A, %dma_wait3A] : memref<2696x128xi32, #tpu.memory_space<hbm>> -> memref<136x128xi32, #tpu.memory_space<hbm>>
    %dma_wait3A_47 = arith.constant 0 : i32
    %dma_wait3A_48 = tpu.memref_slice %arg3[%select_n3A, %dma_wait3A_47] : memref<2696x128xi32, #tpu.memory_space<hbm>> -> memref<136x128xi32, #tpu.memory_space<hbm>>
    tpu.wait_dma2 semaphore(%arg17 : memref<!tpu.dma_semaphore, #tpu.memory_space<semaphore_mem>>) src(%dma_wait3A_48 : memref<136x128xi32, #tpu.memory_space<hbm>>) dst(%arg6 : memref<136x128xi32, #tpu.memory_space<vmem>>)
    %dma_wait3A_49 = arith.constant 0 : i32
    %dma_wait3A_50 = tpu.memref_slice %arg4[%select_n3A, %dma_wait3A_49] : memref<2696x128xi32, #tpu.memory_space<hbm>> -> memref<136x128xi32, #tpu.memory_space<hbm>>
    %dma_wait3A_51 = arith.constant 0 : i32
    %dma_wait3A_52 = tpu.memref_slice %arg4[%select_n3A, %dma_wait3A_51] : memref<2696x128xi32, #tpu.memory_space<hbm>> -> memref<136x128xi32, #tpu.memory_space<hbm>>
    tpu.wait_dma2 semaphore(%arg17 : memref<!tpu.dma_semaphore, #tpu.memory_space<semaphore_mem>>) src(%dma_wait3A_52 : memref<136x128xi32, #tpu.memory_space<hbm>>) dst(%arg7 : memref<136x128xi32, #tpu.memory_space<vmem>>)
    %barrier3A = arith.constant 0 : index
    tpu.barrier barrier_id(%barrier3A)
    %dma_start3A_53 = arith.constant 0 : i32
    %dma_start3A_54 = arith.constant 0 : i32
    %dma_start3A_55 = tpu.memref_slice %arg6[%dma_start3A_53, %dma_start3A_54] : memref<136x128xi32, #tpu.memory_space<vmem>> -> memref<1x128xi32, #tpu.memory_space<vmem>>
    %dma_start3A_56 = tpu.memref_squeeze %dma_start3A_55 : memref<1x128xi32, #tpu.memory_space<vmem>> -> memref<128xi32, #tpu.memory_space<vmem>>
    %dma_start3A_57 = arith.constant 0 : i32
    %dma_start3A_58 = arith.constant 0 : i32
    %dma_start3A_59 = tpu.memref_slice %arg2[%dma_start3A_57, %dma_start3A_58] : memref<10000x64xf32, #tpu.memory_space<hbm>> -> memref<10000x64xf32, #tpu.memory_space<hbm>>
    tpu.enqueue_indirect_dma source(%dma_start3A_59 : memref<10000x64xf32, #tpu.memory_space<hbm>>) target(%arg8 : memref<128x64xf32, #tpu.memory_space<vmem>>) offsets(%dma_start3A_56 : memref<128xi32, #tpu.memory_space<vmem>>) semaphore(%arg13 : memref<!tpu.dma_semaphore, #tpu.memory_space<semaphore_mem>>)
    %dma_start3A_60 = arith.constant 1 : i32
    %dma_start3A_61 = arith.constant 0 : i32
    %dma_start3A_62 = tpu.memref_slice %arg6[%dma_start3A_60, %dma_start3A_61] : memref<136x128xi32, #tpu.memory_space<vmem>> -> memref<1x128xi32, #tpu.memory_space<vmem>>
    %dma_start3A_63 = tpu.memref_squeeze %dma_start3A_62 : memref<1x128xi32, #tpu.memory_space<vmem>> -> memref<128xi32, #tpu.memory_space<vmem>>
    %dma_start3A_64 = arith.constant 0 : i32
    %dma_start3A_65 = arith.constant 0 : i32
    %dma_start3A_66 = tpu.memref_slice %arg2[%dma_start3A_64, %dma_start3A_65] : memref<10000x64xf32, #tpu.memory_space<hbm>> -> memref<10000x64xf32, #tpu.memory_space<hbm>>
    tpu.enqueue_indirect_dma source(%dma_start3A_66 : memref<10000x64xf32, #tpu.memory_space<hbm>>) target(%arg9 : memref<128x64xf32, #tpu.memory_space<vmem>>) offsets(%dma_start3A_63 : memref<128xi32, #tpu.memory_space<vmem>>) semaphore(%arg14 : memref<!tpu.dma_semaphore, #tpu.memory_space<semaphore_mem>>)
    %dma_start3A_67 = arith.constant 2 : i32
    %dma_start3A_68 = arith.constant 0 : i32
    %dma_start3A_69 = tpu.memref_slice %arg6[%dma_start3A_67, %dma_start3A_68] : memref<136x128xi32, #tpu.memory_space<vmem>> -> memref<1x128xi32, #tpu.memory_space<vmem>>
    %dma_start3A_70 = tpu.memref_squeeze %dma_start3A_69 : memref<1x128xi32, #tpu.memory_space<vmem>> -> memref<128xi32, #tpu.memory_space<vmem>>
    %dma_start3A_71 = arith.constant 0 : i32
    %dma_start3A_72 = arith.constant 0 : i32
    %dma_start3A_73 = tpu.memref_slice %arg2[%dma_start3A_71, %dma_start3A_72] : memref<10000x64xf32, #tpu.memory_space<hbm>> -> memref<10000x64xf32, #tpu.memory_space<hbm>>
    tpu.enqueue_indirect_dma source(%dma_start3A_73 : memref<10000x64xf32, #tpu.memory_space<hbm>>) target(%arg10 : memref<128x64xf32, #tpu.memory_space<vmem>>) offsets(%dma_start3A_70 : memref<128xi32, #tpu.memory_space<vmem>>) semaphore(%arg15 : memref<!tpu.dma_semaphore, #tpu.memory_space<semaphore_mem>>)
    %while3A = arith.constant 0 : i32
    %while3A_74 = arith.constant 0 : i32
    %while3A_75 = arith.subi %select_n3A_13, %while3A_74 : i32
    %while3A_76 = arith.addi %while3A_74, %while3A_75 : i32
    %while3A_77 = arith.constant 1 : i32
    %while3A_78 = arith.divsi %while3A_75, %while3A_77 : i32
    %while3A_79 = arith.muli %while3A_78, %while3A_77 : i32
    %while3A_80 = arith.addi %while3A_74, %while3A_79 : i32
    %while3A_81 = arith.constant 1 : i32
    scf.for %while3A_162 = %while3A_74 to %while3A_80 step %while3A_81  : i32 {
      %mul3A_163 = arith.constant 4 : i32
      %mul3A_164 = arith.muli %mul3A_163, %while3A_162 : i32
      %add3A_165 = arith.constant 0 : i32
      %add3A_166 = arith.addi %mul3A_164, %add3A_165 : i32
      %add3A_167 = arith.constant 4 : i32
      %add3A_168 = arith.addi %add3A_166, %add3A_167 : i32
      %sub3A = arith.constant 1 : i32
      %sub3A_169 = arith.subi %add3A_168, %sub3A : i32
      %lt3A = arith.cmpi slt, %sub3A_169, %select_n3A_8 : i32
      %convert_element_type3A = arith.extui %lt3A : i1 to i32
      %cond3A = arith.constant 0 : i32
      %cond3A_170 = arith.cmpi ne, %convert_element_type3A, %cond3A : i32
      scf.if %cond3A_170 {
        %dma_start3A_231 = arith.constant 0 : i32
        %dma_start3A_232 = tpu.memref_slice %arg6[%sub3A_169, %dma_start3A_231] : memref<136x128xi32, #tpu.memory_space<vmem>> -> memref<1x128xi32, #tpu.memory_space<vmem>>
        %dma_start3A_233 = tpu.memref_squeeze %dma_start3A_232 : memref<1x128xi32, #tpu.memory_space<vmem>> -> memref<128xi32, #tpu.memory_space<vmem>>
        %dma_start3A_234 = arith.constant 0 : i32
        %dma_start3A_235 = arith.constant 0 : i32
        %dma_start3A_236 = tpu.memref_slice %arg2[%dma_start3A_234, %dma_start3A_235] : memref<10000x64xf32, #tpu.memory_space<hbm>> -> memref<10000x64xf32, #tpu.memory_space<hbm>>
        tpu.enqueue_indirect_dma source(%dma_start3A_236 : memref<10000x64xf32, #tpu.memory_space<hbm>>) target(%arg11 : memref<128x64xf32, #tpu.memory_space<vmem>>) offsets(%dma_start3A_233 : memref<128xi32, #tpu.memory_space<vmem>>) semaphore(%arg16 : memref<!tpu.dma_semaphore, #tpu.memory_space<semaphore_mem>>)
      } else {
      }
      %dma_wait3A_171 = arith.constant 0 : i32
      %dma_wait3A_172 = tpu.memref_slice %arg6[%add3A_166, %dma_wait3A_171] : memref<136x128xi32, #tpu.memory_space<vmem>> -> memref<1x128xi32, #tpu.memory_space<vmem>>
      %dma_wait3A_173 = tpu.memref_squeeze %dma_wait3A_172 : memref<1x128xi32, #tpu.memory_space<vmem>> -> memref<128xi32, #tpu.memory_space<vmem>>
      %dma_wait3A_174 = arith.constant 0 : i32
      %dma_wait3A_175 = arith.constant 0 : i32
      %dma_wait3A_176 = tpu.memref_slice %arg2[%dma_wait3A_174, %dma_wait3A_175] : memref<10000x64xf32, #tpu.memory_space<hbm>> -> memref<10000x64xf32, #tpu.memory_space<hbm>>
      tpu.wait_indirect_dma semaphore(%arg13 : memref<!tpu.dma_semaphore, #tpu.memory_space<semaphore_mem>>) src(%dma_wait3A_176 : memref<10000x64xf32, #tpu.memory_space<hbm>>) dst(%arg8 : memref<128x64xf32, #tpu.memory_space<vmem>>)
      "tpu.region"() ({
        %run_scoped3A = tpu.sem_alloc : memref<!tpu.dma_semaphore, #tpu.memory_space<semaphore_mem>>
        %dma_start3A_231 = arith.constant 0 : i32
        %dma_start3A_232 = tpu.memref_slice %arg7[%add3A_166, %dma_start3A_231] : memref<136x128xi32, #tpu.memory_space<vmem>> -> memref<1x128xi32, #tpu.memory_space<vmem>>
        %dma_start3A_233 = tpu.memref_squeeze %dma_start3A_232 : memref<1x128xi32, #tpu.memory_space<vmem>> -> memref<128xi32, #tpu.memory_space<vmem>>
        %dma_start3A_234 = arith.constant 0 : i32
        %dma_start3A_235 = arith.constant 0 : i32
        %dma_start3A_236 = tpu.memref_slice %arg12[%dma_start3A_234, %dma_start3A_235] : memref<10240x64xf32, #tpu.memory_space<vmem_shared>> -> memref<10240x64xf32, #tpu.memory_space<vmem_shared>>
        tpu.enqueue_indirect_dma source(%arg8 : memref<128x64xf32, #tpu.memory_space<vmem>>) target(%dma_start3A_236 : memref<10240x64xf32, #tpu.memory_space<vmem_shared>>) offsets(%dma_start3A_233 : memref<128xi32, #tpu.memory_space<vmem>>) semaphore(%run_scoped3A : memref<!tpu.dma_semaphore, #tpu.memory_space<semaphore_mem>>) {add = true}
        %dma_wait3A_237 = arith.constant 0 : i32
        %dma_wait3A_238 = tpu.memref_slice %arg7[%add3A_166, %dma_wait3A_237] : memref<136x128xi32, #tpu.memory_space<vmem>> -> memref<1x128xi32, #tpu.memory_space<vmem>>
        %dma_wait3A_239 = tpu.memref_squeeze %dma_wait3A_238 : memref<1x128xi32, #tpu.memory_space<vmem>> -> memref<128xi32, #tpu.memory_space<vmem>>
        %dma_wait3A_240 = arith.constant 0 : i32
        %dma_wait3A_241 = arith.constant 0 : i32
        %dma_wait3A_242 = tpu.memref_slice %arg12[%dma_wait3A_240, %dma_wait3A_241] : memref<10240x64xf32, #tpu.memory_space<vmem_shared>> -> memref<10240x64xf32, #tpu.memory_space<vmem_shared>>
        tpu.wait_indirect_dma semaphore(%run_scoped3A : memref<!tpu.dma_semaphore, #tpu.memory_space<semaphore_mem>>) src(%arg8 : memref<128x64xf32, #tpu.memory_space<vmem>>) dst(%dma_wait3A_242 : memref<10240x64xf32, #tpu.memory_space<vmem_shared>>)
        tpu.yield
      }) : () -> ()
      %mul3A_177 = arith.constant 4 : i32
      %mul3A_178 = arith.muli %mul3A_177, %while3A_162 : i32
      %add3A_179 = arith.constant 1 : i32
      %add3A_180 = arith.addi %mul3A_178, %add3A_179 : i32
      %add3A_181 = arith.constant 4 : i32
      %add3A_182 = arith.addi %add3A_180, %add3A_181 : i32
      %sub3A_183 = arith.constant 1 : i32
      %sub3A_184 = arith.subi %add3A_182, %sub3A_183 : i32
      %lt3A_185 = arith.cmpi slt, %sub3A_184, %select_n3A_8 : i32
      %convert_element_type3A_186 = arith.extui %lt3A_185 : i1 to i32
      %cond3A_187 = arith.constant 0 : i32
      %cond3A_188 = arith.cmpi ne, %convert_element_type3A_186, %cond3A_187 : i32
      scf.if %cond3A_188 {
        %dma_start3A_231 = arith.constant 0 : i32
        %dma_start3A_232 = tpu.memref_slice %arg6[%sub3A_184, %dma_start3A_231] : memref<136x128xi32, #tpu.memory_space<vmem>> -> memref<1x128xi32, #tpu.memory_space<vmem>>
        %dma_start3A_233 = tpu.memref_squeeze %dma_start3A_232 : memref<1x128xi32, #tpu.memory_space<vmem>> -> memref<128xi32, #tpu.memory_space<vmem>>
        %dma_start3A_234 = arith.constant 0 : i32
        %dma_start3A_235 = arith.constant 0 : i32
        %dma_start3A_236 = tpu.memref_slice %arg2[%dma_start3A_234, %dma_start3A_235] : memref<10000x64xf32, #tpu.memory_space<hbm>> -> memref<10000x64xf32, #tpu.memory_space<hbm>>
        tpu.enqueue_indirect_dma source(%dma_start3A_236 : memref<10000x64xf32, #tpu.memory_space<hbm>>) target(%arg8 : memref<128x64xf32, #tpu.memory_space<vmem>>) offsets(%dma_start3A_233 : memref<128xi32, #tpu.memory_space<vmem>>) semaphore(%arg13 : memref<!tpu.dma_semaphore, #tpu.memory_space<semaphore_mem>>)
      } else {
      }
      %dma_wait3A_189 = arith.constant 0 : i32
      %dma_wait3A_190 = tpu.memref_slice %arg6[%add3A_180, %dma_wait3A_189] : memref<136x128xi32, #tpu.memory_space<vmem>> -> memref<1x128xi32, #tpu.memory_space<vmem>>
      %dma_wait3A_191 = tpu.memref_squeeze %dma_wait3A_190 : memref<1x128xi32, #tpu.memory_space<vmem>> -> memref<128xi32, #tpu.memory_space<vmem>>
      %dma_wait3A_192 = arith.constant 0 : i32
      %dma_wait3A_193 = arith.constant 0 : i32
      %dma_wait3A_194 = tpu.memref_slice %arg2[%dma_wait3A_192, %dma_wait3A_193] : memref<10000x64xf32, #tpu.memory_space<hbm>> -> memref<10000x64xf32, #tpu.memory_space<hbm>>
      tpu.wait_indirect_dma semaphore(%arg14 : memref<!tpu.dma_semaphore, #tpu.memory_space<semaphore_mem>>) src(%dma_wait3A_194 : memref<10000x64xf32, #tpu.memory_space<hbm>>) dst(%arg9 : memref<128x64xf32, #tpu.memory_space<vmem>>)
      "tpu.region"() ({
        %run_scoped3A = tpu.sem_alloc : memref<!tpu.dma_semaphore, #tpu.memory_space<semaphore_mem>>
        %dma_start3A_231 = arith.constant 0 : i32
        %dma_start3A_232 = tpu.memref_slice %arg7[%add3A_180, %dma_start3A_231] : memref<136x128xi32, #tpu.memory_space<vmem>> -> memref<1x128xi32, #tpu.memory_space<vmem>>
        %dma_start3A_233 = tpu.memref_squeeze %dma_start3A_232 : memref<1x128xi32, #tpu.memory_space<vmem>> -> memref<128xi32, #tpu.memory_space<vmem>>
        %dma_start3A_234 = arith.constant 0 : i32
        %dma_start3A_235 = arith.constant 0 : i32
        %dma_start3A_236 = tpu.memref_slice %arg12[%dma_start3A_234, %dma_start3A_235] : memref<10240x64xf32, #tpu.memory_space<vmem_shared>> -> memref<10240x64xf32, #tpu.memory_space<vmem_shared>>
        tpu.enqueue_indirect_dma source(%arg9 : memref<128x64xf32, #tpu.memory_space<vmem>>) target(%dma_start3A_236 : memref<10240x64xf32, #tpu.memory_space<vmem_shared>>) offsets(%dma_start3A_233 : memref<128xi32, #tpu.memory_space<vmem>>) semaphore(%run_scoped3A : memref<!tpu.dma_semaphore, #tpu.memory_space<semaphore_mem>>) {add = true}
        %dma_wait3A_237 = arith.constant 0 : i32
        %dma_wait3A_238 = tpu.memref_slice %arg7[%add3A_180, %dma_wait3A_237] : memref<136x128xi32, #tpu.memory_space<vmem>> -> memref<1x128xi32, #tpu.memory_space<vmem>>
        %dma_wait3A_239 = tpu.memref_squeeze %dma_wait3A_238 : memref<1x128xi32, #tpu.memory_space<vmem>> -> memref<128xi32, #tpu.memory_space<vmem>>
        %dma_wait3A_240 = arith.constant 0 : i32
        %dma_wait3A_241 = arith.constant 0 : i32
        %dma_wait3A_242 = tpu.memref_slice %arg12[%dma_wait3A_240, %dma_wait3A_241] : memref<10240x64xf32, #tpu.memory_space<vmem_shared>> -> memref<10240x64xf32, #tpu.memory_space<vmem_shared>>
        tpu.wait_indirect_dma semaphore(%run_scoped3A : memref<!tpu.dma_semaphore, #tpu.memory_space<semaphore_mem>>) src(%arg9 : memref<128x64xf32, #tpu.memory_space<vmem>>) dst(%dma_wait3A_242 : memref<10240x64xf32, #tpu.memory_space<vmem_shared>>)
        tpu.yield
      }) : () -> ()
      %mul3A_195 = arith.constant 4 : i32
      %mul3A_196 = arith.muli %mul3A_195, %while3A_162 : i32
      %add3A_197 = arith.constant 2 : i32
      %add3A_198 = arith.addi %mul3A_196, %add3A_197 : i32
      %add3A_199 = arith.constant 4 : i32
      %add3A_200 = arith.addi %add3A_198, %add3A_199 : i32
      %sub3A_201 = arith.constant 1 : i32
      %sub3A_202 = arith.subi %add3A_200, %sub3A_201 : i32
      %lt3A_203 = arith.cmpi slt, %sub3A_202, %select_n3A_8 : i32
      %convert_element_type3A_204 = arith.extui %lt3A_203 : i1 to i32
      %cond3A_205 = arith.constant 0 : i32
      %cond3A_206 = arith.cmpi ne, %convert_element_type3A_204, %cond3A_205 : i32
      scf.if %cond3A_206 {
        %dma_start3A_231 = arith.constant 0 : i32
        %dma_start3A_232 = tpu.memref_slice %arg6[%sub3A_202, %dma_start3A_231] : memref<136x128xi32, #tpu.memory_space<vmem>> -> memref<1x128xi32, #tpu.memory_space<vmem>>
        %dma_start3A_233 = tpu.memref_squeeze %dma_start3A_232 : memref<1x128xi32, #tpu.memory_space<vmem>> -> memref<128xi32, #tpu.memory_space<vmem>>
        %dma_start3A_234 = arith.constant 0 : i32
        %dma_start3A_235 = arith.constant 0 : i32
        %dma_start3A_236 = tpu.memref_slice %arg2[%dma_start3A_234, %dma_start3A_235] : memref<10000x64xf32, #tpu.memory_space<hbm>> -> memref<10000x64xf32, #tpu.memory_space<hbm>>
        tpu.enqueue_indirect_dma source(%dma_start3A_236 : memref<10000x64xf32, #tpu.memory_space<hbm>>) target(%arg9 : memref<128x64xf32, #tpu.memory_space<vmem>>) offsets(%dma_start3A_233 : memref<128xi32, #tpu.memory_space<vmem>>) semaphore(%arg14 : memref<!tpu.dma_semaphore, #tpu.memory_space<semaphore_mem>>)
      } else {
      }
      %dma_wait3A_207 = arith.constant 0 : i32
      %dma_wait3A_208 = tpu.memref_slice %arg6[%add3A_198, %dma_wait3A_207] : memref<136x128xi32, #tpu.memory_space<vmem>> -> memref<1x128xi32, #tpu.memory_space<vmem>>
      %dma_wait3A_209 = tpu.memref_squeeze %dma_wait3A_208 : memref<1x128xi32, #tpu.memory_space<vmem>> -> memref<128xi32, #tpu.memory_space<vmem>>
      %dma_wait3A_210 = arith.constant 0 : i32
      %dma_wait3A_211 = arith.constant 0 : i32
      %dma_wait3A_212 = tpu.memref_slice %arg2[%dma_wait3A_210, %dma_wait3A_211] : memref<10000x64xf32, #tpu.memory_space<hbm>> -> memref<10000x64xf32, #tpu.memory_space<hbm>>
      tpu.wait_indirect_dma semaphore(%arg15 : memref<!tpu.dma_semaphore, #tpu.memory_space<semaphore_mem>>) src(%dma_wait3A_212 : memref<10000x64xf32, #tpu.memory_space<hbm>>) dst(%arg10 : memref<128x64xf32, #tpu.memory_space<vmem>>)
      "tpu.region"() ({
        %run_scoped3A = tpu.sem_alloc : memref<!tpu.dma_semaphore, #tpu.memory_space<semaphore_mem>>
        %dma_start3A_231 = arith.constant 0 : i32
        %dma_start3A_232 = tpu.memref_slice %arg7[%add3A_198, %dma_start3A_231] : memref<136x128xi32, #tpu.memory_space<vmem>> -> memref<1x128xi32, #tpu.memory_space<vmem>>
        %dma_start3A_233 = tpu.memref_squeeze %dma_start3A_232 : memref<1x128xi32, #tpu.memory_space<vmem>> -> memref<128xi32, #tpu.memory_space<vmem>>
        %dma_start3A_234 = arith.constant 0 : i32
        %dma_start3A_235 = arith.constant 0 : i32
        %dma_start3A_236 = tpu.memref_slice %arg12[%dma_start3A_234, %dma_start3A_235] : memref<10240x64xf32, #tpu.memory_space<vmem_shared>> -> memref<10240x64xf32, #tpu.memory_space<vmem_shared>>
        tpu.enqueue_indirect_dma source(%arg10 : memref<128x64xf32, #tpu.memory_space<vmem>>) target(%dma_start3A_236 : memref<10240x64xf32, #tpu.memory_space<vmem_shared>>) offsets(%dma_start3A_233 : memref<128xi32, #tpu.memory_space<vmem>>) semaphore(%run_scoped3A : memref<!tpu.dma_semaphore, #tpu.memory_space<semaphore_mem>>) {add = true}
        %dma_wait3A_237 = arith.constant 0 : i32
        %dma_wait3A_238 = tpu.memref_slice %arg7[%add3A_198, %dma_wait3A_237] : memref<136x128xi32, #tpu.memory_space<vmem>> -> memref<1x128xi32, #tpu.memory_space<vmem>>
        %dma_wait3A_239 = tpu.memref_squeeze %dma_wait3A_238 : memref<1x128xi32, #tpu.memory_space<vmem>> -> memref<128xi32, #tpu.memory_space<vmem>>
        %dma_wait3A_240 = arith.constant 0 : i32
        %dma_wait3A_241 = arith.constant 0 : i32
        %dma_wait3A_242 = tpu.memref_slice %arg12[%dma_wait3A_240, %dma_wait3A_241] : memref<10240x64xf32, #tpu.memory_space<vmem_shared>> -> memref<10240x64xf32, #tpu.memory_space<vmem_shared>>
        tpu.wait_indirect_dma semaphore(%run_scoped3A : memref<!tpu.dma_semaphore, #tpu.memory_space<semaphore_mem>>) src(%arg10 : memref<128x64xf32, #tpu.memory_space<vmem>>) dst(%dma_wait3A_242 : memref<10240x64xf32, #tpu.memory_space<vmem_shared>>)
        tpu.yield
      }) : () -> ()
      %mul3A_213 = arith.constant 4 : i32
      %mul3A_214 = arith.muli %mul3A_213, %while3A_162 : i32
      %add3A_215 = arith.constant 3 : i32
      %add3A_216 = arith.addi %mul3A_214, %add3A_215 : i32
      %add3A_217 = arith.constant 4 : i32
      %add3A_218 = arith.addi %add3A_216, %add3A_217 : i32
      %sub3A_219 = arith.constant 1 : i32
      %sub3A_220 = arith.subi %add3A_218, %sub3A_219 : i32
      %lt3A_221 = arith.cmpi slt, %sub3A_220, %select_n3A_8 : i32
      %convert_element_type3A_222 = arith.extui %lt3A_221 : i1 to i32
      %cond3A_223 = arith.constant 0 : i32
      %cond3A_224 = arith.cmpi ne, %convert_element_type3A_222, %cond3A_223 : i32
      scf.if %cond3A_224 {
        %dma_start3A_231 = arith.constant 0 : i32
        %dma_start3A_232 = tpu.memref_slice %arg6[%sub3A_220, %dma_start3A_231] : memref<136x128xi32, #tpu.memory_space<vmem>> -> memref<1x128xi32, #tpu.memory_space<vmem>>
        %dma_start3A_233 = tpu.memref_squeeze %dma_start3A_232 : memref<1x128xi32, #tpu.memory_space<vmem>> -> memref<128xi32, #tpu.memory_space<vmem>>
        %dma_start3A_234 = arith.constant 0 : i32
        %dma_start3A_235 = arith.constant 0 : i32
        %dma_start3A_236 = tpu.memref_slice %arg2[%dma_start3A_234, %dma_start3A_235] : memref<10000x64xf32, #tpu.memory_space<hbm>> -> memref<10000x64xf32, #tpu.memory_space<hbm>>
        tpu.enqueue_indirect_dma source(%dma_start3A_236 : memref<10000x64xf32, #tpu.memory_space<hbm>>) target(%arg10 : memref<128x64xf32, #tpu.memory_space<vmem>>) offsets(%dma_start3A_233 : memref<128xi32, #tpu.memory_space<vmem>>) semaphore(%arg15 : memref<!tpu.dma_semaphore, #tpu.memory_space<semaphore_mem>>)
      } else {
      }
      %dma_wait3A_225 = arith.constant 0 : i32
      %dma_wait3A_226 = tpu.memref_slice %arg6[%add3A_216, %dma_wait3A_225] : memref<136x128xi32, #tpu.memory_space<vmem>> -> memref<1x128xi32, #tpu.memory_space<vmem>>
      %dma_wait3A_227 = tpu.memref_squeeze %dma_wait3A_226 : memref<1x128xi32, #tpu.memory_space<vmem>> -> memref<128xi32, #tpu.memory_space<vmem>>
      %dma_wait3A_228 = arith.constant 0 : i32
      %dma_wait3A_229 = arith.constant 0 : i32
      %dma_wait3A_230 = tpu.memref_slice %arg2[%dma_wait3A_228, %dma_wait3A_229] : memref<10000x64xf32, #tpu.memory_space<hbm>> -> memref<10000x64xf32, #tpu.memory_space<hbm>>
      tpu.wait_indirect_dma semaphore(%arg16 : memref<!tpu.dma_semaphore, #tpu.memory_space<semaphore_mem>>) src(%dma_wait3A_230 : memref<10000x64xf32, #tpu.memory_space<hbm>>) dst(%arg11 : memref<128x64xf32, #tpu.memory_space<vmem>>)
      "tpu.region"() ({
        %run_scoped3A = tpu.sem_alloc : memref<!tpu.dma_semaphore, #tpu.memory_space<semaphore_mem>>
        %dma_start3A_231 = arith.constant 0 : i32
        %dma_start3A_232 = tpu.memref_slice %arg7[%add3A_216, %dma_start3A_231] : memref<136x128xi32, #tpu.memory_space<vmem>> -> memref<1x128xi32, #tpu.memory_space<vmem>>
        %dma_start3A_233 = tpu.memref_squeeze %dma_start3A_232 : memref<1x128xi32, #tpu.memory_space<vmem>> -> memref<128xi32, #tpu.memory_space<vmem>>
        %dma_start3A_234 = arith.constant 0 : i32
        %dma_start3A_235 = arith.constant 0 : i32
        %dma_start3A_236 = tpu.memref_slice %arg12[%dma_start3A_234, %dma_start3A_235] : memref<10240x64xf32, #tpu.memory_space<vmem_shared>> -> memref<10240x64xf32, #tpu.memory_space<vmem_shared>>
        tpu.enqueue_indirect_dma source(%arg11 : memref<128x64xf32, #tpu.memory_space<vmem>>) target(%dma_start3A_236 : memref<10240x64xf32, #tpu.memory_space<vmem_shared>>) offsets(%dma_start3A_233 : memref<128xi32, #tpu.memory_space<vmem>>) semaphore(%run_scoped3A : memref<!tpu.dma_semaphore, #tpu.memory_space<semaphore_mem>>) {add = true}
        %dma_wait3A_237 = arith.constant 0 : i32
        %dma_wait3A_238 = tpu.memref_slice %arg7[%add3A_216, %dma_wait3A_237] : memref<136x128xi32, #tpu.memory_space<vmem>> -> memref<1x128xi32, #tpu.memory_space<vmem>>
        %dma_wait3A_239 = tpu.memref_squeeze %dma_wait3A_238 : memref<1x128xi32, #tpu.memory_space<vmem>> -> memref<128xi32, #tpu.memory_space<vmem>>
        %dma_wait3A_240 = arith.constant 0 : i32
        %dma_wait3A_241 = arith.constant 0 : i32
        %dma_wait3A_242 = tpu.memref_slice %arg12[%dma_wait3A_240, %dma_wait3A_241] : memref<10240x64xf32, #tpu.memory_space<vmem_shared>> -> memref<10240x64xf32, #tpu.memory_space<vmem_shared>>
        tpu.wait_indirect_dma semaphore(%run_scoped3A : memref<!tpu.dma_semaphore, #tpu.memory_space<semaphore_mem>>) src(%arg11 : memref<128x64xf32, #tpu.memory_space<vmem>>) dst(%dma_wait3A_242 : memref<10240x64xf32, #tpu.memory_space<vmem_shared>>)
        tpu.yield
      }) : () -> ()
    }
    %while3A_82 = arith.constant 1 : i32
    scf.for %while3A_162 = %while3A_80 to %while3A_76 step %while3A_82  : i32 {
      %mul3A_163 = arith.constant 4 : i32
      %mul3A_164 = arith.muli %mul3A_163, %while3A_162 : i32
      %add3A_165 = arith.constant 0 : i32
      %add3A_166 = arith.addi %mul3A_164, %add3A_165 : i32
      %add3A_167 = arith.constant 4 : i32
      %add3A_168 = arith.addi %add3A_166, %add3A_167 : i32
      %sub3A = arith.constant 1 : i32
      %sub3A_169 = arith.subi %add3A_168, %sub3A : i32
      %lt3A = arith.cmpi slt, %sub3A_169, %select_n3A_8 : i32
      %convert_element_type3A = arith.extui %lt3A : i1 to i32
      %cond3A = arith.constant 0 : i32
      %cond3A_170 = arith.cmpi ne, %convert_element_type3A, %cond3A : i32
      scf.if %cond3A_170 {
        %dma_start3A_231 = arith.constant 0 : i32
        %dma_start3A_232 = tpu.memref_slice %arg6[%sub3A_169, %dma_start3A_231] : memref<136x128xi32, #tpu.memory_space<vmem>> -> memref<1x128xi32, #tpu.memory_space<vmem>>
        %dma_start3A_233 = tpu.memref_squeeze %dma_start3A_232 : memref<1x128xi32, #tpu.memory_space<vmem>> -> memref<128xi32, #tpu.memory_space<vmem>>
        %dma_start3A_234 = arith.constant 0 : i32
        %dma_start3A_235 = arith.constant 0 : i32
        %dma_start3A_236 = tpu.memref_slice %arg2[%dma_start3A_234, %dma_start3A_235] : memref<10000x64xf32, #tpu.memory_space<hbm>> -> memref<10000x64xf32, #tpu.memory_space<hbm>>
        tpu.enqueue_indirect_dma source(%dma_start3A_236 : memref<10000x64xf32, #tpu.memory_space<hbm>>) target(%arg11 : memref<128x64xf32, #tpu.memory_space<vmem>>) offsets(%dma_start3A_233 : memref<128xi32, #tpu.memory_space<vmem>>) semaphore(%arg16 : memref<!tpu.dma_semaphore, #tpu.memory_space<semaphore_mem>>)
      } else {
      }
      %dma_wait3A_171 = arith.constant 0 : i32
      %dma_wait3A_172 = tpu.memref_slice %arg6[%add3A_166, %dma_wait3A_171] : memref<136x128xi32, #tpu.memory_space<vmem>> -> memref<1x128xi32, #tpu.memory_space<vmem>>
      %dma_wait3A_173 = tpu.memref_squeeze %dma_wait3A_172 : memref<1x128xi32, #tpu.memory_space<vmem>> -> memref<128xi32, #tpu.memory_space<vmem>>
      %dma_wait3A_174 = arith.constant 0 : i32
      %dma_wait3A_175 = arith.constant 0 : i32
      %dma_wait3A_176 = tpu.memref_slice %arg2[%dma_wait3A_174, %dma_wait3A_175] : memref<10000x64xf32, #tpu.memory_space<hbm>> -> memref<10000x64xf32, #tpu.memory_space<hbm>>
      tpu.wait_indirect_dma semaphore(%arg13 : memref<!tpu.dma_semaphore, #tpu.memory_space<semaphore_mem>>) src(%dma_wait3A_176 : memref<10000x64xf32, #tpu.memory_space<hbm>>) dst(%arg8 : memref<128x64xf32, #tpu.memory_space<vmem>>)
      "tpu.region"() ({
        %run_scoped3A = tpu.sem_alloc : memref<!tpu.dma_semaphore, #tpu.memory_space<semaphore_mem>>
        %dma_start3A_231 = arith.constant 0 : i32
        %dma_start3A_232 = tpu.memref_slice %arg7[%add3A_166, %dma_start3A_231] : memref<136x128xi32, #tpu.memory_space<vmem>> -> memref<1x128xi32, #tpu.memory_space<vmem>>
        %dma_start3A_233 = tpu.memref_squeeze %dma_start3A_232 : memref<1x128xi32, #tpu.memory_space<vmem>> -> memref<128xi32, #tpu.memory_space<vmem>>
        %dma_start3A_234 = arith.constant 0 : i32
        %dma_start3A_235 = arith.constant 0 : i32
        %dma_start3A_236 = tpu.memref_slice %arg12[%dma_start3A_234, %dma_start3A_235] : memref<10240x64xf32, #tpu.memory_space<vmem_shared>> -> memref<10240x64xf32, #tpu.memory_space<vmem_shared>>
        tpu.enqueue_indirect_dma source(%arg8 : memref<128x64xf32, #tpu.memory_space<vmem>>) target(%dma_start3A_236 : memref<10240x64xf32, #tpu.memory_space<vmem_shared>>) offsets(%dma_start3A_233 : memref<128xi32, #tpu.memory_space<vmem>>) semaphore(%run_scoped3A : memref<!tpu.dma_semaphore, #tpu.memory_space<semaphore_mem>>) {add = true}
        %dma_wait3A_237 = arith.constant 0 : i32
        %dma_wait3A_238 = tpu.memref_slice %arg7[%add3A_166, %dma_wait3A_237] : memref<136x128xi32, #tpu.memory_space<vmem>> -> memref<1x128xi32, #tpu.memory_space<vmem>>
        %dma_wait3A_239 = tpu.memref_squeeze %dma_wait3A_238 : memref<1x128xi32, #tpu.memory_space<vmem>> -> memref<128xi32, #tpu.memory_space<vmem>>
        %dma_wait3A_240 = arith.constant 0 : i32
        %dma_wait3A_241 = arith.constant 0 : i32
        %dma_wait3A_242 = tpu.memref_slice %arg12[%dma_wait3A_240, %dma_wait3A_241] : memref<10240x64xf32, #tpu.memory_space<vmem_shared>> -> memref<10240x64xf32, #tpu.memory_space<vmem_shared>>
        tpu.wait_indirect_dma semaphore(%run_scoped3A : memref<!tpu.dma_semaphore, #tpu.memory_space<semaphore_mem>>) src(%arg8 : memref<128x64xf32, #tpu.memory_space<vmem>>) dst(%dma_wait3A_242 : memref<10240x64xf32, #tpu.memory_space<vmem_shared>>)
        tpu.yield
      }) : () -> ()
      %mul3A_177 = arith.constant 4 : i32
      %mul3A_178 = arith.muli %mul3A_177, %while3A_162 : i32
      %add3A_179 = arith.constant 1 : i32
      %add3A_180 = arith.addi %mul3A_178, %add3A_179 : i32
      %add3A_181 = arith.constant 4 : i32
      %add3A_182 = arith.addi %add3A_180, %add3A_181 : i32
      %sub3A_183 = arith.constant 1 : i32
      %sub3A_184 = arith.subi %add3A_182, %sub3A_183 : i32
      %lt3A_185 = arith.cmpi slt, %sub3A_184, %select_n3A_8 : i32
      %convert_element_type3A_186 = arith.extui %lt3A_185 : i1 to i32
      %cond3A_187 = arith.constant 0 : i32
      %cond3A_188 = arith.cmpi ne, %convert_element_type3A_186, %cond3A_187 : i32
      scf.if %cond3A_188 {
        %dma_start3A_231 = arith.constant 0 : i32
        %dma_start3A_232 = tpu.memref_slice %arg6[%sub3A_184, %dma_start3A_231] : memref<136x128xi32, #tpu.memory_space<vmem>> -> memref<1x128xi32, #tpu.memory_space<vmem>>
        %dma_start3A_233 = tpu.memref_squeeze %dma_start3A_232 : memref<1x128xi32, #tpu.memory_space<vmem>> -> memref<128xi32, #tpu.memory_space<vmem>>
        %dma_start3A_234 = arith.constant 0 : i32
        %dma_start3A_235 = arith.constant 0 : i32
        %dma_start3A_236 = tpu.memref_slice %arg2[%dma_start3A_234, %dma_start3A_235] : memref<10000x64xf32, #tpu.memory_space<hbm>> -> memref<10000x64xf32, #tpu.memory_space<hbm>>
        tpu.enqueue_indirect_dma source(%dma_start3A_236 : memref<10000x64xf32, #tpu.memory_space<hbm>>) target(%arg8 : memref<128x64xf32, #tpu.memory_space<vmem>>) offsets(%dma_start3A_233 : memref<128xi32, #tpu.memory_space<vmem>>) semaphore(%arg13 : memref<!tpu.dma_semaphore, #tpu.memory_space<semaphore_mem>>)
      } else {
      }
      %dma_wait3A_189 = arith.constant 0 : i32
      %dma_wait3A_190 = tpu.memref_slice %arg6[%add3A_180, %dma_wait3A_189] : memref<136x128xi32, #tpu.memory_space<vmem>> -> memref<1x128xi32, #tpu.memory_space<vmem>>
      %dma_wait3A_191 = tpu.memref_squeeze %dma_wait3A_190 : memref<1x128xi32, #tpu.memory_space<vmem>> -> memref<128xi32, #tpu.memory_space<vmem>>
      %dma_wait3A_192 = arith.constant 0 : i32
      %dma_wait3A_193 = arith.constant 0 : i32
      %dma_wait3A_194 = tpu.memref_slice %arg2[%dma_wait3A_192, %dma_wait3A_193] : memref<10000x64xf32, #tpu.memory_space<hbm>> -> memref<10000x64xf32, #tpu.memory_space<hbm>>
      tpu.wait_indirect_dma semaphore(%arg14 : memref<!tpu.dma_semaphore, #tpu.memory_space<semaphore_mem>>) src(%dma_wait3A_194 : memref<10000x64xf32, #tpu.memory_space<hbm>>) dst(%arg9 : memref<128x64xf32, #tpu.memory_space<vmem>>)
      "tpu.region"() ({
        %run_scoped3A = tpu.sem_alloc : memref<!tpu.dma_semaphore, #tpu.memory_space<semaphore_mem>>
        %dma_start3A_231 = arith.constant 0 : i32
        %dma_start3A_232 = tpu.memref_slice %arg7[%add3A_180, %dma_start3A_231] : memref<136x128xi32, #tpu.memory_space<vmem>> -> memref<1x128xi32, #tpu.memory_space<vmem>>
        %dma_start3A_233 = tpu.memref_squeeze %dma_start3A_232 : memref<1x128xi32, #tpu.memory_space<vmem>> -> memref<128xi32, #tpu.memory_space<vmem>>
        %dma_start3A_234 = arith.constant 0 : i32
        %dma_start3A_235 = arith.constant 0 : i32
        %dma_start3A_236 = tpu.memref_slice %arg12[%dma_start3A_234, %dma_start3A_235] : memref<10240x64xf32, #tpu.memory_space<vmem_shared>> -> memref<10240x64xf32, #tpu.memory_space<vmem_shared>>
        tpu.enqueue_indirect_dma source(%arg9 : memref<128x64xf32, #tpu.memory_space<vmem>>) target(%dma_start3A_236 : memref<10240x64xf32, #tpu.memory_space<vmem_shared>>) offsets(%dma_start3A_233 : memref<128xi32, #tpu.memory_space<vmem>>) semaphore(%run_scoped3A : memref<!tpu.dma_semaphore, #tpu.memory_space<semaphore_mem>>) {add = true}
        %dma_wait3A_237 = arith.constant 0 : i32
        %dma_wait3A_238 = tpu.memref_slice %arg7[%add3A_180, %dma_wait3A_237] : memref<136x128xi32, #tpu.memory_space<vmem>> -> memref<1x128xi32, #tpu.memory_space<vmem>>
        %dma_wait3A_239 = tpu.memref_squeeze %dma_wait3A_238 : memref<1x128xi32, #tpu.memory_space<vmem>> -> memref<128xi32, #tpu.memory_space<vmem>>
        %dma_wait3A_240 = arith.constant 0 : i32
        %dma_wait3A_241 = arith.constant 0 : i32
        %dma_wait3A_242 = tpu.memref_slice %arg12[%dma_wait3A_240, %dma_wait3A_241] : memref<10240x64xf32, #tpu.memory_space<vmem_shared>> -> memref<10240x64xf32, #tpu.memory_space<vmem_shared>>
        tpu.wait_indirect_dma semaphore(%run_scoped3A : memref<!tpu.dma_semaphore, #tpu.memory_space<semaphore_mem>>) src(%arg9 : memref<128x64xf32, #tpu.memory_space<vmem>>) dst(%dma_wait3A_242 : memref<10240x64xf32, #tpu.memory_space<vmem_shared>>)
        tpu.yield
      }) : () -> ()
      %mul3A_195 = arith.constant 4 : i32
      %mul3A_196 = arith.muli %mul3A_195, %while3A_162 : i32
      %add3A_197 = arith.constant 2 : i32
      %add3A_198 = arith.addi %mul3A_196, %add3A_197 : i32
      %add3A_199 = arith.constant 4 : i32
      %add3A_200 = arith.addi %add3A_198, %add3A_199 : i32
      %sub3A_201 = arith.constant 1 : i32
      %sub3A_202 = arith.subi %add3A_200, %sub3A_201 : i32
      %lt3A_203 = arith.cmpi slt, %sub3A_202, %select_n3A_8 : i32
      %convert_element_type3A_204 = arith.extui %lt3A_203 : i1 to i32
      %cond3A_205 = arith.constant 0 : i32
      %cond3A_206 = arith.cmpi ne, %convert_element_type3A_204, %cond3A_205 : i32
      scf.if %cond3A_206 {
        %dma_start3A_231 = arith.constant 0 : i32
        %dma_start3A_232 = tpu.memref_slice %arg6[%sub3A_202, %dma_start3A_231] : memref<136x128xi32, #tpu.memory_space<vmem>> -> memref<1x128xi32, #tpu.memory_space<vmem>>
        %dma_start3A_233 = tpu.memref_squeeze %dma_start3A_232 : memref<1x128xi32, #tpu.memory_space<vmem>> -> memref<128xi32, #tpu.memory_space<vmem>>
        %dma_start3A_234 = arith.constant 0 : i32
        %dma_start3A_235 = arith.constant 0 : i32
        %dma_start3A_236 = tpu.memref_slice %arg2[%dma_start3A_234, %dma_start3A_235] : memref<10000x64xf32, #tpu.memory_space<hbm>> -> memref<10000x64xf32, #tpu.memory_space<hbm>>
        tpu.enqueue_indirect_dma source(%dma_start3A_236 : memref<10000x64xf32, #tpu.memory_space<hbm>>) target(%arg9 : memref<128x64xf32, #tpu.memory_space<vmem>>) offsets(%dma_start3A_233 : memref<128xi32, #tpu.memory_space<vmem>>) semaphore(%arg14 : memref<!tpu.dma_semaphore, #tpu.memory_space<semaphore_mem>>)
      } else {
      }
      %dma_wait3A_207 = arith.constant 0 : i32
      %dma_wait3A_208 = tpu.memref_slice %arg6[%add3A_198, %dma_wait3A_207] : memref<136x128xi32, #tpu.memory_space<vmem>> -> memref<1x128xi32, #tpu.memory_space<vmem>>
      %dma_wait3A_209 = tpu.memref_squeeze %dma_wait3A_208 : memref<1x128xi32, #tpu.memory_space<vmem>> -> memref<128xi32, #tpu.memory_space<vmem>>
      %dma_wait3A_210 = arith.constant 0 : i32
      %dma_wait3A_211 = arith.constant 0 : i32
      %dma_wait3A_212 = tpu.memref_slice %arg2[%dma_wait3A_210, %dma_wait3A_211] : memref<10000x64xf32, #tpu.memory_space<hbm>> -> memref<10000x64xf32, #tpu.memory_space<hbm>>
      tpu.wait_indirect_dma semaphore(%arg15 : memref<!tpu.dma_semaphore, #tpu.memory_space<semaphore_mem>>) src(%dma_wait3A_212 : memref<10000x64xf32, #tpu.memory_space<hbm>>) dst(%arg10 : memref<128x64xf32, #tpu.memory_space<vmem>>)
      "tpu.region"() ({
        %run_scoped3A = tpu.sem_alloc : memref<!tpu.dma_semaphore, #tpu.memory_space<semaphore_mem>>
        %dma_start3A_231 = arith.constant 0 : i32
        %dma_start3A_232 = tpu.memref_slice %arg7[%add3A_198, %dma_start3A_231] : memref<136x128xi32, #tpu.memory_space<vmem>> -> memref<1x128xi32, #tpu.memory_space<vmem>>
        %dma_start3A_233 = tpu.memref_squeeze %dma_start3A_232 : memref<1x128xi32, #tpu.memory_space<vmem>> -> memref<128xi32, #tpu.memory_space<vmem>>
        %dma_start3A_234 = arith.constant 0 : i32
        %dma_start3A_235 = arith.constant 0 : i32
        %dma_start3A_236 = tpu.memref_slice %arg12[%dma_start3A_234, %dma_start3A_235] : memref<10240x64xf32, #tpu.memory_space<vmem_shared>> -> memref<10240x64xf32, #tpu.memory_space<vmem_shared>>
        tpu.enqueue_indirect_dma source(%arg10 : memref<128x64xf32, #tpu.memory_space<vmem>>) target(%dma_start3A_236 : memref<10240x64xf32, #tpu.memory_space<vmem_shared>>) offsets(%dma_start3A_233 : memref<128xi32, #tpu.memory_space<vmem>>) semaphore(%run_scoped3A : memref<!tpu.dma_semaphore, #tpu.memory_space<semaphore_mem>>) {add = true}
        %dma_wait3A_237 = arith.constant 0 : i32
        %dma_wait3A_238 = tpu.memref_slice %arg7[%add3A_198, %dma_wait3A_237] : memref<136x128xi32, #tpu.memory_space<vmem>> -> memref<1x128xi32, #tpu.memory_space<vmem>>
        %dma_wait3A_239 = tpu.memref_squeeze %dma_wait3A_238 : memref<1x128xi32, #tpu.memory_space<vmem>> -> memref<128xi32, #tpu.memory_space<vmem>>
        %dma_wait3A_240 = arith.constant 0 : i32
        %dma_wait3A_241 = arith.constant 0 : i32
        %dma_wait3A_242 = tpu.memref_slice %arg12[%dma_wait3A_240, %dma_wait3A_241] : memref<10240x64xf32, #tpu.memory_space<vmem_shared>> -> memref<10240x64xf32, #tpu.memory_space<vmem_shared>>
        tpu.wait_indirect_dma semaphore(%run_scoped3A : memref<!tpu.dma_semaphore, #tpu.memory_space<semaphore_mem>>) src(%arg10 : memref<128x64xf32, #tpu.memory_space<vmem>>) dst(%dma_wait3A_242 : memref<10240x64xf32, #tpu.memory_space<vmem_shared>>)
        tpu.yield
      }) : () -> ()
      %mul3A_213 = arith.constant 4 : i32
      %mul3A_214 = arith.muli %mul3A_213, %while3A_162 : i32
      %add3A_215 = arith.constant 3 : i32
      %add3A_216 = arith.addi %mul3A_214, %add3A_215 : i32
      %add3A_217 = arith.constant 4 : i32
      %add3A_218 = arith.addi %add3A_216, %add3A_217 : i32
      %sub3A_219 = arith.constant 1 : i32
      %sub3A_220 = arith.subi %add3A_218, %sub3A_219 : i32
      %lt3A_221 = arith.cmpi slt, %sub3A_220, %select_n3A_8 : i32
      %convert_element_type3A_222 = arith.extui %lt3A_221 : i1 to i32
      %cond3A_223 = arith.constant 0 : i32
      %cond3A_224 = arith.cmpi ne, %convert_element_type3A_222, %cond3A_223 : i32
      scf.if %cond3A_224 {
        %dma_start3A_231 = arith.constant 0 : i32
        %dma_start3A_232 = tpu.memref_slice %arg6[%sub3A_220, %dma_start3A_231] : memref<136x128xi32, #tpu.memory_space<vmem>> -> memref<1x128xi32, #tpu.memory_space<vmem>>
        %dma_start3A_233 = tpu.memref_squeeze %dma_start3A_232 : memref<1x128xi32, #tpu.memory_space<vmem>> -> memref<128xi32, #tpu.memory_space<vmem>>
        %dma_start3A_234 = arith.constant 0 : i32
        %dma_start3A_235 = arith.constant 0 : i32
        %dma_start3A_236 = tpu.memref_slice %arg2[%dma_start3A_234, %dma_start3A_235] : memref<10000x64xf32, #tpu.memory_space<hbm>> -> memref<10000x64xf32, #tpu.memory_space<hbm>>
        tpu.enqueue_indirect_dma source(%dma_start3A_236 : memref<10000x64xf32, #tpu.memory_space<hbm>>) target(%arg10 : memref<128x64xf32, #tpu.memory_space<vmem>>) offsets(%dma_start3A_233 : memref<128xi32, #tpu.memory_space<vmem>>) semaphore(%arg15 : memref<!tpu.dma_semaphore, #tpu.memory_space<semaphore_mem>>)
      } else {
      }
      %dma_wait3A_225 = arith.constant 0 : i32
      %dma_wait3A_226 = tpu.memref_slice %arg6[%add3A_216, %dma_wait3A_225] : memref<136x128xi32, #tpu.memory_space<vmem>> -> memref<1x128xi32, #tpu.memory_space<vmem>>
      %dma_wait3A_227 = tpu.memref_squeeze %dma_wait3A_226 : memref<1x128xi32, #tpu.memory_space<vmem>> -> memref<128xi32, #tpu.memory_space<vmem>>
      %dma_wait3A_228 = arith.constant 0 : i32
      %dma_wait3A_229 = arith.constant 0 : i32
      %dma_wait3A_230 = tpu.memref_slice %arg2[%dma_wait3A_228, %dma_wait3A_229] : memref<10000x64xf32, #tpu.memory_space<hbm>> -> memref<10000x64xf32, #tpu.memory_space<hbm>>
      tpu.wait_indirect_dma semaphore(%arg16 : memref<!tpu.dma_semaphore, #tpu.memory_space<semaphore_mem>>) src(%dma_wait3A_230 : memref<10000x64xf32, #tpu.memory_space<hbm>>) dst(%arg11 : memref<128x64xf32, #tpu.memory_space<vmem>>)
      "tpu.region"() ({
        %run_scoped3A = tpu.sem_alloc : memref<!tpu.dma_semaphore, #tpu.memory_space<semaphore_mem>>
        %dma_start3A_231 = arith.constant 0 : i32
        %dma_start3A_232 = tpu.memref_slice %arg7[%add3A_216, %dma_start3A_231] : memref<136x128xi32, #tpu.memory_space<vmem>> -> memref<1x128xi32, #tpu.memory_space<vmem>>
        %dma_start3A_233 = tpu.memref_squeeze %dma_start3A_232 : memref<1x128xi32, #tpu.memory_space<vmem>> -> memref<128xi32, #tpu.memory_space<vmem>>
        %dma_start3A_234 = arith.constant 0 : i32
        %dma_start3A_235 = arith.constant 0 : i32
        %dma_start3A_236 = tpu.memref_slice %arg12[%dma_start3A_234, %dma_start3A_235] : memref<10240x64xf32, #tpu.memory_space<vmem_shared>> -> memref<10240x64xf32, #tpu.memory_space<vmem_shared>>
        tpu.enqueue_indirect_dma source(%arg11 : memref<128x64xf32, #tpu.memory_space<vmem>>) target(%dma_start3A_236 : memref<10240x64xf32, #tpu.memory_space<vmem_shared>>) offsets(%dma_start3A_233 : memref<128xi32, #tpu.memory_space<vmem>>) semaphore(%run_scoped3A : memref<!tpu.dma_semaphore, #tpu.memory_space<semaphore_mem>>) {add = true}
        %dma_wait3A_237 = arith.constant 0 : i32
        %dma_wait3A_238 = tpu.memref_slice %arg7[%add3A_216, %dma_wait3A_237] : memref<136x128xi32, #tpu.memory_space<vmem>> -> memref<1x128xi32, #tpu.memory_space<vmem>>
        %dma_wait3A_239 = tpu.memref_squeeze %dma_wait3A_238 : memref<1x128xi32, #tpu.memory_space<vmem>> -> memref<128xi32, #tpu.memory_space<vmem>>
        %dma_wait3A_240 = arith.constant 0 : i32
        %dma_wait3A_241 = arith.constant 0 : i32
        %dma_wait3A_242 = tpu.memref_slice %arg12[%dma_wait3A_240, %dma_wait3A_241] : memref<10240x64xf32, #tpu.memory_space<vmem_shared>> -> memref<10240x64xf32, #tpu.memory_space<vmem_shared>>
        tpu.wait_indirect_dma semaphore(%run_scoped3A : memref<!tpu.dma_semaphore, #tpu.memory_space<semaphore_mem>>) src(%arg11 : memref<128x64xf32, #tpu.memory_space<vmem>>) dst(%dma_wait3A_242 : memref<10240x64xf32, #tpu.memory_space<vmem_shared>>)
        tpu.yield
      }) : () -> ()
    }
    %barrier3A_83 = arith.constant 0 : index
    tpu.barrier barrier_id(%barrier3A_83)
    %mul3A_84 = arith.constant 640 : i32
    %mul3A_85 = arith.muli %arg1, %mul3A_84 : i32
    %dma_start3A_86 = arith.constant 0 : i32
    %dma_start3A_87 = tpu.memref_slice %arg12[%mul3A_85, %dma_start3A_86] : memref<10240x64xf32, #tpu.memory_space<vmem_shared>> -> memref<128x64xf32, #tpu.memory_space<vmem_shared>>
    %dma_start3A_88 = arith.constant 0 : i32
    %dma_start3A_89 = tpu.memref_slice %arg12[%mul3A_85, %dma_start3A_88] : memref<10240x64xf32, #tpu.memory_space<vmem_shared>> -> memref<128x64xf32, #tpu.memory_space<vmem_shared>>
    tpu.enqueue_dma source(%dma_start3A_89 : memref<128x64xf32, #tpu.memory_space<vmem_shared>>) target(%arg8 : memref<128x64xf32, #tpu.memory_space<vmem>>) target_semaphore(%arg13 : memref<!tpu.dma_semaphore, #tpu.memory_space<semaphore_mem>>)
    %dma_wait3A_90 = arith.constant 0 : i32
    %dma_wait3A_91 = tpu.memref_slice %arg12[%mul3A_85, %dma_wait3A_90] : memref<10240x64xf32, #tpu.memory_space<vmem_shared>> -> memref<128x64xf32, #tpu.memory_space<vmem_shared>>
    %dma_wait3A_92 = arith.constant 0 : i32
    %dma_wait3A_93 = tpu.memref_slice %arg12[%mul3A_85, %dma_wait3A_92] : memref<10240x64xf32, #tpu.memory_space<vmem_shared>> -> memref<128x64xf32, #tpu.memory_space<vmem_shared>>
    tpu.wait_dma2 semaphore(%arg13 : memref<!tpu.dma_semaphore, #tpu.memory_space<semaphore_mem>>) src(%dma_wait3A_93 : memref<128x64xf32, #tpu.memory_space<vmem_shared>>) dst(%arg8 : memref<128x64xf32, #tpu.memory_space<vmem>>)
    %mul3A_94 = arith.constant 640 : i32
    %mul3A_95 = arith.muli %arg1, %mul3A_94 : i32
    %add3A_96 = arith.constant 128 : i32
    %add3A_97 = arith.addi %mul3A_95, %add3A_96 : i32
    %dma_start3A_98 = arith.constant 0 : i32
    %dma_start3A_99 = tpu.memref_slice %arg12[%add3A_97, %dma_start3A_98] : memref<10240x64xf32, #tpu.memory_space<vmem_shared>> -> memref<128x64xf32, #tpu.memory_space<vmem_shared>>
    %dma_start3A_100 = arith.constant 0 : i32
    %dma_start3A_101 = tpu.memref_slice %arg12[%add3A_97, %dma_start3A_100] : memref<10240x64xf32, #tpu.memory_space<vmem_shared>> -> memref<128x64xf32, #tpu.memory_space<vmem_shared>>
    tpu.enqueue_dma source(%dma_start3A_101 : memref<128x64xf32, #tpu.memory_space<vmem_shared>>) target(%arg9 : memref<128x64xf32, #tpu.memory_space<vmem>>) target_semaphore(%arg14 : memref<!tpu.dma_semaphore, #tpu.memory_space<semaphore_mem>>)
    %mul3A_102 = arith.constant 640 : i32
    %mul3A_103 = arith.muli %arg1, %mul3A_102 : i32
    %add3A_104 = arith.constant 0 : i32
    %add3A_105 = arith.addi %mul3A_103, %add3A_104 : i32
    "tpu.region"() ({
      %run_scoped3A = tpu.sem_alloc : memref<!tpu.dma_semaphore, #tpu.memory_space<semaphore_mem>>
      %dma_start3A_162 = arith.constant 0 : i32
      %dma_start3A_163 = tpu.memref_slice %arg5[%arg0, %add3A_105, %dma_start3A_162] : memref<2x10240x64xf32, #tpu.memory_space<hbm>> -> memref<1x128x64xf32, #tpu.memory_space<hbm>>
      %dma_start3A_164 = tpu.memref_squeeze %dma_start3A_163 : memref<1x128x64xf32, #tpu.memory_space<hbm>> -> memref<128x64xf32, #tpu.memory_space<hbm>>
      %dma_start3A_165 = arith.constant 0 : i32
      %dma_start3A_166 = tpu.memref_slice %arg5[%arg0, %add3A_105, %dma_start3A_165] : memref<2x10240x64xf32, #tpu.memory_space<hbm>> -> memref<1x128x64xf32, #tpu.memory_space<hbm>>
      %dma_start3A_167 = tpu.memref_squeeze %dma_start3A_166 : memref<1x128x64xf32, #tpu.memory_space<hbm>> -> memref<128x64xf32, #tpu.memory_space<hbm>>
      tpu.enqueue_dma source(%arg8 : memref<128x64xf32, #tpu.memory_space<vmem>>) target(%dma_start3A_167 : memref<128x64xf32, #tpu.memory_space<hbm>>) target_semaphore(%run_scoped3A : memref<!tpu.dma_semaphore, #tpu.memory_space<semaphore_mem>>)
      %dma_wait3A_168 = arith.constant 0 : i32
      %dma_wait3A_169 = tpu.memref_slice %arg5[%arg0, %add3A_105, %dma_wait3A_168] : memref<2x10240x64xf32, #tpu.memory_space<hbm>> -> memref<1x128x64xf32, #tpu.memory_space<hbm>>
      %dma_wait3A_170 = tpu.memref_squeeze %dma_wait3A_169 : memref<1x128x64xf32, #tpu.memory_space<hbm>> -> memref<128x64xf32, #tpu.memory_space<hbm>>
      %dma_wait3A_171 = arith.constant 0 : i32
      %dma_wait3A_172 = tpu.memref_slice %arg5[%arg0, %add3A_105, %dma_wait3A_171] : memref<2x10240x64xf32, #tpu.memory_space<hbm>> -> memref<1x128x64xf32, #tpu.memory_space<hbm>>
      %dma_wait3A_173 = tpu.memref_squeeze %dma_wait3A_172 : memref<1x128x64xf32, #tpu.memory_space<hbm>> -> memref<128x64xf32, #tpu.memory_space<hbm>>
      tpu.wait_dma2 semaphore(%run_scoped3A : memref<!tpu.dma_semaphore, #tpu.memory_space<semaphore_mem>>) src(%arg8 : memref<128x64xf32, #tpu.memory_space<vmem>>) dst(%dma_wait3A_173 : memref<128x64xf32, #tpu.memory_space<hbm>>)
      tpu.yield
    }) : () -> ()
    %dma_wait3A_106 = arith.constant 0 : i32
    %dma_wait3A_107 = tpu.memref_slice %arg12[%add3A_97, %dma_wait3A_106] : memref<10240x64xf32, #tpu.memory_space<vmem_shared>> -> memref<128x64xf32, #tpu.memory_space<vmem_shared>>
    %dma_wait3A_108 = arith.constant 0 : i32
    %dma_wait3A_109 = tpu.memref_slice %arg12[%add3A_97, %dma_wait3A_108] : memref<10240x64xf32, #tpu.memory_space<vmem_shared>> -> memref<128x64xf32, #tpu.memory_space<vmem_shared>>
    tpu.wait_dma2 semaphore(%arg14 : memref<!tpu.dma_semaphore, #tpu.memory_space<semaphore_mem>>) src(%dma_wait3A_109 : memref<128x64xf32, #tpu.memory_space<vmem_shared>>) dst(%arg9 : memref<128x64xf32, #tpu.memory_space<vmem>>)
    %mul3A_110 = arith.constant 640 : i32
    %mul3A_111 = arith.muli %arg1, %mul3A_110 : i32
    %add3A_112 = arith.constant 256 : i32
    %add3A_113 = arith.addi %mul3A_111, %add3A_112 : i32
    %dma_start3A_114 = arith.constant 0 : i32
    %dma_start3A_115 = tpu.memref_slice %arg12[%add3A_113, %dma_start3A_114] : memref<10240x64xf32, #tpu.memory_space<vmem_shared>> -> memref<128x64xf32, #tpu.memory_space<vmem_shared>>
    %dma_start3A_116 = arith.constant 0 : i32
    %dma_start3A_117 = tpu.memref_slice %arg12[%add3A_113, %dma_start3A_116] : memref<10240x64xf32, #tpu.memory_space<vmem_shared>> -> memref<128x64xf32, #tpu.memory_space<vmem_shared>>
    tpu.enqueue_dma source(%dma_start3A_117 : memref<128x64xf32, #tpu.memory_space<vmem_shared>>) target(%arg8 : memref<128x64xf32, #tpu.memory_space<vmem>>) target_semaphore(%arg13 : memref<!tpu.dma_semaphore, #tpu.memory_space<semaphore_mem>>)
    %mul3A_118 = arith.constant 640 : i32
    %mul3A_119 = arith.muli %arg1, %mul3A_118 : i32
    %add3A_120 = arith.constant 128 : i32
    %add3A_121 = arith.addi %mul3A_119, %add3A_120 : i32
    "tpu.region"() ({
      %run_scoped3A = tpu.sem_alloc : memref<!tpu.dma_semaphore, #tpu.memory_space<semaphore_mem>>
      %dma_start3A_162 = arith.constant 0 : i32
      %dma_start3A_163 = tpu.memref_slice %arg5[%arg0, %add3A_121, %dma_start3A_162] : memref<2x10240x64xf32, #tpu.memory_space<hbm>> -> memref<1x128x64xf32, #tpu.memory_space<hbm>>
      %dma_start3A_164 = tpu.memref_squeeze %dma_start3A_163 : memref<1x128x64xf32, #tpu.memory_space<hbm>> -> memref<128x64xf32, #tpu.memory_space<hbm>>
      %dma_start3A_165 = arith.constant 0 : i32
      %dma_start3A_166 = tpu.memref_slice %arg5[%arg0, %add3A_121, %dma_start3A_165] : memref<2x10240x64xf32, #tpu.memory_space<hbm>> -> memref<1x128x64xf32, #tpu.memory_space<hbm>>
      %dma_start3A_167 = tpu.memref_squeeze %dma_start3A_166 : memref<1x128x64xf32, #tpu.memory_space<hbm>> -> memref<128x64xf32, #tpu.memory_space<hbm>>
      tpu.enqueue_dma source(%arg9 : memref<128x64xf32, #tpu.memory_space<vmem>>) target(%dma_start3A_167 : memref<128x64xf32, #tpu.memory_space<hbm>>) target_semaphore(%run_scoped3A : memref<!tpu.dma_semaphore, #tpu.memory_space<semaphore_mem>>)
      %dma_wait3A_168 = arith.constant 0 : i32
      %dma_wait3A_169 = tpu.memref_slice %arg5[%arg0, %add3A_121, %dma_wait3A_168] : memref<2x10240x64xf32, #tpu.memory_space<hbm>> -> memref<1x128x64xf32, #tpu.memory_space<hbm>>
      %dma_wait3A_170 = tpu.memref_squeeze %dma_wait3A_169 : memref<1x128x64xf32, #tpu.memory_space<hbm>> -> memref<128x64xf32, #tpu.memory_space<hbm>>
      %dma_wait3A_171 = arith.constant 0 : i32
      %dma_wait3A_172 = tpu.memref_slice %arg5[%arg0, %add3A_121, %dma_wait3A_171] : memref<2x10240x64xf32, #tpu.memory_space<hbm>> -> memref<1x128x64xf32, #tpu.memory_space<hbm>>
      %dma_wait3A_173 = tpu.memref_squeeze %dma_wait3A_172 : memref<1x128x64xf32, #tpu.memory_space<hbm>> -> memref<128x64xf32, #tpu.memory_space<hbm>>
      tpu.wait_dma2 semaphore(%run_scoped3A : memref<!tpu.dma_semaphore, #tpu.memory_space<semaphore_mem>>) src(%arg9 : memref<128x64xf32, #tpu.memory_space<vmem>>) dst(%dma_wait3A_173 : memref<128x64xf32, #tpu.memory_space<hbm>>)
      tpu.yield
    }) : () -> ()
    %dma_wait3A_122 = arith.constant 0 : i32
    %dma_wait3A_123 = tpu.memref_slice %arg12[%add3A_113, %dma_wait3A_122] : memref<10240x64xf32, #tpu.memory_space<vmem_shared>> -> memref<128x64xf32, #tpu.memory_space<vmem_shared>>
    %dma_wait3A_124 = arith.constant 0 : i32
    %dma_wait3A_125 = tpu.memref_slice %arg12[%add3A_113, %dma_wait3A_124] : memref<10240x64xf32, #tpu.memory_space<vmem_shared>> -> memref<128x64xf32, #tpu.memory_space<vmem_shared>>
    tpu.wait_dma2 semaphore(%arg13 : memref<!tpu.dma_semaphore, #tpu.memory_space<semaphore_mem>>) src(%dma_wait3A_125 : memref<128x64xf32, #tpu.memory_space<vmem_shared>>) dst(%arg8 : memref<128x64xf32, #tpu.memory_space<vmem>>)
    %mul3A_126 = arith.constant 640 : i32
    %mul3A_127 = arith.muli %arg1, %mul3A_126 : i32
    %add3A_128 = arith.constant 384 : i32
    %add3A_129 = arith.addi %mul3A_127, %add3A_128 : i32
    %dma_start3A_130 = arith.constant 0 : i32
    %dma_start3A_131 = tpu.memref_slice %arg12[%add3A_129, %dma_start3A_130] : memref<10240x64xf32, #tpu.memory_space<vmem_shared>> -> memref<128x64xf32, #tpu.memory_space<vmem_shared>>
    %dma_start3A_132 = arith.constant 0 : i32
    %dma_start3A_133 = tpu.memref_slice %arg12[%add3A_129, %dma_start3A_132] : memref<10240x64xf32, #tpu.memory_space<vmem_shared>> -> memref<128x64xf32, #tpu.memory_space<vmem_shared>>
    tpu.enqueue_dma source(%dma_start3A_133 : memref<128x64xf32, #tpu.memory_space<vmem_shared>>) target(%arg9 : memref<128x64xf32, #tpu.memory_space<vmem>>) target_semaphore(%arg14 : memref<!tpu.dma_semaphore, #tpu.memory_space<semaphore_mem>>)
    %mul3A_134 = arith.constant 640 : i32
    %mul3A_135 = arith.muli %arg1, %mul3A_134 : i32
    %add3A_136 = arith.constant 256 : i32
    %add3A_137 = arith.addi %mul3A_135, %add3A_136 : i32
    "tpu.region"() ({
      %run_scoped3A = tpu.sem_alloc : memref<!tpu.dma_semaphore, #tpu.memory_space<semaphore_mem>>
      %dma_start3A_162 = arith.constant 0 : i32
      %dma_start3A_163 = tpu.memref_slice %arg5[%arg0, %add3A_137, %dma_start3A_162] : memref<2x10240x64xf32, #tpu.memory_space<hbm>> -> memref<1x128x64xf32, #tpu.memory_space<hbm>>
      %dma_start3A_164 = tpu.memref_squeeze %dma_start3A_163 : memref<1x128x64xf32, #tpu.memory_space<hbm>> -> memref<128x64xf32, #tpu.memory_space<hbm>>
      %dma_start3A_165 = arith.constant 0 : i32
      %dma_start3A_166 = tpu.memref_slice %arg5[%arg0, %add3A_137, %dma_start3A_165] : memref<2x10240x64xf32, #tpu.memory_space<hbm>> -> memref<1x128x64xf32, #tpu.memory_space<hbm>>
      %dma_start3A_167 = tpu.memref_squeeze %dma_start3A_166 : memref<1x128x64xf32, #tpu.memory_space<hbm>> -> memref<128x64xf32, #tpu.memory_space<hbm>>
      tpu.enqueue_dma source(%arg8 : memref<128x64xf32, #tpu.memory_space<vmem>>) target(%dma_start3A_167 : memref<128x64xf32, #tpu.memory_space<hbm>>) target_semaphore(%run_scoped3A : memref<!tpu.dma_semaphore, #tpu.memory_space<semaphore_mem>>)
      %dma_wait3A_168 = arith.constant 0 : i32
      %dma_wait3A_169 = tpu.memref_slice %arg5[%arg0, %add3A_137, %dma_wait3A_168] : memref<2x10240x64xf32, #tpu.memory_space<hbm>> -> memref<1x128x64xf32, #tpu.memory_space<hbm>>
      %dma_wait3A_170 = tpu.memref_squeeze %dma_wait3A_169 : memref<1x128x64xf32, #tpu.memory_space<hbm>> -> memref<128x64xf32, #tpu.memory_space<hbm>>
      %dma_wait3A_171 = arith.constant 0 : i32
      %dma_wait3A_172 = tpu.memref_slice %arg5[%arg0, %add3A_137, %dma_wait3A_171] : memref<2x10240x64xf32, #tpu.memory_space<hbm>> -> memref<1x128x64xf32, #tpu.memory_space<hbm>>
      %dma_wait3A_173 = tpu.memref_squeeze %dma_wait3A_172 : memref<1x128x64xf32, #tpu.memory_space<hbm>> -> memref<128x64xf32, #tpu.memory_space<hbm>>
      tpu.wait_dma2 semaphore(%run_scoped3A : memref<!tpu.dma_semaphore, #tpu.memory_space<semaphore_mem>>) src(%arg8 : memref<128x64xf32, #tpu.memory_space<vmem>>) dst(%dma_wait3A_173 : memref<128x64xf32, #tpu.memory_space<hbm>>)
      tpu.yield
    }) : () -> ()
    %dma_wait3A_138 = arith.constant 0 : i32
    %dma_wait3A_139 = tpu.memref_slice %arg12[%add3A_129, %dma_wait3A_138] : memref<10240x64xf32, #tpu.memory_space<vmem_shared>> -> memref<128x64xf32, #tpu.memory_space<vmem_shared>>
    %dma_wait3A_140 = arith.constant 0 : i32
    %dma_wait3A_141 = tpu.memref_slice %arg12[%add3A_129, %dma_wait3A_140] : memref<10240x64xf32, #tpu.memory_space<vmem_shared>> -> memref<128x64xf32, #tpu.memory_space<vmem_shared>>
    tpu.wait_dma2 semaphore(%arg14 : memref<!tpu.dma_semaphore, #tpu.memory_space<semaphore_mem>>) src(%dma_wait3A_141 : memref<128x64xf32, #tpu.memory_space<vmem_shared>>) dst(%arg9 : memref<128x64xf32, #tpu.memory_space<vmem>>)
    %mul3A_142 = arith.constant 640 : i32
    %mul3A_143 = arith.muli %arg1, %mul3A_142 : i32
    %add3A_144 = arith.constant 512 : i32
    %add3A_145 = arith.addi %mul3A_143, %add3A_144 : i32
    %dma_start3A_146 = arith.constant 0 : i32
    %dma_start3A_147 = tpu.memref_slice %arg12[%add3A_145, %dma_start3A_146] : memref<10240x64xf32, #tpu.memory_space<vmem_shared>> -> memref<128x64xf32, #tpu.memory_space<vmem_shared>>
    %dma_start3A_148 = arith.constant 0 : i32
    %dma_start3A_149 = tpu.memref_slice %arg12[%add3A_145, %dma_start3A_148] : memref<10240x64xf32, #tpu.memory_space<vmem_shared>> -> memref<128x64xf32, #tpu.memory_space<vmem_shared>>
    tpu.enqueue_dma source(%dma_start3A_149 : memref<128x64xf32, #tpu.memory_space<vmem_shared>>) target(%arg8 : memref<128x64xf32, #tpu.memory_space<vmem>>) target_semaphore(%arg13 : memref<!tpu.dma_semaphore, #tpu.memory_space<semaphore_mem>>)
    %mul3A_150 = arith.constant 640 : i32
    %mul3A_151 = arith.muli %arg1, %mul3A_150 : i32
    %add3A_152 = arith.constant 384 : i32
    %add3A_153 = arith.addi %mul3A_151, %add3A_152 : i32
    "tpu.region"() ({
      %run_scoped3A = tpu.sem_alloc : memref<!tpu.dma_semaphore, #tpu.memory_space<semaphore_mem>>
      %dma_start3A_162 = arith.constant 0 : i32
      %dma_start3A_163 = tpu.memref_slice %arg5[%arg0, %add3A_153, %dma_start3A_162] : memref<2x10240x64xf32, #tpu.memory_space<hbm>> -> memref<1x128x64xf32, #tpu.memory_space<hbm>>
      %dma_start3A_164 = tpu.memref_squeeze %dma_start3A_163 : memref<1x128x64xf32, #tpu.memory_space<hbm>> -> memref<128x64xf32, #tpu.memory_space<hbm>>
      %dma_start3A_165 = arith.constant 0 : i32
      %dma_start3A_166 = tpu.memref_slice %arg5[%arg0, %add3A_153, %dma_start3A_165] : memref<2x10240x64xf32, #tpu.memory_space<hbm>> -> memref<1x128x64xf32, #tpu.memory_space<hbm>>
      %dma_start3A_167 = tpu.memref_squeeze %dma_start3A_166 : memref<1x128x64xf32, #tpu.memory_space<hbm>> -> memref<128x64xf32, #tpu.memory_space<hbm>>
      tpu.enqueue_dma source(%arg9 : memref<128x64xf32, #tpu.memory_space<vmem>>) target(%dma_start3A_167 : memref<128x64xf32, #tpu.memory_space<hbm>>) target_semaphore(%run_scoped3A : memref<!tpu.dma_semaphore, #tpu.memory_space<semaphore_mem>>)
      %dma_wait3A_168 = arith.constant 0 : i32
      %dma_wait3A_169 = tpu.memref_slice %arg5[%arg0, %add3A_153, %dma_wait3A_168] : memref<2x10240x64xf32, #tpu.memory_space<hbm>> -> memref<1x128x64xf32, #tpu.memory_space<hbm>>
      %dma_wait3A_170 = tpu.memref_squeeze %dma_wait3A_169 : memref<1x128x64xf32, #tpu.memory_space<hbm>> -> memref<128x64xf32, #tpu.memory_space<hbm>>
      %dma_wait3A_171 = arith.constant 0 : i32
      %dma_wait3A_172 = tpu.memref_slice %arg5[%arg0, %add3A_153, %dma_wait3A_171] : memref<2x10240x64xf32, #tpu.memory_space<hbm>> -> memref<1x128x64xf32, #tpu.memory_space<hbm>>
      %dma_wait3A_173 = tpu.memref_squeeze %dma_wait3A_172 : memref<1x128x64xf32, #tpu.memory_space<hbm>> -> memref<128x64xf32, #tpu.memory_space<hbm>>
      tpu.wait_dma2 semaphore(%run_scoped3A : memref<!tpu.dma_semaphore, #tpu.memory_space<semaphore_mem>>) src(%arg9 : memref<128x64xf32, #tpu.memory_space<vmem>>) dst(%dma_wait3A_173 : memref<128x64xf32, #tpu.memory_space<hbm>>)
      tpu.yield
    }) : () -> ()
    %dma_wait3A_154 = arith.constant 0 : i32
    %dma_wait3A_155 = tpu.memref_slice %arg12[%add3A_145, %dma_wait3A_154] : memref<10240x64xf32, #tpu.memory_space<vmem_shared>> -> memref<128x64xf32, #tpu.memory_space<vmem_shared>>
    %dma_wait3A_156 = arith.constant 0 : i32
    %dma_wait3A_157 = tpu.memref_slice %arg12[%add3A_145, %dma_wait3A_156] : memref<10240x64xf32, #tpu.memory_space<vmem_shared>> -> memref<128x64xf32, #tpu.memory_space<vmem_shared>>
    tpu.wait_dma2 semaphore(%arg13 : memref<!tpu.dma_semaphore, #tpu.memory_space<semaphore_mem>>) src(%dma_wait3A_157 : memref<128x64xf32, #tpu.memory_space<vmem_shared>>) dst(%arg8 : memref<128x64xf32, #tpu.memory_space<vmem>>)
    %mul3A_158 = arith.constant 640 : i32
    %mul3A_159 = arith.muli %arg1, %mul3A_158 : i32
    %add3A_160 = arith.constant 512 : i32
    %add3A_161 = arith.addi %mul3A_159, %add3A_160 : i32
    "tpu.region"() ({
      %run_scoped3A = tpu.sem_alloc : memref<!tpu.dma_semaphore, #tpu.memory_space<semaphore_mem>>
      %dma_start3A_162 = arith.constant 0 : i32
      %dma_start3A_163 = tpu.memref_slice %arg5[%arg0, %add3A_161, %dma_start3A_162] : memref<2x10240x64xf32, #tpu.memory_space<hbm>> -> memref<1x128x64xf32, #tpu.memory_space<hbm>>
      %dma_start3A_164 = tpu.memref_squeeze %dma_start3A_163 : memref<1x128x64xf32, #tpu.memory_space<hbm>> -> memref<128x64xf32, #tpu.memory_space<hbm>>
      %dma_start3A_165 = arith.constant 0 : i32
      %dma_start3A_166 = tpu.memref_slice %arg5[%arg0, %add3A_161, %dma_start3A_165] : memref<2x10240x64xf32, #tpu.memory_space<hbm>> -> memref<1x128x64xf32, #tpu.memory_space<hbm>>
      %dma_start3A_167 = tpu.memref_squeeze %dma_start3A_166 : memref<1x128x64xf32, #tpu.memory_space<hbm>> -> memref<128x64xf32, #tpu.memory_space<hbm>>
      tpu.enqueue_dma source(%arg8 : memref<128x64xf32, #tpu.memory_space<vmem>>) target(%dma_start3A_167 : memref<128x64xf32, #tpu.memory_space<hbm>>) target_semaphore(%run_scoped3A : memref<!tpu.dma_semaphore, #tpu.memory_space<semaphore_mem>>)
      %dma_wait3A_168 = arith.constant 0 : i32
      %dma_wait3A_169 = tpu.memref_slice %arg5[%arg0, %add3A_161, %dma_wait3A_168] : memref<2x10240x64xf32, #tpu.memory_space<hbm>> -> memref<1x128x64xf32, #tpu.memory_space<hbm>>
      %dma_wait3A_170 = tpu.memref_squeeze %dma_wait3A_169 : memref<1x128x64xf32, #tpu.memory_space<hbm>> -> memref<128x64xf32, #tpu.memory_space<hbm>>
      %dma_wait3A_171 = arith.constant 0 : i32
      %dma_wait3A_172 = tpu.memref_slice %arg5[%arg0, %add3A_161, %dma_wait3A_171] : memref<2x10240x64xf32, #tpu.memory_space<hbm>> -> memref<1x128x64xf32, #tpu.memory_space<hbm>>
      %dma_wait3A_173 = tpu.memref_squeeze %dma_wait3A_172 : memref<1x128x64xf32, #tpu.memory_space<hbm>> -> memref<128x64xf32, #tpu.memory_space<hbm>>
      tpu.wait_dma2 semaphore(%run_scoped3A : memref<!tpu.dma_semaphore, #tpu.memory_space<semaphore_mem>>) src(%arg8 : memref<128x64xf32, #tpu.memory_space<vmem>>) dst(%dma_wait3A_173 : memref<128x64xf32, #tpu.memory_space<hbm>>)
      tpu.yield
    }) : () -> ()
    return
  }
}

module attributes {stable_mosaic.version = 14 : i64} {
  func.func @_tc1_body(%arg0: memref<10000x128xf32, #tpu.memory_space<vmem>>, %arg1: memref<128x64xf32, #tpu.memory_space<vmem>>, %arg2: memref<10000x32xf32, #tpu.memory_space<vmem>>, %arg3: memref<10000x64xf32, #tpu.memory_space<vmem>>, %arg4: memref<10000x1xf32, #tpu.memory_space<vmem>>) attributes {dimension_semantics = [], scalar_prefetch = 0 : i64, scratch_operands = 0 : i64, tpu.core_type = #tpu.core_type<tc>} {
    %get3A = arith.constant 0 : index
    %get3A_0 = arith.constant 0 : index
    %get3A_1 = vector.load %arg2[%get3A, %get3A_0] : memref<10000x32xf32, #tpu.memory_space<vmem>>, vector<10000x32xf32>
    %reduce_sum3A = arith.constant dense<0.000000e+00> : vector<10000xf32>
    %reduce_sum3A_2 = vector.multi_reduction <add>, %get3A_1, %reduce_sum3A [1] : vector<10000x32xf32> to vector<10000xf32>
    %broadcast_in_dim3A = vector.shape_cast %reduce_sum3A_2 : vector<10000xf32> to vector<10000x1xf32>
    %max3A = arith.constant 1.000000e+00 : f32
    %max3A_3 = vector.broadcast %max3A : f32 to vector<10000x1xf32>
    %max3A_4 = arith.maximumf %broadcast_in_dim3A, %max3A_3 : vector<10000x1xf32>
    %rsqrt3A = math.rsqrt %max3A_4 : vector<10000x1xf32>
    %swap3A = arith.constant 0 : index
    %swap3A_5 = arith.constant 0 : index
    %swap3A_6 = vector.load %arg4[%swap3A, %swap3A_5] : memref<10000x1xf32, #tpu.memory_space<vmem>>, vector<10000x1xf32>
    tpu.vector_store %arg4[%swap3A, %swap3A_5], %rsqrt3A {strides = array<i32>} : memref<10000x1xf32, #tpu.memory_space<vmem>>, vector<10000x1xf32>,
    %get3A_7 = arith.constant 0 : index
    %get3A_8 = arith.constant 0 : index
    %get3A_9 = vector.load %arg0[%get3A_7, %get3A_8] : memref<10000x128xf32, #tpu.memory_space<vmem>>, vector<10000x128xf32>
    %get3A_10 = arith.constant 0 : index
    %get3A_11 = arith.constant 0 : index
    %get3A_12 = vector.load %arg1[%get3A_10, %get3A_11] : memref<128x64xf32, #tpu.memory_space<vmem>>, vector<128x64xf32>
    %dot_general3A = arith.constant dense<0.000000e+00> : vector<10000x64xf32>
    %dot_general3A_13 = tpu.matmul %get3A_9, %get3A_12, %dot_general3A {dimension_numbers = #tpu.dot_dimension_numbers<[1], [0], [0], [1], [0, 0, 1, 1], [], []>, transpose_lhs_hint = false} : vector<10000x128xf32>, vector<128x64xf32>, vector<10000x64xf32> -> vector<10000x64xf32>
    %mul3A = vector.broadcast %rsqrt3A : vector<10000x1xf32> to vector<10000x64xf32>
    %mul3A_14 = arith.mulf %dot_general3A_13, %mul3A : vector<10000x64xf32>
    %swap3A_15 = arith.constant 0 : index
    %swap3A_16 = arith.constant 0 : index
    %swap3A_17 = vector.load %arg3[%swap3A_15, %swap3A_16] : memref<10000x64xf32, #tpu.memory_space<vmem>>, vector<10000x64xf32>
    tpu.vector_store %arg3[%swap3A_15, %swap3A_16], %mul3A_14 {strides = array<i32>} : memref<10000x64xf32, #tpu.memory_space<vmem>>, vector<10000x64xf32>,
    return
  }
}

module attributes {stable_mosaic.version = 14 : i64} {
  func.func @_tc2_body(%arg0: memref<10000x64xf32, #tpu.memory_space<vmem>>, %arg1: memref<10000x64xf32, #tpu.memory_space<vmem>>, %arg2: memref<10000x1xf32, #tpu.memory_space<vmem>>, %arg3: memref<64x64xf32, #tpu.memory_space<vmem>>, %arg4: memref<10000x64xf32, #tpu.memory_space<vmem>>) attributes {dimension_semantics = [], scalar_prefetch = 0 : i64, scratch_operands = 0 : i64, tpu.core_type = #tpu.core_type<tc>} {
    %get3A = arith.constant 0 : index
    %get3A_0 = arith.constant 0 : index
    %get3A_1 = vector.load %arg2[%get3A, %get3A_0] : memref<10000x1xf32, #tpu.memory_space<vmem>>, vector<10000x1xf32>
    %get3A_2 = arith.constant 0 : index
    %get3A_3 = arith.constant 0 : index
    %get3A_4 = vector.load %arg0[%get3A_2, %get3A_3] : memref<10000x64xf32, #tpu.memory_space<vmem>>, vector<10000x64xf32>
    %get3A_5 = arith.constant 0 : index
    %get3A_6 = arith.constant 0 : index
    %get3A_7 = vector.load %arg1[%get3A_5, %get3A_6] : memref<10000x64xf32, #tpu.memory_space<vmem>>, vector<10000x64xf32>
    %add3A = arith.addf %get3A_4, %get3A_7 : vector<10000x64xf32>
    %mul3A = vector.broadcast %get3A_1 : vector<10000x1xf32> to vector<10000x64xf32>
    %mul3A_8 = arith.mulf %add3A, %mul3A : vector<10000x64xf32>
    %max3A = arith.constant 0.000000e+00 : f32
    %max3A_9 = vector.broadcast %max3A : f32 to vector<10000x64xf32>
    %max3A_10 = arith.maximumf %mul3A_8, %max3A_9 : vector<10000x64xf32>
    %get3A_11 = arith.constant 0 : index
    %get3A_12 = arith.constant 0 : index
    %get3A_13 = vector.load %arg3[%get3A_11, %get3A_12] : memref<64x64xf32, #tpu.memory_space<vmem>>, vector<64x64xf32>
    %dot_general3A = arith.constant dense<0.000000e+00> : vector<10000x64xf32>
    %dot_general3A_14 = tpu.matmul %max3A_10, %get3A_13, %dot_general3A {dimension_numbers = #tpu.dot_dimension_numbers<[1], [0], [0], [1], [0, 0, 1, 1], [], []>, transpose_lhs_hint = false} : vector<10000x64xf32>, vector<64x64xf32>, vector<10000x64xf32> -> vector<10000x64xf32>
    %mul3A_15 = vector.broadcast %get3A_1 : vector<10000x1xf32> to vector<10000x64xf32>
    %mul3A_16 = arith.mulf %dot_general3A_14, %mul3A_15 : vector<10000x64xf32>
    %swap3A = arith.constant 0 : index
    %swap3A_17 = arith.constant 0 : index
    %swap3A_18 = vector.load %arg4[%swap3A, %swap3A_17] : memref<10000x64xf32, #tpu.memory_space<vmem>>, vector<10000x64xf32>
    tpu.vector_store %arg4[%swap3A, %swap3A_17], %mul3A_16 {strides = array<i32>} : memref<10000x64xf32, #tpu.memory_space<vmem>>, vector<10000x64xf32>,
    return
  }
}

module attributes {stable_mosaic.version = 14 : i64} {
  func.func @_tc3_body(%arg0: memref<10000x32xf32, #tpu.memory_space<vmem>>, %arg1: memref<10000x32xf32, #tpu.memory_space<vmem>>, %arg2: memref<10000x32xf32, #tpu.memory_space<vmem>>, %arg3: memref<10000x32xf32, #tpu.memory_space<vmem>>, %arg4: memref<10000x1xf32, #tpu.memory_space<vmem>>, %arg5: memref<10000x32xf32, #tpu.memory_space<vmem>>, %arg6: memref<10000x32xf32, #tpu.memory_space<vmem>>) attributes {dimension_semantics = [], scalar_prefetch = 0 : i64, scratch_operands = 0 : i64, tpu.core_type = #tpu.core_type<tc>} {
    %get3A = arith.constant 0 : index
    %get3A_0 = arith.constant 0 : index
    %get3A_1 = vector.load %arg4[%get3A, %get3A_0] : memref<10000x1xf32, #tpu.memory_space<vmem>>, vector<10000x1xf32>
    %get3A_2 = arith.constant 0 : index
    %get3A_3 = arith.constant 0 : index
    %get3A_4 = vector.load %arg0[%get3A_2, %get3A_3] : memref<10000x32xf32, #tpu.memory_space<vmem>>, vector<10000x32xf32>
    %get3A_5 = arith.constant 0 : index
    %get3A_6 = arith.constant 0 : index
    %get3A_7 = vector.load %arg1[%get3A_5, %get3A_6] : memref<10000x32xf32, #tpu.memory_space<vmem>>, vector<10000x32xf32>
    %add3A = arith.addf %get3A_4, %get3A_7 : vector<10000x32xf32>
    %mul3A = vector.broadcast %get3A_1 : vector<10000x1xf32> to vector<10000x32xf32>
    %mul3A_8 = arith.mulf %add3A, %mul3A : vector<10000x32xf32>
    %get3A_9 = arith.constant 0 : index
    %get3A_10 = arith.constant 0 : index
    %get3A_11 = vector.load %arg2[%get3A_9, %get3A_10] : memref<10000x32xf32, #tpu.memory_space<vmem>>, vector<10000x32xf32>
    %get3A_12 = arith.constant 0 : index
    %get3A_13 = arith.constant 0 : index
    %get3A_14 = vector.load %arg3[%get3A_12, %get3A_13] : memref<10000x32xf32, #tpu.memory_space<vmem>>, vector<10000x32xf32>
    %add3A_15 = arith.addf %get3A_11, %get3A_14 : vector<10000x32xf32>
    %mul3A_16 = vector.broadcast %get3A_1 : vector<10000x1xf32> to vector<10000x32xf32>
    %mul3A_17 = arith.mulf %add3A_15, %mul3A_16 : vector<10000x32xf32>
    %mul3A_18 = arith.constant 5.000000e-01 : f32
    %mul3A_19 = vector.broadcast %mul3A_18 : f32 to vector<10000x32xf32>
    %mul3A_20 = arith.mulf %mul3A_19, %mul3A_17 : vector<10000x32xf32>
    %exp3A = math.exp %mul3A_20 : vector<10000x32xf32>
    %get3A_21 = arith.constant 0 : index
    %get3A_22 = arith.constant 0 : index
    %get3A_23 = vector.load %arg5[%get3A_21, %get3A_22] : memref<10000x32xf32, #tpu.memory_space<vmem>>, vector<10000x32xf32>
    %mul3A_24 = arith.mulf %exp3A, %get3A_23 : vector<10000x32xf32>
    %add3A_25 = arith.addf %mul3A_8, %mul3A_24 : vector<10000x32xf32>
    %swap3A = arith.constant 0 : index
    %swap3A_26 = arith.constant 0 : index
    %swap3A_27 = vector.load %arg6[%swap3A, %swap3A_26] : memref<10000x32xf32, #tpu.memory_space<vmem>>, vector<10000x32xf32>
    tpu.vector_store %arg6[%swap3A, %swap3A_26], %add3A_25 {strides = array<i32>} : memref<10000x32xf32, #tpu.memory_space<vmem>>, vector<10000x32xf32>,
    return
  }
}

</mosaic_0001>

<sc_bundles>
// kernel: kernel.11.cloned.1.call-start
scs
__scs_entry_jumppad:
0x0: {  	(pc) =	sbr.rel $0x88, $3  }
0x1: {  	(tag) =	ssettag $0x0;
	lr =	simm.s32 $0x1  }
0x2: {  	[smem:$0x3F9B] =	sst lr;
	_ =	strace $0xD0000000  }
0x3: {  	_ = 	snop  }
0x4: {  	_ = 	snop  }
0x5: {  	_ = 	snop  }
0x6: {  	_ = 	snop  }
0x7: {  	_ = 	snop  }
__scs_overlays_trampoline_lowered:
0x8: {  	[smem:$0x3FAA] =	sst s0  }
0x9: {  	[smem:$0x3FAB] =	sst s1  }
0xa: {  	[smem:$0x3FAC] =	sst s2  }
0xb: {  	[smem:$0x3FAD] =	sst s3  }
0xc: {  	[smem:$0x3FAE] =	sst s4  }
0xd: {  	[smem:$0x3FAF] =	sst s5  }
0xe: {  	[smem:$0x3FB0] =	sst s6  }
0xf: {  	[smem:$0x3FB1] =	sst s7  }
0x10: {  	[smem:$0x3FB2] =	sst s8  }
0x11: {  	[smem:$0x3FB3] =	sst s9;
	s0 =	simm.s32 @!p0 $0x0  }
0x12: {  	s1 =	sld [smem:$0x3F99];
	s0 =	simm.s32 @p0 $0x1  }
0x13: {  	[smem:$0x3FB4] =	sst s0;
	s0 =	simm.s32 @!p1 $0x0  }
0x14: {  	s2 =	sld [smem:$0x3F98];
	s0 =	simm.s32 @p1 $0x1  }
0x15: {  	[smem:$0x3FB5] =	sst s0;
	s0 =	simm.s32 @!p2 $0x0  }
0x16: {  	s3 =	sld [smem:$0x3FDB];
	s0 =	simm.s32 @p2 $0x1  }
0x17: {  	s4 =	simm.s32 $0x1BF5;
	[smem:$0x3FB7] =	sst s0  }
0x18: {  	s0 =	sld [smem:$0x3F9A];
	_ =	swait.ge [sflag:s4], $0x0  }
0x19: {  	s7 =	sld [smem:$0x3F9B]  }
0x1a: {  	s8 =	sadd.s32 $0xFFFFE003, lr  }
0x1b: {  	s9 =	sadd.s32 $0xFFFFFEF7, lr;
	s5 =	simm.s32 $0xFFFFFFFF;
	p2 =	slt.u32 s8, $0xFFFFF086  }
0x1c: {  	p1 =	slt.u32 s9, $0xF7A;
	s5 =	simm.s32 @!p2 $0x0  }
0x1d: {  	s5 =	simm.s32 @p1 $0x1;
	p0 =	seq.s32 s7, s2  }
0x1e: {  	s7 =	smul.u32 @!p0 $0xF7A, s2;
	p2 =	seq.s32 @!p0 s5, $0x0  }
0x1f: {  	s9 =	smul.u32 $0xF7A, s1;
	s8 =	simm.s32 @!p0 $0x1BF5;
	p2 =	por !p2, p0  }
0x20: {  	[sflag:s8] =	ssyncset.s32 @!p0 $0xFFFFF086;
	s6 =	sadd.s32 @!p0 s3, s7;
	s7 =	simm.s32 @!p0 $0x108  }
0x21: {  	s3 =	sadd.s32 s3, s9;
	s6 =	sadd.s32 @!p0 $0x88, s6;
	s7 =	simm.s32 @p2 $0x1082  }
0x22: {  	[simem:s7], [sflag:s8] =	dma.local @!p0 [hbm:s6], $0xF7A  }
0x23: {  	s9 =	sor.u32 $0xD0000000, s2;
	s6 =	simm.s32 $0x108;
	_ =	swait.ge @!p0 [sflag:s8], $0x0  }
0x24: {  	s3 =	sadd.s32 $0x88, s3;
	s6 =	simm.s32 @!p1 $0x1082;
	[sflag:s4] =	ssyncset.s32 $0xFFFFF086  }
0x25: {  	[simem:s6], [sflag:s4] =	dma.local [hbm:s3], $0xF7A  }
0x26: {  	[smem:$0x3F9B] =	sst s1;
	(tag) =	ssettag s2;
	_ =	strace s9  }
0x27: {  	s1 =	sld [smem:$0x3FAB]  }
0x28: {  	s2 =	sld [smem:$0x3FAC]  }
0x29: {  	s4 =	sld [smem:$0x3FAE]  }
0x2a: {  	p0 =	seq.s32 s5, $0x0;
	s5 =	sld [smem:$0x3FAF]  }
0x2b: {  	s6 =	sld [smem:$0x3FB0]  }
0x2c: {  	s7 =	sld [smem:$0x3FB1]  }
0x2d: {  	s3 =	simm.s32 $0x108;
	s8 =	sld [smem:$0x3FB2]  }
0x2e: {  	s3 =	simm.s32 @!p0 $0x1082;
	s9 =	sld [smem:$0x3FB3]  }
0x2f: {  	lr =	sadd.s32 s0, s3;
	s0 =	sld [smem:$0x3FAA]  }
0x30: {  	s3 =	sld [smem:$0x3FAD]  }
0x31: {  	[smem:$0x3FB6] =	sst s10  }
0x32: {  	s10 =	sld [smem:$0x3FB4];
	_ =	sdelay $0x3  }
0x33: {  	p0 =	seq.s32 s10, $0x1;
	s10 =	sld [smem:$0x3FB6];
	_ =	sdelay $0x3  }
0x34: {  	[smem:$0x3FB6] =	sst s10  }
0x35: {  	s10 =	sld [smem:$0x3FB5];
	_ =	sdelay $0x3  }
0x36: {  	p1 =	seq.s32 s10, $0x1;
	s10 =	sld [smem:$0x3FB6];
	_ =	sdelay $0x3  }
0x37: {  	[smem:$0x3FB6] =	sst s10  }
0x38: {  	s10 =	sld [smem:$0x3FB7]  }
0x39: {  	_ = 	snop;
	(pc) =	sbr.ind lr, $3  }
0x3a: {  	_ = 	snop  }
0x3b: {  	_ = 	snop  }
0x3c: {  	p2 =	seq.s32 s10, $0x1;
	s10 =	sld [smem:$0x3FB6]  }
0x3d: {  	_ =	shalt  }
0x3e: {  	_ =	shalt  }
0x3f: {  	_ =	shalt  }
0x40: {  	_ =	shalt  }
0x41: {  	_ =	shalt  }
0x42: {  	_ =	shalt  }
0x43: {  	_ =	shalt  }
0x44: {  	_ =	shalt  }
0x45: {  	_ =	shalt  }
0x46: {  	_ =	shalt  }
0x47: {  	_ =	shalt  }
0x48: {  	_ =	shalt  }
0x49: {  	_ =	shalt  }
0x4a: {  	_ =	shalt  }
0x4b: {  	_ =	shalt  }
0x4c: {  	_ =	shalt  }
0x4d: {  	_ =	shalt  }
0x4e: {  	_ =	shalt  }
0x4f: {  	_ =	shalt  }
0x50: {  	_ =	shalt  }
0x51: {  	_ =	shalt  }
0x52: {  	_ =	shalt  }
0x53: {  	_ =	shalt  }
0x54: {  	_ =	shalt  }
0x55: {  	_ =	shalt  }
0x56: {  	_ =	shalt  }
0x57: {  	_ =	shalt  }
0x58: {  	_ =	shalt  }
0x59: {  	_ =	shalt  }
0x5a: {  	_ =	shalt  }
0x5b: {  	_ =	shalt  }
0x5c: {  	_ =	shalt  }
0x5d: {  	_ =	shalt  }
0x5e: {  	_ =	shalt  }
0x5f: {  	_ =	shalt  }
0x60: {  	_ =	shalt  }
0x61: {  	_ =	shalt  }
0x62: {  	_ =	shalt  }
0x63: {  	_ =	shalt  }
0x64: {  	_ =	shalt  }
0x65: {  	_ =	shalt  }
0x66: {  	_ =	shalt  }
0x67: {  	_ =	shalt  }
0x68: {  	_ =	shalt  }
0x69: {  	_ =	shalt  }
0x6a: {  	_ =	shalt  }
0x6b: {  	_ =	shalt  }
0x6c: {  	_ =	shalt  }
0x6d: {  	_ =	shalt  }
0x6e: {  	_ =	shalt  }
0x6f: {  	_ =	shalt  }
0x70: {  	_ =	shalt  }
0x71: {  	_ =	shalt  }
0x72: {  	_ =	shalt  }
0x73: {  	_ =	shalt  }
0x74: {  	_ =	shalt  }
0x75: {  	_ =	shalt  }
0x76: {  	_ =	shalt  }
0x77: {  	_ =	shalt  }
0x78: {  	_ =	shalt  }
0x79: {  	_ =	shalt  }
0x7a: {  	_ =	shalt  }
0x7b: {  	_ =	shalt  }
0x7c: {  	_ =	shalt  }
0x7d: {  	_ =	shalt  }
0x7e: {  	_ =	shalt  }
0x7f: {  	_ =	shalt  }
0x80: {  	_ =	shalt  }
0x81: {  	_ =	shalt  }
0x82: {  	_ =	shalt  }
0x83: {  	_ =	shalt  }
0x84: {  	_ =	shalt  }
0x85: {  	_ =	shalt  }
0x86: {  	_ =	shalt  }
0x87: {  	_ =	shalt  }
.Lfunc_end0:
.L_simem_size_0:
called_computation.1_lowered:
.L_overlay_start_0:
0x88: {  	s2 =	sld [smem:$0x3FD9]  }
0x89: {  	s3 =	sld [smem:$0x3FFE];
	_ =	sdelay $0x1  }
0x8a: {  	s1 =	srdreg.scid  }
0x8b: {  	s0 =	sand.u32 $0x1, s1  }
0x8c: {  	s16 =	sshll.u32 s0, $0xA;
	s2 =	sadd.s32 s3, s2  }
0x8d: {  	s2 =	sadd.s32 s2, s16  }
0x8e: {  	[smem:$0x3FC2] =	sst s2  }
0x8f: {  	_ = 	snop  }
0x90: {  	(tm) =	ssettm $0x1  }
0x91: {  	s17 =	sld [smem:$0x3FFB];
	_ =	sdelay $0x3  }
0x92: {  	_ =	strace s17  }
0x93: {  	s2 =	sld [smem:$0x3FFC];
	_ =	sdelay $0x3  }
0x94: {  	_ =	strace s2  }
0x95: {  	s2 =	sld [smem:$0x3FFD];
	_ =	sdelay $0x3  }
0x96: {  	_ =	strace s2  }
0x97: {  	_ =	strace $0x8FFFFFFF  }
0x98: {  	s18 =	sld [smem:$0x3FDB];
	_ =	sdelay $0x1  }
0x99: {  	s19 =	simm.s32 $_scs_section_size  }
0x9a: {  	s4 =	simm.s32 $_size__tile_overlayer_lowered;
	s5 =	simm.s32 $_tile_overlayer_lowered  }
0x9b: {  	s22 =	simm.s32 $0x1BFF;
	s21 =	sshll.u32 s5, $0x1;
	s2 =	sadd.s32 s19, s18  }
0x9c: {  	s6 =	simm.s32 $0x0;
	s20 =	sshll.u32 s4, $0x1;
	s4 =	sadd.s32 s21, s2  }
0x9d: {  	[timem:s6], [sflag:s22] =	dma.local [hbm:s4], s20  }
0x9e: {  	_ =	swait.ge [sflag:s22], s20  }
0x9f: {  	s3 =	ssub.s32 $0x0, s20;
	[sflag:s22] =	ssyncset.done $0x0  }
0xa0: {  	[sflag:s22] =	ssyncadd.s32 s3;
	_ =	sdelay $0x1  }
0xa1: {  	s23 =	simm.s32 $0x1B8B  }
0xa2: {  	_ =	swait.ge [sflag:s23], $0x1  }
0xa3: {  	[sflag:s23] =	ssyncset.done $0x0  }
0xa4: {  	s25 =	simm.s32 $0x1B8E;
	s24 =	sld [smem:$0x3FFE];
	[sflag:s23] =	ssyncadd.s32 $0xFFFFFFFF  }
0xa5: {  	s26 =	simm.s32 $execute0_lowered;
	[smem:$0x3FD2] =	sst s25  }
0xa6: {  	s4 =	sshll.u32 s26, $0x1;
	_ =	strace $0x80000049;
	[dreg:$0x1] =	wrdreg $0xFFFFFFFF  }
0xa7: {  	s28 =	simm.s32 $_size_execute0_lowered;
	s2 =	sadd.s32 s2, s4;
	[dreg:$0x0] =	wrdreg $0x0  }
0xa8: {  	s4 =	sshll.u32 s28, $0x1;
	[dreg:$0x2] =	wrdreg s2  }
0xa9: {  	[dreg:$0x3] =	wrdreg s4  }
0xaa: {  	[dreg:$0x4] =	wrdreg $0xC0  }
0xab: {  	_ =	task [dreg:s6], $0x5FFFF  }
0xac: {  	[dreg:$0x1] =	wrdreg $0xFFFFFFFF  }
0xad: {  	[dreg:$0x0] =	wrdreg $0x60  }
0xae: {  	[dreg:$0x2] =	wrdreg s24  }
0xaf: {  	[dreg:$0x3] =	wrdreg $0x108000  }
0xb0: {  	[dreg:$0x4] =	wrdreg $0x9  }
0xb1: {  	_ =	task.clear_ibuf [dreg:s6], $0x5FFFF;
	_ =	strace $0x90000049  }
0xb2: {  	s29 =	simm.s32 $0x9;
	_ =	strace $0x8000004B  }
0xb3: {  	_ =	swait.ge [sflag:s29], $0x1  }
0xb4: {  	[sflag:s29] =	ssyncadd.s32 $0xFFFFFFFF  }
0xb5: {  	_ =	strace $0x9000004B  }
0xb6: {  	_ =	sfence  }
0xb7: {  	s30 =	sld [smem:$0x0];
	_ =	sdelay $0x2  }
0xb8: {  	s31 =	sshll.u32 s1, $0xD;
	s1 =	sshrl.u32 s1, $0x2  }
0xb9: {  	s3 =	sand.u32 $0x4000, s31;
	s1 =	sadd.s32 s1, s30  }
0xba: {  	s0 =	sor.u32 s3, s0;
	s1 =	sshll.u32 s1, $0x11  }
0xbb: {  	s0 =	sor.u32 s1, s0  }
0xbc: {  	s0 =	sadd.s32 $0x8F2B, s0  }
0xbd: {  	[sflag:s0] =	ssyncadd.remote.s32 $0x1  }
0xbe: {  	_ =	sfence.sel $0xFFFF  }
0xbf: {  	[dreg:$0x0] =	wrdreg $0xFFFFFFFF;
	(pc) =	sbr.abs _section_cstart, $3  }
0xc0: {  	[dreg:$0x1] =	wrdreg $0xFFFFFFFF  }
0xc1: {  	_ =	task.clear_ibuf [dreg:s6], $0x2FFFF;
	_ =	strace $0x9FFFFFFF  }
0xc2: {  	(tm) =	ssettm $0x7FFFFFFF  }
0xc3: {  	_ =	shalt  }
tec
execute0_lowered:
.L_overlay_start_1:
0x0: {  	(tag) =	ssettag $0x1  }
0x1: {  	s0 =	rddreg [dreg:$0x0]  }
0x2: {  	s2 =	rddreg [dreg:$0x1]  }
0x3: {  	s8 =	stileid.u32;
	s1 =	srdreg.scid  }
0x4: {  	s3 =	simm.s32 $0x0;
	s20 =	simm.s32 $0x8800;
	s21 =	simm.s32 $0x6  }
0x5: {  	s26 =	simm.s32 $0xE800;
	s28 =	simm.s32 $0x1;
	s29 =	simm.s32 $0x2  }
0x6: {  	s30 =	simm.s32 $0x3;
	s31 =	simm.s32 $0x4;
	s4 =	smul.u32 $0x18, s8  }
0x7: {  	s1 =	sand.u32 $0x1, s1;
	s5 =	smul.u32 $0x88, s8;
	[smem:$0x7FF] =	sst s3  }
0x8: {  	s12 =	smul.u32 $0xA000, s8;
	p0 =	seq.s32 s1, $0x0;
	_ =	strace $0x8000004A  }
0x9: {  	s6 =	ssub.s32 $0x2, s1;
	s1 =	smul.u32 $0xA0000, s1;
	[dreg:$0x3] =	wrdreg s26  }
0xa: {  	s26 =	simm.s32 $0xC800;
	s4 =	sadd.s32 $0x880, s4;
	s22 =	sshrl.u32 s6, $0x1  }
0xb: {  	s8 =	sadd.s32 s12, s2;
	s13 =	sadd.s32 $0x2000, s12;
	s15 =	sadd.s32 $0x4000, s12  }
0xc: {  	s16 =	sadd.s32 $0x6000, s12;
	s17 =	sadd.s32 $0x8000, s12;
	s4 =	smov.u32 @p0 s5  }
0xd: {  	s18 =	ssub.s32 s6, s22;
	s6 =	simm.s32 $0x11000;
	s9 =	sadd.s32 s13, s2  }
0xe: {  	s10 =	sadd.s32 s15, s2;
	s11 =	sadd.s32 s16, s2;
	s14 =	sadd.s32 s12, s1  }
0xf: {  	s13 =	sadd.s32 s1, s13;
	s12 =	sadd.s32 s17, s2;
	s15 =	sadd.s32 s1, s15  }
0x10: {  	s16 =	sadd.s32 s1, s16;
	s1 =	sadd.s32 s1, s17;
	s22 =	simm.s32 $0x5  }
0x11: {  	s5 =	sshll.u32 s4, $0x4;
	s4 =	sadd.s32 $0x1C00, s0;
	s6 =	simm.s32 @!p0 $0x3000  }
0x12: {  	s14 =	sshrl.u32 s14, $0x3;
	s19 =	sshrl.u32 s13, $0x3;
	s15 =	sshrl.u32 s15, $0x3  }
0x13: {  	s16 =	sshrl.u32 s16, $0x3;
	s1 =	sshrl.u32 s1, $0x3;
	s18 =	smax.u32 s18, $0x1  }
0x14: {  	s7 =	sadd.s32 s5, s0;
	s0 =	sadd.s32 $0x52200, s0;
	s5 =	simm.s32 $0x88  }
0x15: {  	[dreg:$0x4] =	wrdreg s6;
	s5 =	simm.s32 @!p0 $0x18;
	s23 =	sadd.s32 $0x20600, s7  }
0x16: {  	s24 =	sadd.s32 $0x15C00, s7;
	s25 =	sadd.s32 s0, s14;
	s14 =	sadd.s32 s0, s19  }
0x17: {  	s15 =	sadd.s32 s0, s15;
	s16 =	sadd.s32 s0, s16;
	[dreg:$0x5] =	wrdreg s23  }
0x18: {  	s17 =	sadd.s32 s0, s1;
	s1 =	simm.s32 $0x0;
	[dreg:$0x6] =	wrdreg s24  }
0x19: {  	v0 =	vimm.f32 $0.0e+00;
	[dreg:$0x7] =	wrdreg s25;
	s23 =	simm.s32 $0x80;
	s24 =	simm.s32 $0xA800  }
.LBB2_1:
0x1a: {  	s0 =	rddreg [dreg:$0x5]  }
0x1b: {  	[tilespmem:s3], [sflag:$0x5] =	stream.linear.gather [hbm4b:s0+s3], $0x4400, $0x38;
	[tilespmem:$0x1A800] =	vst v63  }
0x1c: {  	s19 =	rddreg [dreg:$0x6];
	s6 =	simm.s32 $0x4400;
	s25 =	sand.u32 $0x7F00, s3  }
0x1d: {  	[tilespmem:s6], [sflag:$0x5] =	stream.linear.gather [hbm4b:s19+s3], $0x4400, $0x38;
	[tilespmem:$0x1A800] =	vst v63  }
0x1e: {  	s25 =	sshrl.u32 s25, $0x2;
	s19 =	sand.u32 $0x30, s3  }
0x1f: {  	s0 =	simm.s32 $0x40;
	s25 =	sor.u32 s19, s25;
	s19 =	simm.s32 $0x0  }
.LBB2_2:
0x20: {  	p0 =	sne.s32 s0, $0x7FC0  }
0x21: {  	[tilespmem:s25+$0x8800] =	vst v0;
	s19 =	sadd.s32 $0x10, s19;
	s25 =	smov.u32 s0;
	s0 =	sadd.s32 $0x40, s0  }
.Ltmp0:
0x22: {  	(pc) =	sbr.rel @p0 .LBB2_2-.Ltmp0, $4  }
0x23: {  	_ = 	snop  }
0x24: {  	s25 =	sand.u32 $0x7F00, s25  }
0x25: {  	s6 =	sand.u32 $0x30, s19;
	s25 =	sshrl.u32 s25, $0x2  }
0x26: {  	s25 =	sor.u32 s6, s25  }
0x27: {  	[tilespmem:s25+$0x8800] =	vst v0  }
0x28: {  	[spmem:s8] =	stream.linear.scatter [tilespmem:s20], [sflag:$0x6], $0x2000, $0x38;
	[tilespmem:$0x1A800] =	vst v63  }
0x29: {  	_ =	swait.ge [sflag:s21], $0x2000  }
0x2a: {  	[sflag:s21] =	ssyncset.done $0x0  }
0x2b: {  	[sflag:s21] =	ssyncadd.s32 $0xFFFFE000  }
0x2c: {  	[spmem:s9] =	stream.linear.scatter [tilespmem:s20], [sflag:$0x6], $0x2000, $0x38;
	[tilespmem:$0x1A800] =	vst v63  }
0x2d: {  	_ =	swait.ge [sflag:s21], $0x2000  }
0x2e: {  	[sflag:s21] =	ssyncset.done $0x0  }
0x2f: {  	[sflag:s21] =	ssyncadd.s32 $0xFFFFE000  }
0x30: {  	[spmem:s10] =	stream.linear.scatter [tilespmem:s20], [sflag:$0x6], $0x2000, $0x38;
	[tilespmem:$0x1A800] =	vst v63  }
0x31: {  	_ =	swait.ge [sflag:s21], $0x2000  }
0x32: {  	[sflag:s21] =	ssyncset.done $0x0  }
0x33: {  	[sflag:s21] =	ssyncadd.s32 $0xFFFFE000  }
0x34: {  	[spmem:s11] =	stream.linear.scatter [tilespmem:s20], [sflag:$0x6], $0x2000, $0x38;
	[tilespmem:$0x1A800] =	vst v63  }
0x35: {  	_ =	swait.ge [sflag:s21], $0x2000  }
0x36: {  	[sflag:s21] =	ssyncset.done $0x0  }
0x37: {  	[sflag:s21] =	ssyncadd.s32 $0xFFFFE000  }
0x38: {  	[spmem:s12] =	stream.linear.scatter [tilespmem:s20], [sflag:$0x6], $0x2000, $0x38;
	[tilespmem:$0x1A800] =	vst v63  }
0x39: {  	_ =	swait.ge [sflag:s21], $0x2000  }
0x3a: {  	[sflag:s21] =	ssyncset.done $0x0  }
0x3b: {  	[sflag:s21] =	ssyncadd.s32 $0xFFFFE000  }
0x3c: {  	_ =	swait.ge [sflag:s22], $0x4400  }
0x3d: {  	[sflag:s22] =	ssyncset.done $0x0  }
0x3e: {  	[sflag:s22] =	ssyncadd.s32 $0xFFFFBC00  }
0x3f: {  	_ =	swait.ge [sflag:s22], $0x4400  }
0x40: {  	[sflag:s22] =	ssyncset.done $0x0  }
0x41: {  	[sflag:s22] =	ssyncadd.s32 $0xFFFFBC00  }
0x42: {  	s0 =	simm.s32 $0x0;
	[bflag:$0x0] =	sbarrier.arrive $0xFFFF  }
0x43: {  	[tilespmem:s20], [sflag:$0x1] =	stream.indirect.gather [hbm4b:s4+s23], $0x40, s0, s23, $0xb8;
	[tilespmem:$0x1A800] =	vst v63  }
0x44: {  	_ = 	snop  }
0x45: {  	[tilespmem:s24], [sflag:$0x2] =	stream.indirect.gather [hbm4b:s4+s23], $0x40, s23, s23, $0xb8;
	[tilespmem:$0x1A800] =	vst v63  }
0x46: {  	s6 =	simm.s32 $0x100;
	s19 =	simm.s32 $0x3  }
0x47: {  	[tilespmem:s26], [sflag:$0x3] =	stream.indirect.gather [hbm4b:s4+s23], $0x40, s6, s23, $0xb8;
	[tilespmem:$0x1A800] =	vst v63  }
.LBB2_4:
0x48: {  	p0 =	sge.u32 s19, s5  }
0x49: {  	s6 =	sshra.s32 @!p0 s0, $0x2  }
0x4a: {  	s25 =	simm.s32 @!p0 $0x80;
	s7 =	simm.s32 @!p0 $0xE800;
	s6 =	sadd.s32 @!p0 $0x180, s6  }
0x4b: {  	[tilespmem:s7], [sflag:$0x4] =	stream.indirect.gather @!p0 [hbm4b:s4+s25], $0x40, s6, s25, $0xb8;
	[tilespmem:$0x1A800] =	vst v63  }
0x4c: {  	_ =	swait.ge [sflag:s28], $0x2000  }
0x4d: {  	s6 =	sshra.s32 s0, $0x2;
	[sflag:s28] =	ssyncset.done $0x0  }
0x4e: {  	s25 =	sadd.s32 $0x1, s19;
	s13 =	sadd.s32 $0x4400, s6;
	[sflag:s28] =	ssyncadd.s32 $0xFFFFE000  }
0x4f: {  	[spmem:s2] =	stream.indirect.scatter.add.f32 [tilespmem:s20], [sflag:$0x6], $0x40, s13, s23, $0xb8;
	[tilespmem:$0x1A800] =	vst v63  }
0x50: {  	p0 =	sge.u32 s25, s5;
	_ =	swait.ge [sflag:s21], $0x2000  }
0x51: {  	s7 =	sshra.s32 @!p0 s0, $0x2;
	s25 =	simm.s32 @!p0 $0x80;
	[sflag:s21] =	ssyncset.done $0x0  }
0x52: {  	s7 =	sadd.s32 @!p0 $0x200, s7;
	s13 =	simm.s32 @!p0 $0x8800;
	[sflag:s21] =	ssyncadd.s32 $0xFFFFE000  }
0x53: {  	[tilespmem:s13], [sflag:$0x1] =	stream.indirect.gather @!p0 [hbm4b:s4+s25], $0x40, s7, s25, $0xb8;
	[tilespmem:$0x1A800] =	vst v63  }
0x54: {  	_ =	swait.ge [sflag:s29], $0x2000  }
0x55: {  	[sflag:s29] =	ssyncset.done $0x0  }
0x56: {  	s13 =	sadd.s32 $0x4480, s6;
	s25 =	sadd.s32 $0x2, s19;
	[sflag:s29] =	ssyncadd.s32 $0xFFFFE000  }
0x57: {  	[spmem:s2] =	stream.indirect.scatter.add.f32 [tilespmem:s24], [sflag:$0x6], $0x40, s13, s23, $0xb8;
	[tilespmem:$0x1A800] =	vst v63  }
0x58: {  	p0 =	sge.u32 s25, s5;
	_ =	swait.ge [sflag:s21], $0x2000  }
0x59: {  	s7 =	sshra.s32 @!p0 s0, $0x2;
	s25 =	simm.s32 @!p0 $0xA800;
	[sflag:s21] =	ssyncset.done $0x0  }
0x5a: {  	s7 =	sadd.s32 @!p0 $0x280, s7;
	s13 =	simm.s32 @!p0 $0x80;
	[sflag:s21] =	ssyncadd.s32 $0xFFFFE000  }
0x5b: {  	[tilespmem:s25], [sflag:$0x2] =	stream.indirect.gather @!p0 [hbm4b:s4+s13], $0x40, s7, s13, $0xb8;
	[tilespmem:$0x1A800] =	vst v63  }
0x5c: {  	_ =	swait.ge [sflag:s30], $0x2000  }
0x5d: {  	[sflag:s30] =	ssyncset.done $0x0  }
0x5e: {  	s13 =	sadd.s32 $0x4500, s6;
	s25 =	sadd.s32 $0x3, s19;
	[sflag:s30] =	ssyncadd.s32 $0xFFFFE000  }
0x5f: {  	[spmem:s2] =	stream.indirect.scatter.add.f32 [tilespmem:s26], [sflag:$0x6], $0x40, s13, s23, $0xb8;
	[tilespmem:$0x1A800] =	vst v63  }
0x60: {  	p0 =	sge.u32 s25, s5;
	_ =	swait.ge [sflag:s21], $0x2000  }
0x61: {  	s7 =	sshra.s32 @!p0 s0, $0x2;
	s25 =	simm.s32 @!p0 $0xC800;
	[sflag:s21] =	ssyncset.done $0x0  }
0x62: {  	s7 =	sadd.s32 @!p0 $0x300, s7;
	s13 =	simm.s32 @!p0 $0x80;
	[sflag:s21] =	ssyncadd.s32 $0xFFFFE000  }
0x63: {  	[tilespmem:s25], [sflag:$0x3] =	stream.indirect.gather @!p0 [hbm4b:s4+s13], $0x40, s7, s13, $0xb8;
	[tilespmem:$0x1A800] =	vst v63  }
0x64: {  	_ =	swait.ge [sflag:s31], $0x2000  }
0x65: {  	[sflag:s31] =	ssyncset.done $0x0  }
0x66: {  	s6 =	sadd.s32 $0x4580, s6;
	s13 =	rddreg [dreg:$0x3];
	[sflag:s31] =	ssyncadd.s32 $0xFFFFE000  }
0x67: {  	[spmem:s2] =	stream.indirect.scatter.add.f32 [tilespmem:s13], [sflag:$0x6], $0x40, s6, s23, $0xb8;
	[tilespmem:$0x1A800] =	vst v63  }
0x68: {  	_ =	swait.ge [sflag:s21], $0x2000  }
0x69: {  	s0 =	sadd.s32 $0x800, s0;
	s25 =	rddreg [dreg:$0x4]  }
0x6a: {  	p0 =	sne.s32 s25, s0  }
.Ltmp1:
0x6b: {  	_ = 	snop;
	(pc) =	sbr.rel @p0 .LBB2_4-.Ltmp1, $3  }
0x6c: {  	_ =	sdelay $0x1  }
0x6d: {  	[sflag:s21] =	ssyncset.done $0x0  }
0x6e: {  	s19 =	sadd.s32 $0x4, s19;
	[sflag:s21] =	ssyncadd.s32 $0xFFFFE000  }
0x6f: {  	[bflag:$0x0] =	sbarrier.arrive $0xFFFF  }
0x70: {  	[tilespmem:s20], [sflag:$0x1] =	stream.linear.gather [spmem:s8], $0x2000, $0x38;
	[tilespmem:$0x1A800] =	vst v63  }
0x71: {  	_ =	swait.ge [sflag:s28], $0x2000  }
0x72: {  	[sflag:s28] =	ssyncset.done $0x0  }
0x73: {  	[sflag:s28] =	ssyncadd.s32 $0xFFFFE000  }
0x74: {  	[tilespmem:s24], [sflag:$0x2] =	stream.linear.gather [spmem:s9], $0x2000, $0x38;
	[tilespmem:$0x1A800] =	vst v63  }
0x75: {  	s0 =	rddreg [dreg:$0x7]  }
0x76: {  	[hbm4b:s0+s3] =	stream.linear.scatter [tilespmem:s20], [sflag:$0x6], $0x2000, $0x38;
	[tilespmem:$0x1A800] =	vst v63  }
0x77: {  	_ =	swait.ge [sflag:s21], $0x2000  }
0x78: {  	[sflag:s21] =	ssyncset.done $0x0  }
0x79: {  	[sflag:s21] =	ssyncadd.s32 $0xFFFFE000  }
0x7a: {  	_ =	swait.ge [sflag:s29], $0x2000  }
0x7b: {  	[sflag:s29] =	ssyncset.done $0x0  }
0x7c: {  	[sflag:s29] =	ssyncadd.s32 $0xFFFFE000  }
0x7d: {  	[tilespmem:s20], [sflag:$0x1] =	stream.linear.gather [spmem:s10], $0x2000, $0x38;
	[tilespmem:$0x1A800] =	vst v63  }
0x7e: {  	_ = 	snop  }
0x7f: {  	[hbm4b:s14+s3] =	stream.linear.scatter [tilespmem:s24], [sflag:$0x6], $0x2000, $0x38;
	[tilespmem:$0x1A800] =	vst v63  }
0x80: {  	_ =	swait.ge [sflag:s21], $0x2000  }
0x81: {  	[sflag:s21] =	ssyncset.done $0x0  }
0x82: {  	[sflag:s21] =	ssyncadd.s32 $0xFFFFE000  }
0x83: {  	_ =	swait.ge [sflag:s28], $0x2000  }
0x84: {  	[sflag:s28] =	ssyncset.done $0x0  }
0x85: {  	[sflag:s28] =	ssyncadd.s32 $0xFFFFE000  }
0x86: {  	[tilespmem:s24], [sflag:$0x2] =	stream.linear.gather [spmem:s11], $0x2000, $0x38;
	[tilespmem:$0x1A800] =	vst v63  }
0x87: {  	_ = 	snop  }
0x88: {  	[hbm4b:s15+s3] =	stream.linear.scatter [tilespmem:s20], [sflag:$0x6], $0x2000, $0x38;
	[tilespmem:$0x1A800] =	vst v63  }
0x89: {  	_ =	swait.ge [sflag:s21], $0x2000  }
0x8a: {  	[sflag:s21] =	ssyncset.done $0x0  }
0x8b: {  	[sflag:s21] =	ssyncadd.s32 $0xFFFFE000  }
0x8c: {  	_ =	swait.ge [sflag:s29], $0x2000  }
0x8d: {  	[sflag:s29] =	ssyncset.done $0x0  }
0x8e: {  	[sflag:s29] =	ssyncadd.s32 $0xFFFFE000  }
0x8f: {  	[tilespmem:s20], [sflag:$0x1] =	stream.linear.gather [spmem:s12], $0x2000, $0x38;
	[tilespmem:$0x1A800] =	vst v63  }
0x90: {  	_ = 	snop  }
0x91: {  	[hbm4b:s16+s3] =	stream.linear.scatter [tilespmem:s24], [sflag:$0x6], $0x2000, $0x38;
	[tilespmem:$0x1A800] =	vst v63  }
0x92: {  	_ =	swait.ge [sflag:s21], $0x2000  }
0x93: {  	[sflag:s21] =	ssyncset.done $0x0  }
0x94: {  	[sflag:s21] =	ssyncadd.s32 $0xFFFFE000  }
0x95: {  	s1 =	sadd.s32 $0x1, s1;
	_ =	swait.ge [sflag:s28], $0x2000  }
0x96: {  	p0 =	sne.s32 s1, s18;
	[sflag:s28] =	ssyncset.done $0x0  }
.Ltmp2:
0x97: {  	[sflag:s28] =	ssyncadd.s32 $0xFFFFE000;
	(pc) =	sbr.rel @p0 .LBB2_1-.Ltmp2, $4  }
0x98: {  	[hbm4b:s17+s3] =	stream.linear.scatter [tilespmem:s20], [sflag:$0x6], $0x2000, $0x38;
	[tilespmem:$0x1A800] =	vst v63  }
0x99: {  	_ =	swait.ge [sflag:s21], $0x2000  }
0x9a: {  	[sflag:s21] =	ssyncset.done $0x0  }
0x9b: {  	[sflag:s21] =	ssyncadd.s32 $0xFFFFE000  }
0x9c: {  	_ =	sfence.sel $0x180000  }
0x9d: {  	[bflag:$0x0] =	sbarrier.arrive $0xFFFF  }
0x9e: {  	_ =	strace $0x9000004A  }
0x9f: {  	s0 =	stileid.u32;
	[bflag:$0x2] =	sbarrier.arrive $0xFFFF  }
0xa0: {  	p0 =	sne.s32 s0, $0x0;
	s0 =	rddreg [dreg:$0x2]  }
0xa1: {  	s0 =	sadd.s32 @!p0 $0x100000, s0  }
0xa2: {  	[sflag:s0] =	ssyncadd.tile.s32 @!p0 $0x1;
	_ =	shalt  }
.Lfunc_end2:
_tile_overlayer_lowered:
.L_overlay_start_2:
0xa3: {  	(tag) =	ssettag $0x2  }
0xa4: {  	s0 =	rddreg [dreg:$0x0];
	s2 =	stileid.u32  }
0xa5: {  	s1 =	rddreg [dreg:$0x1];
	p0 =	sne.s32 s2, $0x0  }
0xa6: {  	s3 =	rddreg [dreg:$0x2];
	[bflag:$0x3] =	sbarrier.arrive $0xFFFF;
	s2 =	simm.s32 @!p0 $0x1C06  }
0xa7: {  	[timem:s3], [sflag:s2] =	dma.local @!p0 [hbm:s0], s1  }
0xa8: {  	s0 =	simm.s32 @!p0 $0x6  }
0xa9: {  	_ =	swait.ge @!p0 [sflag:s0], s1  }
0xaa: {  	s1 =	ssub.s32 @!p0 $0x0, s1;
	[sflag:s0] =	ssyncset.done @!p0 $0x0  }
0xab: {  	[sflag:s0] =	ssyncadd.s32 @!p0 s1  }
0xac: {  	[bflag:$0x3] =	sbarrier.arrive $0xFFFF  }
0xad: {  	_ =	shalt  }

// kernel: kernel.14.cloned.1.call-start
scs
__scs_entry_jumppad:
0x0: {  	(pc) =	sbr.rel $0x88, $3  }
0x1: {  	(tag) =	ssettag $0x0;
	lr =	simm.s32 $0x1  }
0x2: {  	[smem:$0x3F9B] =	sst lr;
	_ =	strace $0xD0000000  }
0x3: {  	_ = 	snop  }
0x4: {  	_ = 	snop  }
0x5: {  	_ = 	snop  }
0x6: {  	_ = 	snop  }
0x7: {  	_ = 	snop  }
__scs_overlays_trampoline_lowered:
0x8: {  	[smem:$0x3FAA] =	sst s0  }
0x9: {  	[smem:$0x3FAB] =	sst s1  }
0xa: {  	[smem:$0x3FAC] =	sst s2  }
0xb: {  	[smem:$0x3FAD] =	sst s3  }
0xc: {  	[smem:$0x3FAE] =	sst s4  }
0xd: {  	[smem:$0x3FAF] =	sst s5  }
0xe: {  	[smem:$0x3FB0] =	sst s6  }
0xf: {  	[smem:$0x3FB1] =	sst s7  }
0x10: {  	[smem:$0x3FB2] =	sst s8  }
0x11: {  	[smem:$0x3FB3] =	sst s9;
	s0 =	simm.s32 @!p0 $0x0  }
0x12: {  	s1 =	sld [smem:$0x3F99];
	s0 =	simm.s32 @p0 $0x1  }
0x13: {  	[smem:$0x3FB4] =	sst s0;
	s0 =	simm.s32 @!p1 $0x0  }
0x14: {  	s2 =	sld [smem:$0x3F98];
	s0 =	simm.s32 @p1 $0x1  }
0x15: {  	[smem:$0x3FB5] =	sst s0;
	s0 =	simm.s32 @!p2 $0x0  }
0x16: {  	s3 =	sld [smem:$0x3FDB];
	s0 =	simm.s32 @p2 $0x1  }
0x17: {  	s4 =	simm.s32 $0x1BF5;
	[smem:$0x3FB7] =	sst s0  }
0x18: {  	s0 =	sld [smem:$0x3F9A];
	_ =	swait.ge [sflag:s4], $0x0  }
0x19: {  	s7 =	sld [smem:$0x3F9B]  }
0x1a: {  	s8 =	sadd.s32 $0xFFFFE003, lr  }
0x1b: {  	s9 =	sadd.s32 $0xFFFFFEF7, lr;
	s5 =	simm.s32 $0xFFFFFFFF;
	p2 =	slt.u32 s8, $0xFFFFF086  }
0x1c: {  	p1 =	slt.u32 s9, $0xF7A;
	s5 =	simm.s32 @!p2 $0x0  }
0x1d: {  	s5 =	simm.s32 @p1 $0x1;
	p0 =	seq.s32 s7, s2  }
0x1e: {  	s7 =	smul.u32 @!p0 $0xF7A, s2;
	p2 =	seq.s32 @!p0 s5, $0x0  }
0x1f: {  	s9 =	smul.u32 $0xF7A, s1;
	s8 =	simm.s32 @!p0 $0x1BF5;
	p2 =	por !p2, p0  }
0x20: {  	[sflag:s8] =	ssyncset.s32 @!p0 $0xFFFFF086;
	s6 =	sadd.s32 @!p0 s3, s7;
	s7 =	simm.s32 @!p0 $0x108  }
0x21: {  	s3 =	sadd.s32 s3, s9;
	s6 =	sadd.s32 @!p0 $0x88, s6;
	s7 =	simm.s32 @p2 $0x1082  }
0x22: {  	[simem:s7], [sflag:s8] =	dma.local @!p0 [hbm:s6], $0xF7A  }
0x23: {  	s9 =	sor.u32 $0xD0000000, s2;
	s6 =	simm.s32 $0x108;
	_ =	swait.ge @!p0 [sflag:s8], $0x0  }
0x24: {  	s3 =	sadd.s32 $0x88, s3;
	s6 =	simm.s32 @!p1 $0x1082;
	[sflag:s4] =	ssyncset.s32 $0xFFFFF086  }
0x25: {  	[simem:s6], [sflag:s4] =	dma.local [hbm:s3], $0xF7A  }
0x26: {  	[smem:$0x3F9B] =	sst s1;
	(tag) =	ssettag s2;
	_ =	strace s9  }
0x27: {  	s1 =	sld [smem:$0x3FAB]  }
0x28: {  	s2 =	sld [smem:$0x3FAC]  }
0x29: {  	s4 =	sld [smem:$0x3FAE]  }
0x2a: {  	p0 =	seq.s32 s5, $0x0;
	s5 =	sld [smem:$0x3FAF]  }
0x2b: {  	s6 =	sld [smem:$0x3FB0]  }
0x2c: {  	s7 =	sld [smem:$0x3FB1]  }
0x2d: {  	s3 =	simm.s32 $0x108;
	s8 =	sld [smem:$0x3FB2]  }
0x2e: {  	s3 =	simm.s32 @!p0 $0x1082;
	s9 =	sld [smem:$0x3FB3]  }
0x2f: {  	lr =	sadd.s32 s0, s3;
	s0 =	sld [smem:$0x3FAA]  }
0x30: {  	s3 =	sld [smem:$0x3FAD]  }
0x31: {  	[smem:$0x3FB6] =	sst s10  }
0x32: {  	s10 =	sld [smem:$0x3FB4];
	_ =	sdelay $0x3  }
0x33: {  	p0 =	seq.s32 s10, $0x1;
	s10 =	sld [smem:$0x3FB6];
	_ =	sdelay $0x3  }
0x34: {  	[smem:$0x3FB6] =	sst s10  }
0x35: {  	s10 =	sld [smem:$0x3FB5];
	_ =	sdelay $0x3  }
0x36: {  	p1 =	seq.s32 s10, $0x1;
	s10 =	sld [smem:$0x3FB6];
	_ =	sdelay $0x3  }
0x37: {  	[smem:$0x3FB6] =	sst s10  }
0x38: {  	s10 =	sld [smem:$0x3FB7]  }
0x39: {  	_ = 	snop;
	(pc) =	sbr.ind lr, $3  }
0x3a: {  	_ = 	snop  }
0x3b: {  	_ = 	snop  }
0x3c: {  	p2 =	seq.s32 s10, $0x1;
	s10 =	sld [smem:$0x3FB6]  }
0x3d: {  	_ =	shalt  }
0x3e: {  	_ =	shalt  }
0x3f: {  	_ =	shalt  }
0x40: {  	_ =	shalt  }
0x41: {  	_ =	shalt  }
0x42: {  	_ =	shalt  }
0x43: {  	_ =	shalt  }
0x44: {  	_ =	shalt  }
0x45: {  	_ =	shalt  }
0x46: {  	_ =	shalt  }
0x47: {  	_ =	shalt  }
0x48: {  	_ =	shalt  }
0x49: {  	_ =	shalt  }
0x4a: {  	_ =	shalt  }
0x4b: {  	_ =	shalt  }
0x4c: {  	_ =	shalt  }
0x4d: {  	_ =	shalt  }
0x4e: {  	_ =	shalt  }
0x4f: {  	_ =	shalt  }
0x50: {  	_ =	shalt  }
0x51: {  	_ =	shalt  }
0x52: {  	_ =	shalt  }
0x53: {  	_ =	shalt  }
0x54: {  	_ =	shalt  }
0x55: {  	_ =	shalt  }
0x56: {  	_ =	shalt  }
0x57: {  	_ =	shalt  }
0x58: {  	_ =	shalt  }
0x59: {  	_ =	shalt  }
0x5a: {  	_ =	shalt  }
0x5b: {  	_ =	shalt  }
0x5c: {  	_ =	shalt  }
0x5d: {  	_ =	shalt  }
0x5e: {  	_ =	shalt  }
0x5f: {  	_ =	shalt  }
0x60: {  	_ =	shalt  }
0x61: {  	_ =	shalt  }
0x62: {  	_ =	shalt  }
0x63: {  	_ =	shalt  }
0x64: {  	_ =	shalt  }
0x65: {  	_ =	shalt  }
0x66: {  	_ =	shalt  }
0x67: {  	_ =	shalt  }
0x68: {  	_ =	shalt  }
0x69: {  	_ =	shalt  }
0x6a: {  	_ =	shalt  }
0x6b: {  	_ =	shalt  }
0x6c: {  	_ =	shalt  }
0x6d: {  	_ =	shalt  }
0x6e: {  	_ =	shalt  }
0x6f: {  	_ =	shalt  }
0x70: {  	_ =	shalt  }
0x71: {  	_ =	shalt  }
0x72: {  	_ =	shalt  }
0x73: {  	_ =	shalt  }
0x74: {  	_ =	shalt  }
0x75: {  	_ =	shalt  }
0x76: {  	_ =	shalt  }
0x77: {  	_ =	shalt  }
0x78: {  	_ =	shalt  }
0x79: {  	_ =	shalt  }
0x7a: {  	_ =	shalt  }
0x7b: {  	_ =	shalt  }
0x7c: {  	_ =	shalt  }
0x7d: {  	_ =	shalt  }
0x7e: {  	_ =	shalt  }
0x7f: {  	_ =	shalt  }
0x80: {  	_ =	shalt  }
0x81: {  	_ =	shalt  }
0x82: {  	_ =	shalt  }
0x83: {  	_ =	shalt  }
0x84: {  	_ =	shalt  }
0x85: {  	_ =	shalt  }
0x86: {  	_ =	shalt  }
0x87: {  	_ =	shalt  }
.Lfunc_end0:
.L_simem_size_0:
called_computation.2_lowered:
.L_overlay_start_0:
0x88: {  	s2 =	sld [smem:$0x3FD9]  }
0x89: {  	s3 =	sld [smem:$0x3FFE];
	_ =	sdelay $0x1  }
0x8a: {  	s1 =	srdreg.scid  }
0x8b: {  	s0 =	sand.u32 $0x1, s1  }
0x8c: {  	s16 =	sshll.u32 s0, $0xA;
	s2 =	sadd.s32 s3, s2  }
0x8d: {  	s2 =	sadd.s32 s2, s16  }
0x8e: {  	[smem:$0x3FC2] =	sst s2  }
0x8f: {  	_ = 	snop  }
0x90: {  	(tm) =	ssettm $0x1  }
0x91: {  	s17 =	sld [smem:$0x3FFB];
	_ =	sdelay $0x3  }
0x92: {  	_ =	strace s17  }
0x93: {  	s2 =	sld [smem:$0x3FFC];
	_ =	sdelay $0x3  }
0x94: {  	_ =	strace s2  }
0x95: {  	s2 =	sld [smem:$0x3FFD];
	_ =	sdelay $0x3  }
0x96: {  	_ =	strace s2  }
0x97: {  	_ =	strace $0x8FFFFFFF  }
0x98: {  	s18 =	sld [smem:$0x3FDB];
	_ =	sdelay $0x1  }
0x99: {  	s19 =	simm.s32 $_scs_section_size  }
0x9a: {  	s4 =	simm.s32 $_size__tile_overlayer_lowered;
	s5 =	simm.s32 $_tile_overlayer_lowered  }
0x9b: {  	s22 =	simm.s32 $0x1BFF;
	s21 =	sshll.u32 s5, $0x1;
	s2 =	sadd.s32 s19, s18  }
0x9c: {  	s6 =	simm.s32 $0x0;
	s20 =	sshll.u32 s4, $0x1;
	s4 =	sadd.s32 s21, s2  }
0x9d: {  	[timem:s6], [sflag:s22] =	dma.local [hbm:s4], s20  }
0x9e: {  	_ =	swait.ge [sflag:s22], s20  }
0x9f: {  	s3 =	ssub.s32 $0x0, s20;
	[sflag:s22] =	ssyncset.done $0x0  }
0xa0: {  	[sflag:s22] =	ssyncadd.s32 s3;
	_ =	sdelay $0x1  }
0xa1: {  	s23 =	simm.s32 $0x1B8B  }
0xa2: {  	_ =	swait.ge [sflag:s23], $0x1  }
0xa3: {  	[sflag:s23] =	ssyncset.done $0x0  }
0xa4: {  	s25 =	simm.s32 $0x1B8E;
	s24 =	sld [smem:$0x3FFE];
	[sflag:s23] =	ssyncadd.s32 $0xFFFFFFFF  }
0xa5: {  	s26 =	simm.s32 $execute0_lowered;
	[smem:$0x3FD2] =	sst s25  }
0xa6: {  	s4 =	sshll.u32 s26, $0x1;
	_ =	strace $0x8000004C;
	[dreg:$0x1] =	wrdreg $0xFFFFFFFF  }
0xa7: {  	s28 =	simm.s32 $_size_execute0_lowered;
	s2 =	sadd.s32 s2, s4;
	[dreg:$0x0] =	wrdreg $0x0  }
0xa8: {  	s4 =	sshll.u32 s28, $0x1;
	[dreg:$0x2] =	wrdreg s2  }
0xa9: {  	[dreg:$0x3] =	wrdreg s4  }
0xaa: {  	[dreg:$0x4] =	wrdreg $0xC0  }
0xab: {  	_ =	task [dreg:s6], $0x5FFFF  }
0xac: {  	[dreg:$0x1] =	wrdreg $0xFFFFFFFF  }
0xad: {  	[dreg:$0x0] =	wrdreg $0x60  }
0xae: {  	[dreg:$0x2] =	wrdreg s24  }
0xaf: {  	[dreg:$0x3] =	wrdreg $0x108000  }
0xb0: {  	[dreg:$0x4] =	wrdreg $0x9  }
0xb1: {  	_ =	task.clear_ibuf [dreg:s6], $0x5FFFF;
	_ =	strace $0x9000004C  }
0xb2: {  	s29 =	simm.s32 $0x9;
	_ =	strace $0x8000004E  }
0xb3: {  	_ =	swait.ge [sflag:s29], $0x1  }
0xb4: {  	[sflag:s29] =	ssyncadd.s32 $0xFFFFFFFF  }
0xb5: {  	_ =	strace $0x9000004E  }
0xb6: {  	_ =	sfence  }
0xb7: {  	s30 =	sld [smem:$0x0];
	_ =	sdelay $0x2  }
0xb8: {  	s31 =	sshll.u32 s1, $0xD;
	s1 =	sshrl.u32 s1, $0x2  }
0xb9: {  	s3 =	sand.u32 $0x4000, s31;
	s1 =	sadd.s32 s1, s30  }
0xba: {  	s0 =	sor.u32 s3, s0;
	s1 =	sshll.u32 s1, $0x11  }
0xbb: {  	s0 =	sor.u32 s1, s0  }
0xbc: {  	s0 =	sadd.s32 $0x8F2B, s0  }
0xbd: {  	[sflag:s0] =	ssyncadd.remote.s32 $0x1  }
0xbe: {  	_ =	sfence.sel $0xFFFF  }
0xbf: {  	[dreg:$0x0] =	wrdreg $0xFFFFFFFF;
	(pc) =	sbr.abs _section_cstart, $3  }
0xc0: {  	[dreg:$0x1] =	wrdreg $0xFFFFFFFF  }
0xc1: {  	_ =	task.clear_ibuf [dreg:s6], $0x2FFFF;
	_ =	strace $0x9FFFFFFF  }
0xc2: {  	(tm) =	ssettm $0x7FFFFFFF  }
0xc3: {  	_ =	shalt  }
tec
execute0_lowered:
.L_overlay_start_1:
0x0: {  	(tag) =	ssettag $0x1  }
0x1: {  	s0 =	rddreg [dreg:$0x0]  }
0x2: {  	s2 =	rddreg [dreg:$0x1]  }
0x3: {  	s8 =	stileid.u32;
	s1 =	srdreg.scid  }
0x4: {  	s3 =	simm.s32 $0x0;
	s20 =	simm.s32 $0x8800;
	s21 =	simm.s32 $0x6  }
0x5: {  	s26 =	simm.s32 $0xE800;
	s28 =	simm.s32 $0x1;
	s29 =	simm.s32 $0x2  }
0x6: {  	s30 =	simm.s32 $0x3;
	s31 =	simm.s32 $0x4;
	s4 =	smul.u32 $0x18, s8  }
0x7: {  	s1 =	sand.u32 $0x1, s1;
	s5 =	smul.u32 $0x88, s8;
	[smem:$0x7FF] =	sst s3  }
0x8: {  	s12 =	smul.u32 $0xA000, s8;
	p0 =	seq.s32 s1, $0x0;
	_ =	strace $0x8000004D  }
0x9: {  	s6 =	ssub.s32 $0x2, s1;
	s1 =	smul.u32 $0xA0000, s1;
	[dreg:$0x3] =	wrdreg s26  }
0xa: {  	s26 =	simm.s32 $0xC800;
	s4 =	sadd.s32 $0x880, s4;
	s22 =	sshrl.u32 s6, $0x1  }
0xb: {  	s8 =	sadd.s32 s12, s2;
	s13 =	sadd.s32 $0x2000, s12;
	s15 =	sadd.s32 $0x4000, s12  }
0xc: {  	s16 =	sadd.s32 $0x6000, s12;
	s17 =	sadd.s32 $0x8000, s12;
	s4 =	smov.u32 @p0 s5  }
0xd: {  	s18 =	ssub.s32 s6, s22;
	s6 =	simm.s32 $0x11000;
	s9 =	sadd.s32 s13, s2  }
0xe: {  	s10 =	sadd.s32 s15, s2;
	s11 =	sadd.s32 s16, s2;
	s14 =	sadd.s32 s12, s1  }
0xf: {  	s13 =	sadd.s32 s1, s13;
	s12 =	sadd.s32 s17, s2;
	s15 =	sadd.s32 s1, s15  }
0x10: {  	s16 =	sadd.s32 s1, s16;
	s1 =	sadd.s32 s1, s17;
	s22 =	simm.s32 $0x5  }
0x11: {  	s5 =	sshll.u32 s4, $0x4;
	s4 =	sadd.s32 $0x1C00, s0;
	s6 =	simm.s32 @!p0 $0x3000  }
0x12: {  	s14 =	sshrl.u32 s14, $0x3;
	s19 =	sshrl.u32 s13, $0x3;
	s15 =	sshrl.u32 s15, $0x3  }
0x13: {  	s16 =	sshrl.u32 s16, $0x3;
	s1 =	sshrl.u32 s1, $0x3;
	s18 =	smax.u32 s18, $0x1  }
0x14: {  	s7 =	sadd.s32 s5, s0;
	s0 =	sadd.s32 $0x52200, s0;
	s5 =	simm.s32 $0x88  }
0x15: {  	[dreg:$0x4] =	wrdreg s6;
	s5 =	simm.s32 @!p0 $0x18;
	s23 =	sadd.s32 $0x20600, s7  }
0x16: {  	s24 =	sadd.s32 $0x15C00, s7;
	s25 =	sadd.s32 s0, s14;
	s14 =	sadd.s32 s0, s19  }
0x17: {  	s15 =	sadd.s32 s0, s15;
	s16 =	sadd.s32 s0, s16;
	[dreg:$0x5] =	wrdreg s23  }
0x18: {  	s17 =	sadd.s32 s0, s1;
	s1 =	simm.s32 $0x0;
	[dreg:$0x6] =	wrdreg s24  }
0x19: {  	v0 =	vimm.f32 $0.0e+00;
	[dreg:$0x7] =	wrdreg s25;
	s23 =	simm.s32 $0x80;
	s24 =	simm.s32 $0xA800  }
.LBB2_1:
0x1a: {  	s0 =	rddreg [dreg:$0x5]  }
0x1b: {  	[tilespmem:s3], [sflag:$0x5] =	stream.linear.gather [hbm4b:s0+s3], $0x4400, $0x38;
	[tilespmem:$0x1A800] =	vst v63  }
0x1c: {  	s19 =	rddreg [dreg:$0x6];
	s6 =	simm.s32 $0x4400;
	s25 =	sand.u32 $0x7F00, s3  }
0x1d: {  	[tilespmem:s6], [sflag:$0x5] =	stream.linear.gather [hbm4b:s19+s3], $0x4400, $0x38;
	[tilespmem:$0x1A800] =	vst v63  }
0x1e: {  	s25 =	sshrl.u32 s25, $0x2;
	s19 =	sand.u32 $0x30, s3  }
0x1f: {  	s0 =	simm.s32 $0x40;
	s25 =	sor.u32 s19, s25;
	s19 =	simm.s32 $0x0  }
.LBB2_2:
0x20: {  	p0 =	sne.s32 s0, $0x7FC0  }
0x21: {  	[tilespmem:s25+$0x8800] =	vst v0;
	s19 =	sadd.s32 $0x10, s19;
	s25 =	smov.u32 s0;
	s0 =	sadd.s32 $0x40, s0  }
.Ltmp0:
0x22: {  	(pc) =	sbr.rel @p0 .LBB2_2-.Ltmp0, $4  }
0x23: {  	_ = 	snop  }
0x24: {  	s25 =	sand.u32 $0x7F00, s25  }
0x25: {  	s6 =	sand.u32 $0x30, s19;
	s25 =	sshrl.u32 s25, $0x2  }
0x26: {  	s25 =	sor.u32 s6, s25  }
0x27: {  	[tilespmem:s25+$0x8800] =	vst v0  }
0x28: {  	[spmem:s8] =	stream.linear.scatter [tilespmem:s20], [sflag:$0x6], $0x2000, $0x38;
	[tilespmem:$0x1A800] =	vst v63  }
0x29: {  	_ =	swait.ge [sflag:s21], $0x2000  }
0x2a: {  	[sflag:s21] =	ssyncset.done $0x0  }
0x2b: {  	[sflag:s21] =	ssyncadd.s32 $0xFFFFE000  }
0x2c: {  	[spmem:s9] =	stream.linear.scatter [tilespmem:s20], [sflag:$0x6], $0x2000, $0x38;
	[tilespmem:$0x1A800] =	vst v63  }
0x2d: {  	_ =	swait.ge [sflag:s21], $0x2000  }
0x2e: {  	[sflag:s21] =	ssyncset.done $0x0  }
0x2f: {  	[sflag:s21] =	ssyncadd.s32 $0xFFFFE000  }
0x30: {  	[spmem:s10] =	stream.linear.scatter [tilespmem:s20], [sflag:$0x6], $0x2000, $0x38;
	[tilespmem:$0x1A800] =	vst v63  }
0x31: {  	_ =	swait.ge [sflag:s21], $0x2000  }
0x32: {  	[sflag:s21] =	ssyncset.done $0x0  }
0x33: {  	[sflag:s21] =	ssyncadd.s32 $0xFFFFE000  }
0x34: {  	[spmem:s11] =	stream.linear.scatter [tilespmem:s20], [sflag:$0x6], $0x2000, $0x38;
	[tilespmem:$0x1A800] =	vst v63  }
0x35: {  	_ =	swait.ge [sflag:s21], $0x2000  }
0x36: {  	[sflag:s21] =	ssyncset.done $0x0  }
0x37: {  	[sflag:s21] =	ssyncadd.s32 $0xFFFFE000  }
0x38: {  	[spmem:s12] =	stream.linear.scatter [tilespmem:s20], [sflag:$0x6], $0x2000, $0x38;
	[tilespmem:$0x1A800] =	vst v63  }
0x39: {  	_ =	swait.ge [sflag:s21], $0x2000  }
0x3a: {  	[sflag:s21] =	ssyncset.done $0x0  }
0x3b: {  	[sflag:s21] =	ssyncadd.s32 $0xFFFFE000  }
0x3c: {  	_ =	swait.ge [sflag:s22], $0x4400  }
0x3d: {  	[sflag:s22] =	ssyncset.done $0x0  }
0x3e: {  	[sflag:s22] =	ssyncadd.s32 $0xFFFFBC00  }
0x3f: {  	_ =	swait.ge [sflag:s22], $0x4400  }
0x40: {  	[sflag:s22] =	ssyncset.done $0x0  }
0x41: {  	[sflag:s22] =	ssyncadd.s32 $0xFFFFBC00  }
0x42: {  	s0 =	simm.s32 $0x0;
	[bflag:$0x0] =	sbarrier.arrive $0xFFFF  }
0x43: {  	[tilespmem:s20], [sflag:$0x1] =	stream.indirect.gather [hbm4b:s4+s23], $0x40, s0, s23, $0xb8;
	[tilespmem:$0x1A800] =	vst v63  }
0x44: {  	_ = 	snop  }
0x45: {  	[tilespmem:s24], [sflag:$0x2] =	stream.indirect.gather [hbm4b:s4+s23], $0x40, s23, s23, $0xb8;
	[tilespmem:$0x1A800] =	vst v63  }
0x46: {  	s6 =	simm.s32 $0x100;
	s19 =	simm.s32 $0x3  }
0x47: {  	[tilespmem:s26], [sflag:$0x3] =	stream.indirect.gather [hbm4b:s4+s23], $0x40, s6, s23, $0xb8;
	[tilespmem:$0x1A800] =	vst v63  }
.LBB2_4:
0x48: {  	p0 =	sge.u32 s19, s5  }
0x49: {  	s6 =	sshra.s32 @!p0 s0, $0x2  }
0x4a: {  	s25 =	simm.s32 @!p0 $0x80;
	s7 =	simm.s32 @!p0 $0xE800;
	s6 =	sadd.s32 @!p0 $0x180, s6  }
0x4b: {  	[tilespmem:s7], [sflag:$0x4] =	stream.indirect.gather @!p0 [hbm4b:s4+s25], $0x40, s6, s25, $0xb8;
	[tilespmem:$0x1A800] =	vst v63  }
0x4c: {  	_ =	swait.ge [sflag:s28], $0x2000  }
0x4d: {  	s6 =	sshra.s32 s0, $0x2;
	[sflag:s28] =	ssyncset.done $0x0  }
0x4e: {  	s25 =	sadd.s32 $0x1, s19;
	s13 =	sadd.s32 $0x4400, s6;
	[sflag:s28] =	ssyncadd.s32 $0xFFFFE000  }
0x4f: {  	[spmem:s2] =	stream.indirect.scatter.add.f32 [tilespmem:s20], [sflag:$0x6], $0x40, s13, s23, $0xb8;
	[tilespmem:$0x1A800] =	vst v63  }
0x50: {  	p0 =	sge.u32 s25, s5;
	_ =	swait.ge [sflag:s21], $0x2000  }
0x51: {  	s7 =	sshra.s32 @!p0 s0, $0x2;
	s25 =	simm.s32 @!p0 $0x80;
	[sflag:s21] =	ssyncset.done $0x0  }
0x52: {  	s7 =	sadd.s32 @!p0 $0x200, s7;
	s13 =	simm.s32 @!p0 $0x8800;
	[sflag:s21] =	ssyncadd.s32 $0xFFFFE000  }
0x53: {  	[tilespmem:s13], [sflag:$0x1] =	stream.indirect.gather @!p0 [hbm4b:s4+s25], $0x40, s7, s25, $0xb8;
	[tilespmem:$0x1A800] =	vst v63  }
0x54: {  	_ =	swait.ge [sflag:s29], $0x2000  }
0x55: {  	[sflag:s29] =	ssyncset.done $0x0  }
0x56: {  	s13 =	sadd.s32 $0x4480, s6;
	s25 =	sadd.s32 $0x2, s19;
	[sflag:s29] =	ssyncadd.s32 $0xFFFFE000  }
0x57: {  	[spmem:s2] =	stream.indirect.scatter.add.f32 [tilespmem:s24], [sflag:$0x6], $0x40, s13, s23, $0xb8;
	[tilespmem:$0x1A800] =	vst v63  }
0x58: {  	p0 =	sge.u32 s25, s5;
	_ =	swait.ge [sflag:s21], $0x2000  }
0x59: {  	s7 =	sshra.s32 @!p0 s0, $0x2;
	s25 =	simm.s32 @!p0 $0xA800;
	[sflag:s21] =	ssyncset.done $0x0  }
0x5a: {  	s7 =	sadd.s32 @!p0 $0x280, s7;
	s13 =	simm.s32 @!p0 $0x80;
	[sflag:s21] =	ssyncadd.s32 $0xFFFFE000  }
0x5b: {  	[tilespmem:s25], [sflag:$0x2] =	stream.indirect.gather @!p0 [hbm4b:s4+s13], $0x40, s7, s13, $0xb8;
	[tilespmem:$0x1A800] =	vst v63  }
0x5c: {  	_ =	swait.ge [sflag:s30], $0x2000  }
0x5d: {  	[sflag:s30] =	ssyncset.done $0x0  }
0x5e: {  	s13 =	sadd.s32 $0x4500, s6;
	s25 =	sadd.s32 $0x3, s19;
	[sflag:s30] =	ssyncadd.s32 $0xFFFFE000  }
0x5f: {  	[spmem:s2] =	stream.indirect.scatter.add.f32 [tilespmem:s26], [sflag:$0x6], $0x40, s13, s23, $0xb8;
	[tilespmem:$0x1A800] =	vst v63  }
0x60: {  	p0 =	sge.u32 s25, s5;
	_ =	swait.ge [sflag:s21], $0x2000  }
0x61: {  	s7 =	sshra.s32 @!p0 s0, $0x2;
	s25 =	simm.s32 @!p0 $0xC800;
	[sflag:s21] =	ssyncset.done $0x0  }
0x62: {  	s7 =	sadd.s32 @!p0 $0x300, s7;
	s13 =	simm.s32 @!p0 $0x80;
	[sflag:s21] =	ssyncadd.s32 $0xFFFFE000  }
0x63: {  	[tilespmem:s25], [sflag:$0x3] =	stream.indirect.gather @!p0 [hbm4b:s4+s13], $0x40, s7, s13, $0xb8;
	[tilespmem:$0x1A800] =	vst v63  }
0x64: {  	_ =	swait.ge [sflag:s31], $0x2000  }
0x65: {  	[sflag:s31] =	ssyncset.done $0x0  }
0x66: {  	s6 =	sadd.s32 $0x4580, s6;
	s13 =	rddreg [dreg:$0x3];
	[sflag:s31] =	ssyncadd.s32 $0xFFFFE000  }
0x67: {  	[spmem:s2] =	stream.indirect.scatter.add.f32 [tilespmem:s13], [sflag:$0x6], $0x40, s6, s23, $0xb8;
	[tilespmem:$0x1A800] =	vst v63  }
0x68: {  	_ =	swait.ge [sflag:s21], $0x2000  }
0x69: {  	s0 =	sadd.s32 $0x800, s0;
	s25 =	rddreg [dreg:$0x4]  }
0x6a: {  	p0 =	sne.s32 s25, s0  }
.Ltmp1:
0x6b: {  	_ = 	snop;
	(pc) =	sbr.rel @p0 .LBB2_4-.Ltmp1, $3  }
0x6c: {  	_ =	sdelay $0x1  }
0x6d: {  	[sflag:s21] =	ssyncset.done $0x0  }
0x6e: {  	s19 =	sadd.s32 $0x4, s19;
	[sflag:s21] =	ssyncadd.s32 $0xFFFFE000  }
0x6f: {  	[bflag:$0x0] =	sbarrier.arrive $0xFFFF  }
0x70: {  	[tilespmem:s20], [sflag:$0x1] =	stream.linear.gather [spmem:s8], $0x2000, $0x38;
	[tilespmem:$0x1A800] =	vst v63  }
0x71: {  	_ =	swait.ge [sflag:s28], $0x2000  }
0x72: {  	[sflag:s28] =	ssyncset.done $0x0  }
0x73: {  	[sflag:s28] =	ssyncadd.s32 $0xFFFFE000  }
0x74: {  	[tilespmem:s24], [sflag:$0x2] =	stream.linear.gather [spmem:s9], $0x2000, $0x38;
	[tilespmem:$0x1A800] =	vst v63  }
0x75: {  	s0 =	rddreg [dreg:$0x7]  }
0x76: {  	[hbm4b:s0+s3] =	stream.linear.scatter [tilespmem:s20], [sflag:$0x6], $0x2000, $0x38;
	[tilespmem:$0x1A800] =	vst v63  }
0x77: {  	_ =	swait.ge [sflag:s21], $0x2000  }
0x78: {  	[sflag:s21] =	ssyncset.done $0x0  }
0x79: {  	[sflag:s21] =	ssyncadd.s32 $0xFFFFE000  }
0x7a: {  	_ =	swait.ge [sflag:s29], $0x2000  }
0x7b: {  	[sflag:s29] =	ssyncset.done $0x0  }
0x7c: {  	[sflag:s29] =	ssyncadd.s32 $0xFFFFE000  }
0x7d: {  	[tilespmem:s20], [sflag:$0x1] =	stream.linear.gather [spmem:s10], $0x2000, $0x38;
	[tilespmem:$0x1A800] =	vst v63  }
0x7e: {  	_ = 	snop  }
0x7f: {  	[hbm4b:s14+s3] =	stream.linear.scatter [tilespmem:s24], [sflag:$0x6], $0x2000, $0x38;
	[tilespmem:$0x1A800] =	vst v63  }
0x80: {  	_ =	swait.ge [sflag:s21], $0x2000  }
0x81: {  	[sflag:s21] =	ssyncset.done $0x0  }
0x82: {  	[sflag:s21] =	ssyncadd.s32 $0xFFFFE000  }
0x83: {  	_ =	swait.ge [sflag:s28], $0x2000  }
0x84: {  	[sflag:s28] =	ssyncset.done $0x0  }
0x85: {  	[sflag:s28] =	ssyncadd.s32 $0xFFFFE000  }
0x86: {  	[tilespmem:s24], [sflag:$0x2] =	stream.linear.gather [spmem:s11], $0x2000, $0x38;
	[tilespmem:$0x1A800] =	vst v63  }
0x87: {  	_ = 	snop  }
0x88: {  	[hbm4b:s15+s3] =	stream.linear.scatter [tilespmem:s20], [sflag:$0x6], $0x2000, $0x38;
	[tilespmem:$0x1A800] =	vst v63  }
0x89: {  	_ =	swait.ge [sflag:s21], $0x2000  }
0x8a: {  	[sflag:s21] =	ssyncset.done $0x0  }
0x8b: {  	[sflag:s21] =	ssyncadd.s32 $0xFFFFE000  }
0x8c: {  	_ =	swait.ge [sflag:s29], $0x2000  }
0x8d: {  	[sflag:s29] =	ssyncset.done $0x0  }
0x8e: {  	[sflag:s29] =	ssyncadd.s32 $0xFFFFE000  }
0x8f: {  	[tilespmem:s20], [sflag:$0x1] =	stream.linear.gather [spmem:s12], $0x2000, $0x38;
	[tilespmem:$0x1A800] =	vst v63  }
0x90: {  	_ = 	snop  }
0x91: {  	[hbm4b:s16+s3] =	stream.linear.scatter [tilespmem:s24], [sflag:$0x6], $0x2000, $0x38;
	[tilespmem:$0x1A800] =	vst v63  }
0x92: {  	_ =	swait.ge [sflag:s21], $0x2000  }
0x93: {  	[sflag:s21] =	ssyncset.done $0x0  }
0x94: {  	[sflag:s21] =	ssyncadd.s32 $0xFFFFE000  }
0x95: {  	s1 =	sadd.s32 $0x1, s1;
	_ =	swait.ge [sflag:s28], $0x2000  }
0x96: {  	p0 =	sne.s32 s1, s18;
	[sflag:s28] =	ssyncset.done $0x0  }
.Ltmp2:
0x97: {  	[sflag:s28] =	ssyncadd.s32 $0xFFFFE000;
	(pc) =	sbr.rel @p0 .LBB2_1-.Ltmp2, $4  }
0x98: {  	[hbm4b:s17+s3] =	stream.linear.scatter [tilespmem:s20], [sflag:$0x6], $0x2000, $0x38;
	[tilespmem:$0x1A800] =	vst v63  }
0x99: {  	_ =	swait.ge [sflag:s21], $0x2000  }
0x9a: {  	[sflag:s21] =	ssyncset.done $0x0  }
0x9b: {  	[sflag:s21] =	ssyncadd.s32 $0xFFFFE000  }
0x9c: {  	_ =	sfence.sel $0x180000  }
0x9d: {  	[bflag:$0x0] =	sbarrier.arrive $0xFFFF  }
0x9e: {  	_ =	strace $0x9000004D  }
0x9f: {  	s0 =	stileid.u32;
	[bflag:$0x2] =	sbarrier.arrive $0xFFFF  }
0xa0: {  	p0 =	sne.s32 s0, $0x0;
	s0 =	rddreg [dreg:$0x2]  }
0xa1: {  	s0 =	sadd.s32 @!p0 $0x100000, s0  }
0xa2: {  	[sflag:s0] =	ssyncadd.tile.s32 @!p0 $0x1;
	_ =	shalt  }
.Lfunc_end2:
_tile_overlayer_lowered:
.L_overlay_start_2:
0xa3: {  	(tag) =	ssettag $0x2  }
0xa4: {  	s0 =	rddreg [dreg:$0x0];
	s2 =	stileid.u32  }
0xa5: {  	s1 =	rddreg [dreg:$0x1];
	p0 =	sne.s32 s2, $0x0  }
0xa6: {  	s3 =	rddreg [dreg:$0x2];
	[bflag:$0x3] =	sbarrier.arrive $0xFFFF;
	s2 =	simm.s32 @!p0 $0x1C06  }
0xa7: {  	[timem:s3], [sflag:s2] =	dma.local @!p0 [hbm:s0], s1  }
0xa8: {  	s0 =	simm.s32 @!p0 $0x6  }
0xa9: {  	_ =	swait.ge @!p0 [sflag:s0], s1  }
0xaa: {  	s1 =	ssub.s32 @!p0 $0x0, s1;
	[sflag:s0] =	ssyncset.done @!p0 $0x0  }
0xab: {  	[sflag:s0] =	ssyncadd.s32 @!p0 s1  }
0xac: {  	[bflag:$0x3] =	sbarrier.arrive $0xFFFF  }
0xad: {  	_ =	shalt  }

// kernel: kernel.8.cloned.1.call-start
scs
__scs_entry_jumppad:
0x0: {  	(pc) =	sbr.rel $0x88, $3  }
0x1: {  	(tag) =	ssettag $0x0;
	lr =	simm.s32 $0x1  }
0x2: {  	[smem:$0x3F9B] =	sst lr;
	_ =	strace $0xD0000000  }
0x3: {  	_ = 	snop  }
0x4: {  	_ = 	snop  }
0x5: {  	_ = 	snop  }
0x6: {  	_ = 	snop  }
0x7: {  	_ = 	snop  }
__scs_overlays_trampoline_lowered:
0x8: {  	[smem:$0x3FAA] =	sst s0  }
0x9: {  	[smem:$0x3FAB] =	sst s1  }
0xa: {  	[smem:$0x3FAC] =	sst s2  }
0xb: {  	[smem:$0x3FAD] =	sst s3  }
0xc: {  	[smem:$0x3FAE] =	sst s4  }
0xd: {  	[smem:$0x3FAF] =	sst s5  }
0xe: {  	[smem:$0x3FB0] =	sst s6  }
0xf: {  	[smem:$0x3FB1] =	sst s7  }
0x10: {  	[smem:$0x3FB2] =	sst s8  }
0x11: {  	[smem:$0x3FB3] =	sst s9;
	s0 =	simm.s32 @!p0 $0x0  }
0x12: {  	s1 =	sld [smem:$0x3F99];
	s0 =	simm.s32 @p0 $0x1  }
0x13: {  	[smem:$0x3FB4] =	sst s0;
	s0 =	simm.s32 @!p1 $0x0  }
0x14: {  	s2 =	sld [smem:$0x3F98];
	s0 =	simm.s32 @p1 $0x1  }
0x15: {  	[smem:$0x3FB5] =	sst s0;
	s0 =	simm.s32 @!p2 $0x0  }
0x16: {  	s3 =	sld [smem:$0x3FDB];
	s0 =	simm.s32 @p2 $0x1  }
0x17: {  	s4 =	simm.s32 $0x1BF5;
	[smem:$0x3FB7] =	sst s0  }
0x18: {  	s0 =	sld [smem:$0x3F9A];
	_ =	swait.ge [sflag:s4], $0x0  }
0x19: {  	s7 =	sld [smem:$0x3F9B]  }
0x1a: {  	s8 =	sadd.s32 $0xFFFFE003, lr  }
0x1b: {  	s9 =	sadd.s32 $0xFFFFFEF7, lr;
	s5 =	simm.s32 $0xFFFFFFFF;
	p2 =	slt.u32 s8, $0xFFFFF086  }
0x1c: {  	p1 =	slt.u32 s9, $0xF7A;
	s5 =	simm.s32 @!p2 $0x0  }
0x1d: {  	s5 =	simm.s32 @p1 $0x1;
	p0 =	seq.s32 s7, s2  }
0x1e: {  	s7 =	smul.u32 @!p0 $0xF7A, s2;
	p2 =	seq.s32 @!p0 s5, $0x0  }
0x1f: {  	s9 =	smul.u32 $0xF7A, s1;
	s8 =	simm.s32 @!p0 $0x1BF5;
	p2 =	por !p2, p0  }
0x20: {  	[sflag:s8] =	ssyncset.s32 @!p0 $0xFFFFF086;
	s6 =	sadd.s32 @!p0 s3, s7;
	s7 =	simm.s32 @!p0 $0x108  }
0x21: {  	s3 =	sadd.s32 s3, s9;
	s6 =	sadd.s32 @!p0 $0x88, s6;
	s7 =	simm.s32 @p2 $0x1082  }
0x22: {  	[simem:s7], [sflag:s8] =	dma.local @!p0 [hbm:s6], $0xF7A  }
0x23: {  	s9 =	sor.u32 $0xD0000000, s2;
	s6 =	simm.s32 $0x108;
	_ =	swait.ge @!p0 [sflag:s8], $0x0  }
0x24: {  	s3 =	sadd.s32 $0x88, s3;
	s6 =	simm.s32 @!p1 $0x1082;
	[sflag:s4] =	ssyncset.s32 $0xFFFFF086  }
0x25: {  	[simem:s6], [sflag:s4] =	dma.local [hbm:s3], $0xF7A  }
0x26: {  	[smem:$0x3F9B] =	sst s1;
	(tag) =	ssettag s2;
	_ =	strace s9  }
0x27: {  	s1 =	sld [smem:$0x3FAB]  }
0x28: {  	s2 =	sld [smem:$0x3FAC]  }
0x29: {  	s4 =	sld [smem:$0x3FAE]  }
0x2a: {  	p0 =	seq.s32 s5, $0x0;
	s5 =	sld [smem:$0x3FAF]  }
0x2b: {  	s6 =	sld [smem:$0x3FB0]  }
0x2c: {  	s7 =	sld [smem:$0x3FB1]  }
0x2d: {  	s3 =	simm.s32 $0x108;
	s8 =	sld [smem:$0x3FB2]  }
0x2e: {  	s3 =	simm.s32 @!p0 $0x1082;
	s9 =	sld [smem:$0x3FB3]  }
0x2f: {  	lr =	sadd.s32 s0, s3;
	s0 =	sld [smem:$0x3FAA]  }
0x30: {  	s3 =	sld [smem:$0x3FAD]  }
0x31: {  	[smem:$0x3FB6] =	sst s10  }
0x32: {  	s10 =	sld [smem:$0x3FB4];
	_ =	sdelay $0x3  }
0x33: {  	p0 =	seq.s32 s10, $0x1;
	s10 =	sld [smem:$0x3FB6];
	_ =	sdelay $0x3  }
0x34: {  	[smem:$0x3FB6] =	sst s10  }
0x35: {  	s10 =	sld [smem:$0x3FB5];
	_ =	sdelay $0x3  }
0x36: {  	p1 =	seq.s32 s10, $0x1;
	s10 =	sld [smem:$0x3FB6];
	_ =	sdelay $0x3  }
0x37: {  	[smem:$0x3FB6] =	sst s10  }
0x38: {  	s10 =	sld [smem:$0x3FB7]  }
0x39: {  	_ = 	snop;
	(pc) =	sbr.ind lr, $3  }
0x3a: {  	_ = 	snop  }
0x3b: {  	_ = 	snop  }
0x3c: {  	p2 =	seq.s32 s10, $0x1;
	s10 =	sld [smem:$0x3FB6]  }
0x3d: {  	_ =	shalt  }
0x3e: {  	_ =	shalt  }
0x3f: {  	_ =	shalt  }
0x40: {  	_ =	shalt  }
0x41: {  	_ =	shalt  }
0x42: {  	_ =	shalt  }
0x43: {  	_ =	shalt  }
0x44: {  	_ =	shalt  }
0x45: {  	_ =	shalt  }
0x46: {  	_ =	shalt  }
0x47: {  	_ =	shalt  }
0x48: {  	_ =	shalt  }
0x49: {  	_ =	shalt  }
0x4a: {  	_ =	shalt  }
0x4b: {  	_ =	shalt  }
0x4c: {  	_ =	shalt  }
0x4d: {  	_ =	shalt  }
0x4e: {  	_ =	shalt  }
0x4f: {  	_ =	shalt  }
0x50: {  	_ =	shalt  }
0x51: {  	_ =	shalt  }
0x52: {  	_ =	shalt  }
0x53: {  	_ =	shalt  }
0x54: {  	_ =	shalt  }
0x55: {  	_ =	shalt  }
0x56: {  	_ =	shalt  }
0x57: {  	_ =	shalt  }
0x58: {  	_ =	shalt  }
0x59: {  	_ =	shalt  }
0x5a: {  	_ =	shalt  }
0x5b: {  	_ =	shalt  }
0x5c: {  	_ =	shalt  }
0x5d: {  	_ =	shalt  }
0x5e: {  	_ =	shalt  }
0x5f: {  	_ =	shalt  }
0x60: {  	_ =	shalt  }
0x61: {  	_ =	shalt  }
0x62: {  	_ =	shalt  }
0x63: {  	_ =	shalt  }
0x64: {  	_ =	shalt  }
0x65: {  	_ =	shalt  }
0x66: {  	_ =	shalt  }
0x67: {  	_ =	shalt  }
0x68: {  	_ =	shalt  }
0x69: {  	_ =	shalt  }
0x6a: {  	_ =	shalt  }
0x6b: {  	_ =	shalt  }
0x6c: {  	_ =	shalt  }
0x6d: {  	_ =	shalt  }
0x6e: {  	_ =	shalt  }
0x6f: {  	_ =	shalt  }
0x70: {  	_ =	shalt  }
0x71: {  	_ =	shalt  }
0x72: {  	_ =	shalt  }
0x73: {  	_ =	shalt  }
0x74: {  	_ =	shalt  }
0x75: {  	_ =	shalt  }
0x76: {  	_ =	shalt  }
0x77: {  	_ =	shalt  }
0x78: {  	_ =	shalt  }
0x79: {  	_ =	shalt  }
0x7a: {  	_ =	shalt  }
0x7b: {  	_ =	shalt  }
0x7c: {  	_ =	shalt  }
0x7d: {  	_ =	shalt  }
0x7e: {  	_ =	shalt  }
0x7f: {  	_ =	shalt  }
0x80: {  	_ =	shalt  }
0x81: {  	_ =	shalt  }
0x82: {  	_ =	shalt  }
0x83: {  	_ =	shalt  }
0x84: {  	_ =	shalt  }
0x85: {  	_ =	shalt  }
0x86: {  	_ =	shalt  }
0x87: {  	_ =	shalt  }
.Lfunc_end0:
.L_simem_size_0:
called_computation_lowered:
.L_overlay_start_0:
0x88: {  	s2 =	sld [smem:$0x3FD9]  }
0x89: {  	s3 =	sld [smem:$0x3FFE];
	_ =	sdelay $0x1  }
0x8a: {  	s1 =	srdreg.scid  }
0x8b: {  	s0 =	sand.u32 $0x1, s1  }
0x8c: {  	s16 =	sshll.u32 s0, $0xA;
	s2 =	sadd.s32 s3, s2  }
0x8d: {  	s2 =	sadd.s32 s2, s16  }
0x8e: {  	[smem:$0x3FC2] =	sst s2  }
0x8f: {  	_ = 	snop  }
0x90: {  	(tm) =	ssettm $0x1  }
0x91: {  	s17 =	sld [smem:$0x3FFB];
	_ =	sdelay $0x3  }
0x92: {  	_ =	strace s17  }
0x93: {  	s2 =	sld [smem:$0x3FFC];
	_ =	sdelay $0x3  }
0x94: {  	_ =	strace s2  }
0x95: {  	s2 =	sld [smem:$0x3FFD];
	_ =	sdelay $0x3  }
0x96: {  	_ =	strace s2  }
0x97: {  	_ =	strace $0x8FFFFFFF  }
0x98: {  	s18 =	sld [smem:$0x3FDB];
	_ =	sdelay $0x1  }
0x99: {  	s19 =	simm.s32 $_scs_section_size  }
0x9a: {  	s4 =	simm.s32 $_size__tile_overlayer_lowered;
	s5 =	simm.s32 $_tile_overlayer_lowered  }
0x9b: {  	s22 =	simm.s32 $0x1BFF;
	s21 =	sshll.u32 s5, $0x1;
	s2 =	sadd.s32 s19, s18  }
0x9c: {  	s6 =	simm.s32 $0x0;
	s20 =	sshll.u32 s4, $0x1;
	s4 =	sadd.s32 s21, s2  }
0x9d: {  	[timem:s6], [sflag:s22] =	dma.local [hbm:s4], s20  }
0x9e: {  	_ =	swait.ge [sflag:s22], s20  }
0x9f: {  	s3 =	ssub.s32 $0x0, s20;
	[sflag:s22] =	ssyncset.done $0x0  }
0xa0: {  	[sflag:s22] =	ssyncadd.s32 s3;
	_ =	sdelay $0x1  }
0xa1: {  	s23 =	simm.s32 $0x1B8B  }
0xa2: {  	_ =	swait.ge [sflag:s23], $0x1  }
0xa3: {  	[sflag:s23] =	ssyncset.done $0x0  }
0xa4: {  	s25 =	simm.s32 $0x1B8E;
	s24 =	sld [smem:$0x3FFE];
	[sflag:s23] =	ssyncadd.s32 $0xFFFFFFFF  }
0xa5: {  	s26 =	simm.s32 $execute0_lowered;
	[smem:$0x3FD2] =	sst s25  }
0xa6: {  	s4 =	sshll.u32 s26, $0x1;
	_ =	strace $0x80000046;
	[dreg:$0x1] =	wrdreg $0xFFFFFFFF  }
0xa7: {  	s28 =	simm.s32 $_size_execute0_lowered;
	s2 =	sadd.s32 s2, s4;
	[dreg:$0x0] =	wrdreg $0x0  }
0xa8: {  	s4 =	sshll.u32 s28, $0x1;
	[dreg:$0x2] =	wrdreg s2  }
0xa9: {  	[dreg:$0x3] =	wrdreg s4  }
0xaa: {  	[dreg:$0x4] =	wrdreg $0xC0  }
0xab: {  	_ =	task [dreg:s6], $0x5FFFF  }
0xac: {  	[dreg:$0x1] =	wrdreg $0xFFFFFFFF  }
0xad: {  	[dreg:$0x0] =	wrdreg $0x60  }
0xae: {  	[dreg:$0x2] =	wrdreg s24  }
0xaf: {  	[dreg:$0x3] =	wrdreg $0x9  }
0xb0: {  	_ =	task.clear_ibuf [dreg:s6], $0x4FFFF;
	_ =	strace $0x90000046  }
0xb1: {  	s29 =	simm.s32 $0x9;
	_ =	strace $0x80000048  }
0xb2: {  	_ =	swait.ge [sflag:s29], $0x1  }
0xb3: {  	[sflag:s29] =	ssyncadd.s32 $0xFFFFFFFF  }
0xb4: {  	_ =	strace $0x90000048  }
0xb5: {  	_ =	sfence  }
0xb6: {  	s30 =	sld [smem:$0x0];
	_ =	sdelay $0x2  }
0xb7: {  	s31 =	sshll.u32 s1, $0xD;
	s1 =	sshrl.u32 s1, $0x2  }
0xb8: {  	s3 =	sand.u32 $0x4000, s31;
	s1 =	sadd.s32 s1, s30  }
0xb9: {  	s0 =	sor.u32 s3, s0;
	s1 =	sshll.u32 s1, $0x11  }
0xba: {  	s0 =	sor.u32 s1, s0  }
0xbb: {  	s0 =	sadd.s32 $0x8F2B, s0  }
0xbc: {  	[sflag:s0] =	ssyncadd.remote.s32 $0x1  }
0xbd: {  	_ =	sfence.sel $0xFFFF  }
0xbe: {  	[dreg:$0x0] =	wrdreg $0xFFFFFFFF;
	(pc) =	sbr.abs _section_cstart, $3  }
0xbf: {  	[dreg:$0x1] =	wrdreg $0xFFFFFFFF  }
0xc0: {  	_ =	task.clear_ibuf [dreg:s6], $0x2FFFF;
	_ =	strace $0x9FFFFFFF  }
0xc1: {  	(tm) =	ssettm $0x7FFFFFFF  }
tec
execute0_lowered:
.L_overlay_start_1:
0x0: {  	(tag) =	ssettag $0x1  }
0x1: {  	s0 =	srdreg.scid  }
0x2: {  	s4 =	rddreg [dreg:$0x0];
	s3 =	sand.u32 $0x1, s0  }
0x3: {  	s1 =	stileid.u32;
	s7 =	simm.s32 $0x2800;
	s2 =	sshll.u32 s3, $0x4  }
0x4: {  	s0 =	rddreg [dreg:$0x1];
	s3 =	ssub.s32 $0x2, s3;
	s5 =	sor.u32 s1, s2  }
0x5: {  	s2 =	simm.s32 $0x0;
	s6 =	sshrl.u32 s3, $0x1;
	s5 =	smul.u32 $0x500, s5  }
0x6: {  	s8 =	simm.s32 $0x0;
	[smem:$0x7FF] =	sst s2;
	s31 =	ssub.s32 s3, s6  }
0x7: {  	s6 =	simm.s32 $0x1;
	_ =	strace $0x80000047;
	s4 =	sadd.s32 s5, s4  }
0x8: {  	v0 =	vimm.f32 $0.0e+00;
	v1 =	vimm.f32 $1.000000000e+00;
	s5 =	smax.u32 s31, $0x1;
	s3 =	sadd.s32 $0x1C00, s4;
	s4 =	sadd.s32 $0xBC00, s4  }
.LBB2_1:
0x9: {  	[tilespmem:s2], [sflag:$0x1] =	stream.linear.gather [hbm4b:s3+s2], $0x2800, $0x38;
	[tilespmem:$0x5000] =	vst v63  }
0xa: {  	_ =	swait.ge [sflag:s6], $0x2800  }
0xb: {  	[sflag:s6] =	ssyncset.done $0x0  }
0xc: {  	s9 =	simm.s32 $0x0;
	[sflag:s6] =	ssyncadd.s32 $0xFFFFD800  }
.LBB2_2:
0xd: {  	p0 =	sne.s32 s9, $0x9FC0  }
.Ltmp0:
0xe: {  	_ = 	snop;
	(pc) =	sbr.rel @p0 .LBB2_2-.Ltmp0, $3  }
0xf: {  	_ =	sdelay $0x1  }
0x10: {  	s10 =	sshra.s32 s9, $0x2  }
0x11: {  	s9 =	sadd.s32 $0x40, s9;
	[tilespmem:s10+$0x2800] =	vst v0  }
0x12: {  	s9 =	simm.s32 $0x0  }
0x13: {  	s10 =	sand.u32 $0xFE00, s9  }
0x14: {  	s9 =	sand.u32 $0x70, s9;
	s10 =	sshrl.u32 s10, $0x2  }
0x15: {  	s9 =	sor.u32 s9, s10  }
0x16: {  	v2 =	vld [tilespmem:s9+$0x0];
	_ =	sdelay $0x4  }
0x17: {  	s11 =	simm.s32 $0x40  }
0x18: {  	s11 =	sand.u32 $0xFE00, s11;
	s10 =	simm.s32 $0x80;
	s9 =	simm.s32 $0x10  }
.LBB2_4:
0x19: {  	p0 =	sne.s32 s10, $0x9FC0;
	s12 =	sand.u32 $0x70, s9;
	s11 =	sshrl.u32 s11, $0x2  }
0x1a: {  	s11 =	sor.u32 s12, s11;
	[tilespmem:v2+s7+$0x0] =	vst.idx.add.f32.msk $0xffff, v1  }
0x1b: {  	v2 =	vld [tilespmem:s11+$0x0];
	_ =	sdelay $0x1  }
.Ltmp1:
0x1c: {  	(pc) =	sbr.rel @p0 .LBB2_4-.Ltmp1, $2  }
0x1d: {  	_ =	sdelay $0x2  }
0x1e: {  	s9 =	sadd.s32 $0x10, s9;
	s11 =	sand.u32 $0xFE00, s10;
	s10 =	sadd.s32 $0x40, s10  }
0x1f: {  	_ =	sdelay $0x2  }
0x20: {  	s9 =	sand.u32 $0x70, s9;
	s10 =	sshrl.u32 s11, $0x2  }
0x21: {  	[tilespmem:v2+s7+$0x0] =	vst.idx.add.f32.msk $0xffff, v1;
	s9 =	sor.u32 s9, s10  }
0x22: {  	v2 =	vld [tilespmem:s9+$0x0];
	_ =	sdelay $0x5  }
0x23: {  	s8 =	sadd.s32 $0x1, s8  }
0x24: {  	p0 =	sne.s32 s8, s5  }
.Ltmp2:
0x25: {  	[tilespmem:v2+s7+$0x0] =	vst.idx.add.f32.msk $0xffff, v1;
	(pc) =	sbr.rel @p0 .LBB2_1-.Ltmp2, $4  }
0x26: {  	[hbm4b:s4+s2] =	stream.linear.scatter [tilespmem:s7], [sflag:$0x1], $0x2800, $0x38;
	[tilespmem:$0x5000] =	vst v63  }
0x27: {  	_ =	swait.ge [sflag:s6], $0x2800  }
0x28: {  	[sflag:s6] =	ssyncset.done $0x0  }
0x29: {  	[sflag:s6] =	ssyncadd.s32 $0xFFFFD800  }
0x2a: {  	_ =	sfence.sel $0x180000  }
0x2b: {  	[bflag:$0x0] =	sbarrier.arrive $0xFFFF  }
0x2c: {  	p0 =	sne.s32 s1, $0x0;
	_ =	strace $0x90000047  }
0x2d: {  	s0 =	sadd.s32 @!p0 $0x100000, s0;
	[bflag:$0x2] =	sbarrier.arrive $0xFFFF  }
0x2e: {  	[sflag:s0] =	ssyncadd.tile.s32 @!p0 $0x1;
	_ =	shalt  }
.Lfunc_end2:
_tile_overlayer_lowered:
.L_overlay_start_2:
0x2f: {  	(tag) =	ssettag $0x2  }
0x30: {  	s0 =	rddreg [dreg:$0x0];
	s2 =	stileid.u32  }
0x31: {  	s1 =	rddreg [dreg:$0x1];
	p0 =	sne.s32 s2, $0x0  }
0x32: {  	s3 =	rddreg [dreg:$0x2];
	[bflag:$0x3] =	sbarrier.arrive $0xFFFF;
	s2 =	simm.s32 @!p0 $0x1C01  }
0x33: {  	[timem:s3], [sflag:s2] =	dma.local @!p0 [hbm:s0], s1  }
0x34: {  	s0 =	simm.s32 @!p0 $0x1  }
0x35: {  	_ =	swait.ge @!p0 [sflag:s0], s1  }
0x36: {  	s1 =	ssub.s32 @!p0 $0x0, s1;
	[sflag:s0] =	ssyncset.done @!p0 $0x0  }
0x37: {  	[sflag:s0] =	ssyncadd.s32 @!p0 s1  }
0x38: {  	[bflag:$0x3] =	sbarrier.arrive $0xFFFF  }
0x39: {  	_ =	shalt  }

</sc_bundles>
